<compile_context>
chip_gen: v7x
topology: tpu7x:2x2x1
jax: 0.10.2.dev20260603
libtpu: 0.0.44.dev20260713+nightly
codegen_flags: <defaults>
</compile_context>

<pallas_src>
import functools

import jax
import jax.numpy as jnp
from jax import lax
from jax.experimental import pallas as pl
from jax.experimental.pallas import tpu as pltpu
from jax.experimental.pallas import tpu_sc as plsc

_CHUNK = 128


def _row_dma_gather(user_id, movie_title, user_table, movie_table):
    B = user_id.shape[0]
    D = user_table.shape[1]
    info = plsc.get_sparse_core_info()
    NC, NS = info.num_cores, info.num_subcores
    b_per_w = B // (NC * NS)
    n_chunks = b_per_w // _CHUNK
    mesh = plsc.VectorSubcoreMesh(core_axis_name="c", subcore_axis_name="s")

    @functools.partial(
        pl.kernel,
        mesh=mesh,
        out_type=(
            jax.ShapeDtypeStruct((B, D), jnp.float32),
            jax.ShapeDtypeStruct((B, D), jnp.float32),
        ),
        scratch_types=[
            pltpu.VMEM((b_per_w,), jnp.int32),
            pltpu.VMEM((b_per_w,), jnp.int32),
            pltpu.VMEM((_CHUNK, D), jnp.float32),
            pltpu.VMEM((_CHUNK, D), jnp.float32),
            pltpu.VMEM((_CHUNK, D), jnp.float32),
            pltpu.VMEM((_CHUNK, D), jnp.float32),
            pltpu.SemaphoreType.DMA,
            pltpu.SemaphoreType.DMA,
            pltpu.SemaphoreType.DMA,
            pltpu.SemaphoreType.DMA,
        ],
        compiler_params=pltpu.CompilerParams(use_tc_tiling_on_sc=True,
                                             needs_layout_passes=False),
    )
    def gather_kernel(uid_hbm, mid_hbm, ut_hbm, mt_hbm, ue_hbm, me_hbm,
                      uidx_v, midx_v, ubuf0, mbuf0, ubuf1, mbuf1,
                      semu0, semm0, semu1, semm1):
        wid = lax.axis_index("s") * NC + lax.axis_index("c")
        base = wid * b_per_w
        pltpu.sync_copy(uid_hbm.at[pl.ds(base, b_per_w)], uidx_v)
        pltpu.sync_copy(mid_hbm.at[pl.ds(base, b_per_w)], midx_v)

        def fire_chunk(c, ubuf, mbuf, sem_u, sem_m):
            def fire16(g, carry):
                uvec = uidx_v[pl.ds(c * _CHUNK + g * 16, 16)]
                mvec = midx_v[pl.ds(c * _CHUNK + g * 16, 16)]
                for k in range(16):
                    pltpu.async_copy(
                        ut_hbm.at[pl.ds(uvec[k], 1)],
                        ubuf.at[pl.ds(g * 16 + k, 1)], sem_u)
                    pltpu.async_copy(
                        mt_hbm.at[pl.ds(mvec[k], 1)],
                        mbuf.at[pl.ds(g * 16 + k, 1)], sem_m)
                return carry

            lax.fori_loop(0, _CHUNK // 16, fire16, 0)

        def drain_write_chunk(c, ubuf, mbuf, sem_u, sem_m):
            pltpu.make_async_copy(
                ut_hbm.at[pl.ds(0, _CHUNK)], ubuf, sem_u).wait()
            pltpu.make_async_copy(
                mt_hbm.at[pl.ds(0, _CHUNK)], mbuf, sem_m).wait()
            pltpu.sync_copy(ubuf,
                            ue_hbm.at[pl.ds(base + c * _CHUNK, _CHUNK)])
            pltpu.sync_copy(mbuf,
                            me_hbm.at[pl.ds(base + c * _CHUNK, _CHUNK)])

        fire_chunk(0, ubuf0, mbuf0, semu0, semm0)

        def pair_body(p, carry):
            c0 = 2 * p
            fire_chunk(c0 + 1, ubuf1, mbuf1, semu1, semm1)
            drain_write_chunk(c0, ubuf0, mbuf0, semu0, semm0)

            @pl.when(c0 + 2 < n_chunks)
            def _():
                fire_chunk(c0 + 2, ubuf0, mbuf0, semu0, semm0)

            drain_write_chunk(c0 + 1, ubuf1, mbuf1, semu1, semm1)
            return carry

        lax.fori_loop(0, n_chunks // 2, pair_body, 0)

    return gather_kernel(user_id, movie_title, user_table, movie_table)


def _mlp(ue, me, W1u, W1m, b1, W2, b2, W3, b3):
    B, D = ue.shape
    H1 = W1u.shape[1]
    H2 = W2.shape[1]
    bs = 4096

    def body(ue_ref, me_ref, w1u_ref, w1m_ref, b1_ref, w2_ref, b2_ref,
             w3_ref, b3_ref, out_ref):
        h = (jnp.dot(ue_ref[...], w1u_ref[...],
                     preferred_element_type=jnp.float32)
             + jnp.dot(me_ref[...], w1m_ref[...],
                       preferred_element_type=jnp.float32)
             + b1_ref[...])
        h = jnp.maximum(h, 0.0)
        h = jnp.maximum(
            jnp.dot(h, w2_ref[...], preferred_element_type=jnp.float32)
            + b2_ref[...], 0.0)
        out_ref[...] = (
            jnp.dot(h, w3_ref[...], preferred_element_type=jnp.float32)
            + b3_ref[...])

    return pl.pallas_call(
        body,
        grid=(B // bs,),
        in_specs=[
            pl.BlockSpec((bs, D), lambda i: (i, 0)),
            pl.BlockSpec((bs, D), lambda i: (i, 0)),
            pl.BlockSpec((D, H1), lambda i: (0, 0)),
            pl.BlockSpec((D, H1), lambda i: (0, 0)),
            pl.BlockSpec((1, H1), lambda i: (0, 0)),
            pl.BlockSpec((H1, H2), lambda i: (0, 0)),
            pl.BlockSpec((1, H2), lambda i: (0, 0)),
            pl.BlockSpec((H2, 1), lambda i: (0, 0)),
            pl.BlockSpec((1, 1), lambda i: (0, 0)),
        ],
        out_specs=pl.BlockSpec((bs, 1), lambda i: (i, 0)),
        out_shape=jax.ShapeDtypeStruct((B, 1), jnp.float32),
        compiler_params=pltpu.CompilerParams(
            dimension_semantics=("arbitrary",),
        ),
    )(ue, me, W1u, W1m, b1.reshape(1, -1), W2, b2.reshape(1, -1),
      W3, b3.reshape(1, -1))


def kernel(user_id, movie_title, user_table, movie_table,
           W1, b1, W2, b2, W3, b3):
    D = user_table.shape[1]
    ue, me = _row_dma_gather(user_id, movie_title, user_table, movie_table)
    return _mlp(ue, me, W1[:D], W1[D:], b1, W2, b2, W3, b3)

# --- scband reference (transcript-rebuilt; emitter-appended) ---
"""Pipeline reference for scband-ranking-model-70506183131440 (READ-ONLY COPY).

The authoritative reference and input builder live on the scoring server;
editing this copy changes nothing except your own understanding.
"""

import jax, jax.numpy as jnp
import numpy as np

B = 16384
USER_VOCAB = 1000001
MOVIE_VOCAB = 100001
D = 64


def setup_inputs(seed: int = 0) -> dict:
    key = jax.random.key(seed)
    ks = jax.random.split(key, 12)
    user_id = jax.random.randint(ks[0], (B,), 0, USER_VOCAB, dtype=jnp.int64 if jax.config.jax_enable_x64 else jnp.int32).astype(jnp.int32)
    movie_title = jax.random.randint(ks[1], (B,), 0, MOVIE_VOCAB, dtype=jnp.int32)
    user_table = jax.random.normal(ks[2], (USER_VOCAB, D), dtype=jnp.float32) * 0.05
    movie_table = jax.random.normal(ks[3], (MOVIE_VOCAB, D), dtype=jnp.float32) * 0.05
    W1 = jax.random.normal(ks[4], (2 * D, 256), dtype=jnp.float32) * 0.05
    b1 = jnp.zeros((256,), dtype=jnp.float32)
    W2 = jax.random.normal(ks[5], (256, 64), dtype=jnp.float32) * 0.05
    b2 = jnp.zeros((64,), dtype=jnp.float32)
    W3 = jax.random.normal(ks[6], (64, 1), dtype=jnp.float32) * 0.05
    b3 = jnp.zeros((1,), dtype=jnp.float32)
    return {
        "user_id": user_id,
        "movie_title": movie_title,
        "user_table": user_table,
        "movie_table": movie_table,
        "W1": W1, "b1": b1,
        "W2": W2, "b2": b2,
        "W3": W3, "b3": b3,
    }


def reference(user_id, movie_title, user_table, movie_table, W1, b1, W2, b2, W3, b3):
    # Embedding lookups (StringLookup replaced by pre-computed integer ids)
    user_embedding = jnp.take(user_table, user_id, axis=0)    # [B, D]
    movie_embedding = jnp.take(movie_table, movie_title, axis=0)  # [B, D]
    h = jnp.concatenate([user_embedding, movie_embedding], axis=1)  # [B, 2D]
    h = jax.nn.relu(h @ W1 + b1)
    h = jax.nn.relu(h @ W2 + b2)
    out = h @ W3 + b3  # [B, 1]
    return out

if __name__ == "__main__":
    import jax
    _d = setup_inputs()
    print(jax.jit(kernel)(*tuple(_d.values())))

</pallas_src>

<mosaic_0001>
#map = affine_map<(d0, d1) -> (0)>
#map1 = affine_map<(d0, d1) -> (0, 0)>
module attributes {stable_mosaic.version = 14 : i64} {
  func.func @gather_kernel(%arg0: i32, %arg1: i32, %arg2: memref<16384xi32, #tpu.memory_space<hbm>>, %arg3: memref<16384xi32, #tpu.memory_space<hbm>>, %arg4: memref<1000001x64xf32, #tpu.memory_space<hbm>>, %arg5: memref<100001x64xf32, #tpu.memory_space<hbm>>, %arg6: memref<16384x64xf32, #tpu.memory_space<hbm>>, %arg7: memref<16384x64xf32, #tpu.memory_space<hbm>>, %arg8: memref<512xi32, #tpu.memory_space<vmem>>, %arg9: memref<512xi32, #tpu.memory_space<vmem>>, %arg10: memref<128x64xf32, #tpu.memory_space<vmem>>, %arg11: memref<128x64xf32, #tpu.memory_space<vmem>>, %arg12: memref<128x64xf32, #tpu.memory_space<vmem>>, %arg13: memref<128x64xf32, #tpu.memory_space<vmem>>, %arg14: memref<!tpu.dma_semaphore, #tpu.memory_space<semaphore_mem>>, %arg15: memref<!tpu.dma_semaphore, #tpu.memory_space<semaphore_mem>>, %arg16: memref<!tpu.dma_semaphore, #tpu.memory_space<semaphore_mem>>, %arg17: memref<!tpu.dma_semaphore, #tpu.memory_space<semaphore_mem>>) attributes {dimension_semantics = [#tpu.dimension_semantics<core_parallel>, #tpu.dimension_semantics<subcore_parallel>], iteration_bounds = array<i64: 2, 16>, scalar_prefetch = 0 : i64, scratch_operands = 10 : i64, tpu.core_type = #tpu.core_type<sc_vector_subcore>, window_params = [{transform_indices = #map}, {transform_indices = #map}, {transform_indices = #map1}, {transform_indices = #map1}, {transform_indices = #map1}, {transform_indices = #map1}]} {
    %mul3A = arith.constant 2 : i32
    %mul3A_0 = arith.muli %arg1, %mul3A : i32
    %add3A = arith.addi %mul3A_0, %arg0 : i32
    %mul3A_1 = arith.constant 512 : i32
    %mul3A_2 = arith.muli %add3A, %mul3A_1 : i32
    "tpu.region"() ({
      %run_scoped3A = tpu.sem_alloc : memref<!tpu.dma_semaphore, #tpu.memory_space<semaphore_mem>>
      %dma_start3A = tpu.memref_slice %arg2[%mul3A_2] : memref<16384xi32, #tpu.memory_space<hbm>> -> memref<512xi32, #tpu.memory_space<hbm>>
      %dma_start3A_14 = tpu.memref_slice %arg2[%mul3A_2] : memref<16384xi32, #tpu.memory_space<hbm>> -> memref<512xi32, #tpu.memory_space<hbm>>
      tpu.enqueue_dma source(%dma_start3A_14 : memref<512xi32, #tpu.memory_space<hbm>>) target(%arg8 : memref<512xi32, #tpu.memory_space<vmem>>) target_semaphore(%run_scoped3A : memref<!tpu.dma_semaphore, #tpu.memory_space<semaphore_mem>>)
      %dma_wait3A = tpu.memref_slice %arg2[%mul3A_2] : memref<16384xi32, #tpu.memory_space<hbm>> -> memref<512xi32, #tpu.memory_space<hbm>>
      %dma_wait3A_15 = tpu.memref_slice %arg2[%mul3A_2] : memref<16384xi32, #tpu.memory_space<hbm>> -> memref<512xi32, #tpu.memory_space<hbm>>
      tpu.wait_dma2 semaphore(%run_scoped3A : memref<!tpu.dma_semaphore, #tpu.memory_space<semaphore_mem>>) src(%dma_wait3A_15 : memref<512xi32, #tpu.memory_space<hbm>>) dst(%arg8 : memref<512xi32, #tpu.memory_space<vmem>>)
      tpu.yield
    }) : () -> ()
    "tpu.region"() ({
      %run_scoped3A = tpu.sem_alloc : memref<!tpu.dma_semaphore, #tpu.memory_space<semaphore_mem>>
      %dma_start3A = tpu.memref_slice %arg3[%mul3A_2] : memref<16384xi32, #tpu.memory_space<hbm>> -> memref<512xi32, #tpu.memory_space<hbm>>
      %dma_start3A_14 = tpu.memref_slice %arg3[%mul3A_2] : memref<16384xi32, #tpu.memory_space<hbm>> -> memref<512xi32, #tpu.memory_space<hbm>>
      tpu.enqueue_dma source(%dma_start3A_14 : memref<512xi32, #tpu.memory_space<hbm>>) target(%arg9 : memref<512xi32, #tpu.memory_space<vmem>>) target_semaphore(%run_scoped3A : memref<!tpu.dma_semaphore, #tpu.memory_space<semaphore_mem>>)
      %dma_wait3A = tpu.memref_slice %arg3[%mul3A_2] : memref<16384xi32, #tpu.memory_space<hbm>> -> memref<512xi32, #tpu.memory_space<hbm>>
      %dma_wait3A_15 = tpu.memref_slice %arg3[%mul3A_2] : memref<16384xi32, #tpu.memory_space<hbm>> -> memref<512xi32, #tpu.memory_space<hbm>>
      tpu.wait_dma2 semaphore(%run_scoped3A : memref<!tpu.dma_semaphore, #tpu.memory_space<semaphore_mem>>) src(%dma_wait3A_15 : memref<512xi32, #tpu.memory_space<hbm>>) dst(%arg9 : memref<512xi32, #tpu.memory_space<vmem>>)
      tpu.yield
    }) : () -> ()
    %scan3A = arith.constant 0 : i32
    %scan3A_3 = arith.constant 0 : i32
    %scan3A_4 = arith.constant 8 : i32
    %scan3A_5 = arith.addi %scan3A_3, %scan3A_4 : i32
    %scan3A_6 = arith.constant 1 : i32
    scf.for %scan3A_14 = %scan3A_3 to %scan3A_5 step %scan3A_6  : i32 {
      %mul3A_15 = arith.constant 16 : i32
      %mul3A_16 = arith.muli %scan3A_14, %mul3A_15 : i32
      %add3A_17 = arith.constant 0 : i32
      %add3A_18 = arith.addi %add3A_17, %mul3A_16 : i32
      %get3A = arith.index_cast %add3A_18 : i32 to index
      %get3A_19 = tpu.vector_load %arg8[%get3A] {strides = array<i32>} : memref<512xi32, #tpu.memory_space<vmem>>, vector<16xi32>,
      %mul3A_20 = arith.constant 16 : i32
      %mul3A_21 = arith.muli %scan3A_14, %mul3A_20 : i32
      %add3A_22 = arith.constant 0 : i32
      %add3A_23 = arith.addi %add3A_22, %mul3A_21 : i32
      %get3A_24 = arith.index_cast %add3A_23 : i32 to index
      %get3A_25 = tpu.vector_load %arg9[%get3A_24] {strides = array<i32>} : memref<512xi32, #tpu.memory_space<vmem>>, vector<16xi32>,
      %slice3A = vector.extract_strided_slice %get3A_19 {offsets = [0], sizes = [1], strides = [1]} : vector<16xi32> to vector<1xi32>
      %squeeze3A = vector.extract %slice3A[0] : i32 from vector<1xi32>
      %mul3A_26 = arith.constant 16 : i32
      %mul3A_27 = arith.muli %scan3A_14, %mul3A_26 : i32
      %add3A_28 = arith.constant 0 : i32
      %add3A_29 = arith.addi %mul3A_27, %add3A_28 : i32
      %dma_start3A = arith.constant 0 : i32
      %dma_start3A_30 = tpu.memref_slice %arg10[%add3A_29, %dma_start3A] : memref<128x64xf32, #tpu.memory_space<vmem>> -> memref<1x64xf32, #tpu.memory_space<vmem>>
      %dma_start3A_31 = arith.constant 0 : i32
      %dma_start3A_32 = tpu.memref_slice %arg4[%squeeze3A, %dma_start3A_31] : memref<1000001x64xf32, #tpu.memory_space<hbm>> -> memref<1x64xf32, #tpu.memory_space<hbm>>
      %dma_start3A_33 = arith.constant 0 : i32
      %dma_start3A_34 = tpu.memref_slice %arg10[%add3A_29, %dma_start3A_33] : memref<128x64xf32, #tpu.memory_space<vmem>> -> memref<1x64xf32, #tpu.memory_space<vmem>>
      %dma_start3A_35 = arith.constant 0 : i32
      %dma_start3A_36 = tpu.memref_slice %arg4[%squeeze3A, %dma_start3A_35] : memref<1000001x64xf32, #tpu.memory_space<hbm>> -> memref<1x64xf32, #tpu.memory_space<hbm>>
      tpu.enqueue_dma source(%dma_start3A_36 : memref<1x64xf32, #tpu.memory_space<hbm>>) target(%dma_start3A_34 : memref<1x64xf32, #tpu.memory_space<vmem>>) target_semaphore(%arg14 : memref<!tpu.dma_semaphore, #tpu.memory_space<semaphore_mem>>)
      %slice3A_37 = vector.extract_strided_slice %get3A_25 {offsets = [0], sizes = [1], strides = [1]} : vector<16xi32> to vector<1xi32>
      %squeeze3A_38 = vector.extract %slice3A_37[0] : i32 from vector<1xi32>
      %mul3A_39 = arith.constant 16 : i32
      %mul3A_40 = arith.muli %scan3A_14, %mul3A_39 : i32
      %add3A_41 = arith.constant 0 : i32
      %add3A_42 = arith.addi %mul3A_40, %add3A_41 : i32
      %dma_start3A_43 = arith.constant 0 : i32
      %dma_start3A_44 = tpu.memref_slice %arg11[%add3A_42, %dma_start3A_43] : memref<128x64xf32, #tpu.memory_space<vmem>> -> memref<1x64xf32, #tpu.memory_space<vmem>>
      %dma_start3A_45 = arith.constant 0 : i32
      %dma_start3A_46 = tpu.memref_slice %arg5[%squeeze3A_38, %dma_start3A_45] : memref<100001x64xf32, #tpu.memory_space<hbm>> -> memref<1x64xf32, #tpu.memory_space<hbm>>
      %dma_start3A_47 = arith.constant 0 : i32
      %dma_start3A_48 = tpu.memref_slice %arg11[%add3A_42, %dma_start3A_47] : memref<128x64xf32, #tpu.memory_space<vmem>> -> memref<1x64xf32, #tpu.memory_space<vmem>>
      %dma_start3A_49 = arith.constant 0 : i32
      %dma_start3A_50 = tpu.memref_slice %arg5[%squeeze3A_38, %dma_start3A_49] : memref<100001x64xf32, #tpu.memory_space<hbm>> -> memref<1x64xf32, #tpu.memory_space<hbm>>
      tpu.enqueue_dma source(%dma_start3A_50 : memref<1x64xf32, #tpu.memory_space<hbm>>) target(%dma_start3A_48 : memref<1x64xf32, #tpu.memory_space<vmem>>) target_semaphore(%arg15 : memref<!tpu.dma_semaphore, #tpu.memory_space<semaphore_mem>>)
      %slice3A_51 = vector.extract_strided_slice %get3A_19 {offsets = [1], sizes = [1], strides = [1]} : vector<16xi32> to vector<1xi32>
      %squeeze3A_52 = vector.extract %slice3A_51[0] : i32 from vector<1xi32>
      %mul3A_53 = arith.constant 16 : i32
      %mul3A_54 = arith.muli %scan3A_14, %mul3A_53 : i32
      %add3A_55 = arith.constant 1 : i32
      %add3A_56 = arith.addi %mul3A_54, %add3A_55 : i32
      %dma_start3A_57 = arith.constant 0 : i32
      %dma_start3A_58 = tpu.memref_slice %arg10[%add3A_56, %dma_start3A_57] : memref<128x64xf32, #tpu.memory_space<vmem>> -> memref<1x64xf32, #tpu.memory_space<vmem>>
      %dma_start3A_59 = arith.constant 0 : i32
      %dma_start3A_60 = tpu.memref_slice %arg4[%squeeze3A_52, %dma_start3A_59] : memref<1000001x64xf32, #tpu.memory_space<hbm>> -> memref<1x64xf32, #tpu.memory_space<hbm>>
      %dma_start3A_61 = arith.constant 0 : i32
      %dma_start3A_62 = tpu.memref_slice %arg10[%add3A_56, %dma_start3A_61] : memref<128x64xf32, #tpu.memory_space<vmem>> -> memref<1x64xf32, #tpu.memory_space<vmem>>
      %dma_start3A_63 = arith.constant 0 : i32
      %dma_start3A_64 = tpu.memref_slice %arg4[%squeeze3A_52, %dma_start3A_63] : memref<1000001x64xf32, #tpu.memory_space<hbm>> -> memref<1x64xf32, #tpu.memory_space<hbm>>
      tpu.enqueue_dma source(%dma_start3A_64 : memref<1x64xf32, #tpu.memory_space<hbm>>) target(%dma_start3A_62 : memref<1x64xf32, #tpu.memory_space<vmem>>) target_semaphore(%arg14 : memref<!tpu.dma_semaphore, #tpu.memory_space<semaphore_mem>>)
      %slice3A_65 = vector.extract_strided_slice %get3A_25 {offsets = [1], sizes = [1], strides = [1]} : vector<16xi32> to vector<1xi32>
      %squeeze3A_66 = vector.extract %slice3A_65[0] : i32 from vector<1xi32>
      %mul3A_67 = arith.constant 16 : i32
      %mul3A_68 = arith.muli %scan3A_14, %mul3A_67 : i32
      %add3A_69 = arith.constant 1 : i32
      %add3A_70 = arith.addi %mul3A_68, %add3A_69 : i32
      %dma_start3A_71 = arith.constant 0 : i32
      %dma_start3A_72 = tpu.memref_slice %arg11[%add3A_70, %dma_start3A_71] : memref<128x64xf32, #tpu.memory_space<vmem>> -> memref<1x64xf32, #tpu.memory_space<vmem>>
      %dma_start3A_73 = arith.constant 0 : i32
      %dma_start3A_74 = tpu.memref_slice %arg5[%squeeze3A_66, %dma_start3A_73] : memref<100001x64xf32, #tpu.memory_space<hbm>> -> memref<1x64xf32, #tpu.memory_space<hbm>>
      %dma_start3A_75 = arith.constant 0 : i32
      %dma_start3A_76 = tpu.memref_slice %arg11[%add3A_70, %dma_start3A_75] : memref<128x64xf32, #tpu.memory_space<vmem>> -> memref<1x64xf32, #tpu.memory_space<vmem>>
      %dma_start3A_77 = arith.constant 0 : i32
      %dma_start3A_78 = tpu.memref_slice %arg5[%squeeze3A_66, %dma_start3A_77] : memref<100001x64xf32, #tpu.memory_space<hbm>> -> memref<1x64xf32, #tpu.memory_space<hbm>>
      tpu.enqueue_dma source(%dma_start3A_78 : memref<1x64xf32, #tpu.memory_space<hbm>>) target(%dma_start3A_76 : memref<1x64xf32, #tpu.memory_space<vmem>>) target_semaphore(%arg15 : memref<!tpu.dma_semaphore, #tpu.memory_space<semaphore_mem>>)
      %slice3A_79 = vector.extract_strided_slice %get3A_19 {offsets = [2], sizes = [1], strides = [1]} : vector<16xi32> to vector<1xi32>
      %squeeze3A_80 = vector.extract %slice3A_79[0] : i32 from vector<1xi32>
      %mul3A_81 = arith.constant 16 : i32
      %mul3A_82 = arith.muli %scan3A_14, %mul3A_81 : i32
      %add3A_83 = arith.constant 2 : i32
      %add3A_84 = arith.addi %mul3A_82, %add3A_83 : i32
      %dma_start3A_85 = arith.constant 0 : i32
      %dma_start3A_86 = tpu.memref_slice %arg10[%add3A_84, %dma_start3A_85] : memref<128x64xf32, #tpu.memory_space<vmem>> -> memref<1x64xf32, #tpu.memory_space<vmem>>
      %dma_start3A_87 = arith.constant 0 : i32
      %dma_start3A_88 = tpu.memref_slice %arg4[%squeeze3A_80, %dma_start3A_87] : memref<1000001x64xf32, #tpu.memory_space<hbm>> -> memref<1x64xf32, #tpu.memory_space<hbm>>
      %dma_start3A_89 = arith.constant 0 : i32
      %dma_start3A_90 = tpu.memref_slice %arg10[%add3A_84, %dma_start3A_89] : memref<128x64xf32, #tpu.memory_space<vmem>> -> memref<1x64xf32, #tpu.memory_space<vmem>>
      %dma_start3A_91 = arith.constant 0 : i32
      %dma_start3A_92 = tpu.memref_slice %arg4[%squeeze3A_80, %dma_start3A_91] : memref<1000001x64xf32, #tpu.memory_space<hbm>> -> memref<1x64xf32, #tpu.memory_space<hbm>>
      tpu.enqueue_dma source(%dma_start3A_92 : memref<1x64xf32, #tpu.memory_space<hbm>>) target(%dma_start3A_90 : memref<1x64xf32, #tpu.memory_space<vmem>>) target_semaphore(%arg14 : memref<!tpu.dma_semaphore, #tpu.memory_space<semaphore_mem>>)
      %slice3A_93 = vector.extract_strided_slice %get3A_25 {offsets = [2], sizes = [1], strides = [1]} : vector<16xi32> to vector<1xi32>
      %squeeze3A_94 = vector.extract %slice3A_93[0] : i32 from vector<1xi32>
      %mul3A_95 = arith.constant 16 : i32
      %mul3A_96 = arith.muli %scan3A_14, %mul3A_95 : i32
      %add3A_97 = arith.constant 2 : i32
      %add3A_98 = arith.addi %mul3A_96, %add3A_97 : i32
      %dma_start3A_99 = arith.constant 0 : i32
      %dma_start3A_100 = tpu.memref_slice %arg11[%add3A_98, %dma_start3A_99] : memref<128x64xf32, #tpu.memory_space<vmem>> -> memref<1x64xf32, #tpu.memory_space<vmem>>
      %dma_start3A_101 = arith.constant 0 : i32
      %dma_start3A_102 = tpu.memref_slice %arg5[%squeeze3A_94, %dma_start3A_101] : memref<100001x64xf32, #tpu.memory_space<hbm>> -> memref<1x64xf32, #tpu.memory_space<hbm>>
      %dma_start3A_103 = arith.constant 0 : i32
      %dma_start3A_104 = tpu.memref_slice %arg11[%add3A_98, %dma_start3A_103] : memref<128x64xf32, #tpu.memory_space<vmem>> -> memref<1x64xf32, #tpu.memory_space<vmem>>
      %dma_start3A_105 = arith.constant 0 : i32
      %dma_start3A_106 = tpu.memref_slice %arg5[%squeeze3A_94, %dma_start3A_105] : memref<100001x64xf32, #tpu.memory_space<hbm>> -> memref<1x64xf32, #tpu.memory_space<hbm>>
      tpu.enqueue_dma source(%dma_start3A_106 : memref<1x64xf32, #tpu.memory_space<hbm>>) target(%dma_start3A_104 : memref<1x64xf32, #tpu.memory_space<vmem>>) target_semaphore(%arg15 : memref<!tpu.dma_semaphore, #tpu.memory_space<semaphore_mem>>)
      %slice3A_107 = vector.extract_strided_slice %get3A_19 {offsets = [3], sizes = [1], strides = [1]} : vector<16xi32> to vector<1xi32>
      %squeeze3A_108 = vector.extract %slice3A_107[0] : i32 from vector<1xi32>
      %mul3A_109 = arith.constant 16 : i32
      %mul3A_110 = arith.muli %scan3A_14, %mul3A_109 : i32
      %add3A_111 = arith.constant 3 : i32
      %add3A_112 = arith.addi %mul3A_110, %add3A_111 : i32
      %dma_start3A_113 = arith.constant 0 : i32
      %dma_start3A_114 = tpu.memref_slice %arg10[%add3A_112, %dma_start3A_113] : memref<128x64xf32, #tpu.memory_space<vmem>> -> memref<1x64xf32, #tpu.memory_space<vmem>>
      %dma_start3A_115 = arith.constant 0 : i32
      %dma_start3A_116 = tpu.memref_slice %arg4[%squeeze3A_108, %dma_start3A_115] : memref<1000001x64xf32, #tpu.memory_space<hbm>> -> memref<1x64xf32, #tpu.memory_space<hbm>>
      %dma_start3A_117 = arith.constant 0 : i32
      %dma_start3A_118 = tpu.memref_slice %arg10[%add3A_112, %dma_start3A_117] : memref<128x64xf32, #tpu.memory_space<vmem>> -> memref<1x64xf32, #tpu.memory_space<vmem>>
      %dma_start3A_119 = arith.constant 0 : i32
      %dma_start3A_120 = tpu.memref_slice %arg4[%squeeze3A_108, %dma_start3A_119] : memref<1000001x64xf32, #tpu.memory_space<hbm>> -> memref<1x64xf32, #tpu.memory_space<hbm>>
      tpu.enqueue_dma source(%dma_start3A_120 : memref<1x64xf32, #tpu.memory_space<hbm>>) target(%dma_start3A_118 : memref<1x64xf32, #tpu.memory_space<vmem>>) target_semaphore(%arg14 : memref<!tpu.dma_semaphore, #tpu.memory_space<semaphore_mem>>)
      %slice3A_121 = vector.extract_strided_slice %get3A_25 {offsets = [3], sizes = [1], strides = [1]} : vector<16xi32> to vector<1xi32>
      %squeeze3A_122 = vector.extract %slice3A_121[0] : i32 from vector<1xi32>
      %mul3A_123 = arith.constant 16 : i32
      %mul3A_124 = arith.muli %scan3A_14, %mul3A_123 : i32
      %add3A_125 = arith.constant 3 : i32
      %add3A_126 = arith.addi %mul3A_124, %add3A_125 : i32
      %dma_start3A_127 = arith.constant 0 : i32
      %dma_start3A_128 = tpu.memref_slice %arg11[%add3A_126, %dma_start3A_127] : memref<128x64xf32, #tpu.memory_space<vmem>> -> memref<1x64xf32, #tpu.memory_space<vmem>>
      %dma_start3A_129 = arith.constant 0 : i32
      %dma_start3A_130 = tpu.memref_slice %arg5[%squeeze3A_122, %dma_start3A_129] : memref<100001x64xf32, #tpu.memory_space<hbm>> -> memref<1x64xf32, #tpu.memory_space<hbm>>
      %dma_start3A_131 = arith.constant 0 : i32
      %dma_start3A_132 = tpu.memref_slice %arg11[%add3A_126, %dma_start3A_131] : memref<128x64xf32, #tpu.memory_space<vmem>> -> memref<1x64xf32, #tpu.memory_space<vmem>>
      %dma_start3A_133 = arith.constant 0 : i32
      %dma_start3A_134 = tpu.memref_slice %arg5[%squeeze3A_122, %dma_start3A_133] : memref<100001x64xf32, #tpu.memory_space<hbm>> -> memref<1x64xf32, #tpu.memory_space<hbm>>
      tpu.enqueue_dma source(%dma_start3A_134 : memref<1x64xf32, #tpu.memory_space<hbm>>) target(%dma_start3A_132 : memref<1x64xf32, #tpu.memory_space<vmem>>) target_semaphore(%arg15 : memref<!tpu.dma_semaphore, #tpu.memory_space<semaphore_mem>>)
      %slice3A_135 = vector.extract_strided_slice %get3A_19 {offsets = [4], sizes = [1], strides = [1]} : vector<16xi32> to vector<1xi32>
      %squeeze3A_136 = vector.extract %slice3A_135[0] : i32 from vector<1xi32>
      %mul3A_137 = arith.constant 16 : i32
      %mul3A_138 = arith.muli %scan3A_14, %mul3A_137 : i32
      %add3A_139 = arith.constant 4 : i32
      %add3A_140 = arith.addi %mul3A_138, %add3A_139 : i32
      %dma_start3A_141 = arith.constant 0 : i32
      %dma_start3A_142 = tpu.memref_slice %arg10[%add3A_140, %dma_start3A_141] : memref<128x64xf32, #tpu.memory_space<vmem>> -> memref<1x64xf32, #tpu.memory_space<vmem>>
      %dma_start3A_143 = arith.constant 0 : i32
      %dma_start3A_144 = tpu.memref_slice %arg4[%squeeze3A_136, %dma_start3A_143] : memref<1000001x64xf32, #tpu.memory_space<hbm>> -> memref<1x64xf32, #tpu.memory_space<hbm>>
      %dma_start3A_145 = arith.constant 0 : i32
      %dma_start3A_146 = tpu.memref_slice %arg10[%add3A_140, %dma_start3A_145] : memref<128x64xf32, #tpu.memory_space<vmem>> -> memref<1x64xf32, #tpu.memory_space<vmem>>
      %dma_start3A_147 = arith.constant 0 : i32
      %dma_start3A_148 = tpu.memref_slice %arg4[%squeeze3A_136, %dma_start3A_147] : memref<1000001x64xf32, #tpu.memory_space<hbm>> -> memref<1x64xf32, #tpu.memory_space<hbm>>
      tpu.enqueue_dma source(%dma_start3A_148 : memref<1x64xf32, #tpu.memory_space<hbm>>) target(%dma_start3A_146 : memref<1x64xf32, #tpu.memory_space<vmem>>) target_semaphore(%arg14 : memref<!tpu.dma_semaphore, #tpu.memory_space<semaphore_mem>>)
      %slice3A_149 = vector.extract_strided_slice %get3A_25 {offsets = [4], sizes = [1], strides = [1]} : vector<16xi32> to vector<1xi32>
      %squeeze3A_150 = vector.extract %slice3A_149[0] : i32 from vector<1xi32>
      %mul3A_151 = arith.constant 16 : i32
      %mul3A_152 = arith.muli %scan3A_14, %mul3A_151 : i32
      %add3A_153 = arith.constant 4 : i32
      %add3A_154 = arith.addi %mul3A_152, %add3A_153 : i32
      %dma_start3A_155 = arith.constant 0 : i32
      %dma_start3A_156 = tpu.memref_slice %arg11[%add3A_154, %dma_start3A_155] : memref<128x64xf32, #tpu.memory_space<vmem>> -> memref<1x64xf32, #tpu.memory_space<vmem>>
      %dma_start3A_157 = arith.constant 0 : i32
      %dma_start3A_158 = tpu.memref_slice %arg5[%squeeze3A_150, %dma_start3A_157] : memref<100001x64xf32, #tpu.memory_space<hbm>> -> memref<1x64xf32, #tpu.memory_space<hbm>>
      %dma_start3A_159 = arith.constant 0 : i32
      %dma_start3A_160 = tpu.memref_slice %arg11[%add3A_154, %dma_start3A_159] : memref<128x64xf32, #tpu.memory_space<vmem>> -> memref<1x64xf32, #tpu.memory_space<vmem>>
      %dma_start3A_161 = arith.constant 0 : i32
      %dma_start3A_162 = tpu.memref_slice %arg5[%squeeze3A_150, %dma_start3A_161] : memref<100001x64xf32, #tpu.memory_space<hbm>> -> memref<1x64xf32, #tpu.memory_space<hbm>>
      tpu.enqueue_dma source(%dma_start3A_162 : memref<1x64xf32, #tpu.memory_space<hbm>>) target(%dma_start3A_160 : memref<1x64xf32, #tpu.memory_space<vmem>>) target_semaphore(%arg15 : memref<!tpu.dma_semaphore, #tpu.memory_space<semaphore_mem>>)
      %slice3A_163 = vector.extract_strided_slice %get3A_19 {offsets = [5], sizes = [1], strides = [1]} : vector<16xi32> to vector<1xi32>
      %squeeze3A_164 = vector.extract %slice3A_163[0] : i32 from vector<1xi32>
      %mul3A_165 = arith.constant 16 : i32
      %mul3A_166 = arith.muli %scan3A_14, %mul3A_165 : i32
      %add3A_167 = arith.constant 5 : i32
      %add3A_168 = arith.addi %mul3A_166, %add3A_167 : i32
      %dma_start3A_169 = arith.constant 0 : i32
      %dma_start3A_170 = tpu.memref_slice %arg10[%add3A_168, %dma_start3A_169] : memref<128x64xf32, #tpu.memory_space<vmem>> -> memref<1x64xf32, #tpu.memory_space<vmem>>
      %dma_start3A_171 = arith.constant 0 : i32
      %dma_start3A_172 = tpu.memref_slice %arg4[%squeeze3A_164, %dma_start3A_171] : memref<1000001x64xf32, #tpu.memory_space<hbm>> -> memref<1x64xf32, #tpu.memory_space<hbm>>
      %dma_start3A_173 = arith.constant 0 : i32
      %dma_start3A_174 = tpu.memref_slice %arg10[%add3A_168, %dma_start3A_173] : memref<128x64xf32, #tpu.memory_space<vmem>> -> memref<1x64xf32, #tpu.memory_space<vmem>>
      %dma_start3A_175 = arith.constant 0 : i32
      %dma_start3A_176 = tpu.memref_slice %arg4[%squeeze3A_164, %dma_start3A_175] : memref<1000001x64xf32, #tpu.memory_space<hbm>> -> memref<1x64xf32, #tpu.memory_space<hbm>>
      tpu.enqueue_dma source(%dma_start3A_176 : memref<1x64xf32, #tpu.memory_space<hbm>>) target(%dma_start3A_174 : memref<1x64xf32, #tpu.memory_space<vmem>>) target_semaphore(%arg14 : memref<!tpu.dma_semaphore, #tpu.memory_space<semaphore_mem>>)
      %slice3A_177 = vector.extract_strided_slice %get3A_25 {offsets = [5], sizes = [1], strides = [1]} : vector<16xi32> to vector<1xi32>
      %squeeze3A_178 = vector.extract %slice3A_177[0] : i32 from vector<1xi32>
      %mul3A_179 = arith.constant 16 : i32
      %mul3A_180 = arith.muli %scan3A_14, %mul3A_179 : i32
      %add3A_181 = arith.constant 5 : i32
      %add3A_182 = arith.addi %mul3A_180, %add3A_181 : i32
      %dma_start3A_183 = arith.constant 0 : i32
      %dma_start3A_184 = tpu.memref_slice %arg11[%add3A_182, %dma_start3A_183] : memref<128x64xf32, #tpu.memory_space<vmem>> -> memref<1x64xf32, #tpu.memory_space<vmem>>
      %dma_start3A_185 = arith.constant 0 : i32
      %dma_start3A_186 = tpu.memref_slice %arg5[%squeeze3A_178, %dma_start3A_185] : memref<100001x64xf32, #tpu.memory_space<hbm>> -> memref<1x64xf32, #tpu.memory_space<hbm>>
      %dma_start3A_187 = arith.constant 0 : i32
      %dma_start3A_188 = tpu.memref_slice %arg11[%add3A_182, %dma_start3A_187] : memref<128x64xf32, #tpu.memory_space<vmem>> -> memref<1x64xf32, #tpu.memory_space<vmem>>
      %dma_start3A_189 = arith.constant 0 : i32
      %dma_start3A_190 = tpu.memref_slice %arg5[%squeeze3A_178, %dma_start3A_189] : memref<100001x64xf32, #tpu.memory_space<hbm>> -> memref<1x64xf32, #tpu.memory_space<hbm>>
      tpu.enqueue_dma source(%dma_start3A_190 : memref<1x64xf32, #tpu.memory_space<hbm>>) target(%dma_start3A_188 : memref<1x64xf32, #tpu.memory_space<vmem>>) target_semaphore(%arg15 : memref<!tpu.dma_semaphore, #tpu.memory_space<semaphore_mem>>)
      %slice3A_191 = vector.extract_strided_slice %get3A_19 {offsets = [6], sizes = [1], strides = [1]} : vector<16xi32> to vector<1xi32>
      %squeeze3A_192 = vector.extract %slice3A_191[0] : i32 from vector<1xi32>
      %mul3A_193 = arith.constant 16 : i32
      %mul3A_194 = arith.muli %scan3A_14, %mul3A_193 : i32
      %add3A_195 = arith.constant 6 : i32
      %add3A_196 = arith.addi %mul3A_194, %add3A_195 : i32
      %dma_start3A_197 = arith.constant 0 : i32
      %dma_start3A_198 = tpu.memref_slice %arg10[%add3A_196, %dma_start3A_197] : memref<128x64xf32, #tpu.memory_space<vmem>> -> memref<1x64xf32, #tpu.memory_space<vmem>>
      %dma_start3A_199 = arith.constant 0 : i32
      %dma_start3A_200 = tpu.memref_slice %arg4[%squeeze3A_192, %dma_start3A_199] : memref<1000001x64xf32, #tpu.memory_space<hbm>> -> memref<1x64xf32, #tpu.memory_space<hbm>>
      %dma_start3A_201 = arith.constant 0 : i32
      %dma_start3A_202 = tpu.memref_slice %arg10[%add3A_196, %dma_start3A_201] : memref<128x64xf32, #tpu.memory_space<vmem>> -> memref<1x64xf32, #tpu.memory_space<vmem>>
      %dma_start3A_203 = arith.constant 0 : i32
      %dma_start3A_204 = tpu.memref_slice %arg4[%squeeze3A_192, %dma_start3A_203] : memref<1000001x64xf32, #tpu.memory_space<hbm>> -> memref<1x64xf32, #tpu.memory_space<hbm>>
      tpu.enqueue_dma source(%dma_start3A_204 : memref<1x64xf32, #tpu.memory_space<hbm>>) target(%dma_start3A_202 : memref<1x64xf32, #tpu.memory_space<vmem>>) target_semaphore(%arg14 : memref<!tpu.dma_semaphore, #tpu.memory_space<semaphore_mem>>)
      %slice3A_205 = vector.extract_strided_slice %get3A_25 {offsets = [6], sizes = [1], strides = [1]} : vector<16xi32> to vector<1xi32>
      %squeeze3A_206 = vector.extract %slice3A_205[0] : i32 from vector<1xi32>
      %mul3A_207 = arith.constant 16 : i32
      %mul3A_208 = arith.muli %scan3A_14, %mul3A_207 : i32
      %add3A_209 = arith.constant 6 : i32
      %add3A_210 = arith.addi %mul3A_208, %add3A_209 : i32
      %dma_start3A_211 = arith.constant 0 : i32
      %dma_start3A_212 = tpu.memref_slice %arg11[%add3A_210, %dma_start3A_211] : memref<128x64xf32, #tpu.memory_space<vmem>> -> memref<1x64xf32, #tpu.memory_space<vmem>>
      %dma_start3A_213 = arith.constant 0 : i32
      %dma_start3A_214 = tpu.memref_slice %arg5[%squeeze3A_206, %dma_start3A_213] : memref<100001x64xf32, #tpu.memory_space<hbm>> -> memref<1x64xf32, #tpu.memory_space<hbm>>
      %dma_start3A_215 = arith.constant 0 : i32
      %dma_start3A_216 = tpu.memref_slice %arg11[%add3A_210, %dma_start3A_215] : memref<128x64xf32, #tpu.memory_space<vmem>> -> memref<1x64xf32, #tpu.memory_space<vmem>>
      %dma_start3A_217 = arith.constant 0 : i32
      %dma_start3A_218 = tpu.memref_slice %arg5[%squeeze3A_206, %dma_start3A_217] : memref<100001x64xf32, #tpu.memory_space<hbm>> -> memref<1x64xf32, #tpu.memory_space<hbm>>
      tpu.enqueue_dma source(%dma_start3A_218 : memref<1x64xf32, #tpu.memory_space<hbm>>) target(%dma_start3A_216 : memref<1x64xf32, #tpu.memory_space<vmem>>) target_semaphore(%arg15 : memref<!tpu.dma_semaphore, #tpu.memory_space<semaphore_mem>>)
      %slice3A_219 = vector.extract_strided_slice %get3A_19 {offsets = [7], sizes = [1], strides = [1]} : vector<16xi32> to vector<1xi32>
      %squeeze3A_220 = vector.extract %slice3A_219[0] : i32 from vector<1xi32>
      %mul3A_221 = arith.constant 16 : i32
      %mul3A_222 = arith.muli %scan3A_14, %mul3A_221 : i32
      %add3A_223 = arith.constant 7 : i32
      %add3A_224 = arith.addi %mul3A_222, %add3A_223 : i32
      %dma_start3A_225 = arith.constant 0 : i32
      %dma_start3A_226 = tpu.memref_slice %arg10[%add3A_224, %dma_start3A_225] : memref<128x64xf32, #tpu.memory_space<vmem>> -> memref<1x64xf32, #tpu.memory_space<vmem>>
      %dma_start3A_227 = arith.constant 0 : i32
      %dma_start3A_228 = tpu.memref_slice %arg4[%squeeze3A_220, %dma_start3A_227] : memref<1000001x64xf32, #tpu.memory_space<hbm>> -> memref<1x64xf32, #tpu.memory_space<hbm>>
      %dma_start3A_229 = arith.constant 0 : i32
      %dma_start3A_230 = tpu.memref_slice %arg10[%add3A_224, %dma_start3A_229] : memref<128x64xf32, #tpu.memory_space<vmem>> -> memref<1x64xf32, #tpu.memory_space<vmem>>
      %dma_start3A_231 = arith.constant 0 : i32
      %dma_start3A_232 = tpu.memref_slice %arg4[%squeeze3A_220, %dma_start3A_231] : memref<1000001x64xf32, #tpu.memory_space<hbm>> -> memref<1x64xf32, #tpu.memory_space<hbm>>
      tpu.enqueue_dma source(%dma_start3A_232 : memref<1x64xf32, #tpu.memory_space<hbm>>) target(%dma_start3A_230 : memref<1x64xf32, #tpu.memory_space<vmem>>) target_semaphore(%arg14 : memref<!tpu.dma_semaphore, #tpu.memory_space<semaphore_mem>>)
      %slice3A_233 = vector.extract_strided_slice %get3A_25 {offsets = [7], sizes = [1], strides = [1]} : vector<16xi32> to vector<1xi32>
      %squeeze3A_234 = vector.extract %slice3A_233[0] : i32 from vector<1xi32>
      %mul3A_235 = arith.constant 16 : i32
      %mul3A_236 = arith.muli %scan3A_14, %mul3A_235 : i32
      %add3A_237 = arith.constant 7 : i32
      %add3A_238 = arith.addi %mul3A_236, %add3A_237 : i32
      %dma_start3A_239 = arith.constant 0 : i32
      %dma_start3A_240 = tpu.memref_slice %arg11[%add3A_238, %dma_start3A_239] : memref<128x64xf32, #tpu.memory_space<vmem>> -> memref<1x64xf32, #tpu.memory_space<vmem>>
      %dma_start3A_241 = arith.constant 0 : i32
      %dma_start3A_242 = tpu.memref_slice %arg5[%squeeze3A_234, %dma_start3A_241] : memref<100001x64xf32, #tpu.memory_space<hbm>> -> memref<1x64xf32, #tpu.memory_space<hbm>>
      %dma_start3A_243 = arith.constant 0 : i32
      %dma_start3A_244 = tpu.memref_slice %arg11[%add3A_238, %dma_start3A_243] : memref<128x64xf32, #tpu.memory_space<vmem>> -> memref<1x64xf32, #tpu.memory_space<vmem>>
      %dma_start3A_245 = arith.constant 0 : i32
      %dma_start3A_246 = tpu.memref_slice %arg5[%squeeze3A_234, %dma_start3A_245] : memref<100001x64xf32, #tpu.memory_space<hbm>> -> memref<1x64xf32, #tpu.memory_space<hbm>>
      tpu.enqueue_dma source(%dma_start3A_246 : memref<1x64xf32, #tpu.memory_space<hbm>>) target(%dma_start3A_244 : memref<1x64xf32, #tpu.memory_space<vmem>>) target_semaphore(%arg15 : memref<!tpu.dma_semaphore, #tpu.memory_space<semaphore_mem>>)
      %slice3A_247 = vector.extract_strided_slice %get3A_19 {offsets = [8], sizes = [1], strides = [1]} : vector<16xi32> to vector<1xi32>
      %squeeze3A_248 = vector.extract %slice3A_247[0] : i32 from vector<1xi32>
      %mul3A_249 = arith.constant 16 : i32
      %mul3A_250 = arith.muli %scan3A_14, %mul3A_249 : i32
      %add3A_251 = arith.constant 8 : i32
      %add3A_252 = arith.addi %mul3A_250, %add3A_251 : i32
      %dma_start3A_253 = arith.constant 0 : i32
      %dma_start3A_254 = tpu.memref_slice %arg10[%add3A_252, %dma_start3A_253] : memref<128x64xf32, #tpu.memory_space<vmem>> -> memref<1x64xf32, #tpu.memory_space<vmem>>
      %dma_start3A_255 = arith.constant 0 : i32
      %dma_start3A_256 = tpu.memref_slice %arg4[%squeeze3A_248, %dma_start3A_255] : memref<1000001x64xf32, #tpu.memory_space<hbm>> -> memref<1x64xf32, #tpu.memory_space<hbm>>
      %dma_start3A_257 = arith.constant 0 : i32
      %dma_start3A_258 = tpu.memref_slice %arg10[%add3A_252, %dma_start3A_257] : memref<128x64xf32, #tpu.memory_space<vmem>> -> memref<1x64xf32, #tpu.memory_space<vmem>>
      %dma_start3A_259 = arith.constant 0 : i32
      %dma_start3A_260 = tpu.memref_slice %arg4[%squeeze3A_248, %dma_start3A_259] : memref<1000001x64xf32, #tpu.memory_space<hbm>> -> memref<1x64xf32, #tpu.memory_space<hbm>>
      tpu.enqueue_dma source(%dma_start3A_260 : memref<1x64xf32, #tpu.memory_space<hbm>>) target(%dma_start3A_258 : memref<1x64xf32, #tpu.memory_space<vmem>>) target_semaphore(%arg14 : memref<!tpu.dma_semaphore, #tpu.memory_space<semaphore_mem>>)
      %slice3A_261 = vector.extract_strided_slice %get3A_25 {offsets = [8], sizes = [1], strides = [1]} : vector<16xi32> to vector<1xi32>
      %squeeze3A_262 = vector.extract %slice3A_261[0] : i32 from vector<1xi32>
      %mul3A_263 = arith.constant 16 : i32
      %mul3A_264 = arith.muli %scan3A_14, %mul3A_263 : i32
      %add3A_265 = arith.constant 8 : i32
      %add3A_266 = arith.addi %mul3A_264, %add3A_265 : i32
      %dma_start3A_267 = arith.constant 0 : i32
      %dma_start3A_268 = tpu.memref_slice %arg11[%add3A_266, %dma_start3A_267] : memref<128x64xf32, #tpu.memory_space<vmem>> -> memref<1x64xf32, #tpu.memory_space<vmem>>
      %dma_start3A_269 = arith.constant 0 : i32
      %dma_start3A_270 = tpu.memref_slice %arg5[%squeeze3A_262, %dma_start3A_269] : memref<100001x64xf32, #tpu.memory_space<hbm>> -> memref<1x64xf32, #tpu.memory_space<hbm>>
      %dma_start3A_271 = arith.constant 0 : i32
      %dma_start3A_272 = tpu.memref_slice %arg11[%add3A_266, %dma_start3A_271] : memref<128x64xf32, #tpu.memory_space<vmem>> -> memref<1x64xf32, #tpu.memory_space<vmem>>
      %dma_start3A_273 = arith.constant 0 : i32
      %dma_start3A_274 = tpu.memref_slice %arg5[%squeeze3A_262, %dma_start3A_273] : memref<100001x64xf32, #tpu.memory_space<hbm>> -> memref<1x64xf32, #tpu.memory_space<hbm>>
      tpu.enqueue_dma source(%dma_start3A_274 : memref<1x64xf32, #tpu.memory_space<hbm>>) target(%dma_start3A_272 : memref<1x64xf32, #tpu.memory_space<vmem>>) target_semaphore(%arg15 : memref<!tpu.dma_semaphore, #tpu.memory_space<semaphore_mem>>)
      %slice3A_275 = vector.extract_strided_slice %get3A_19 {offsets = [9], sizes = [1], strides = [1]} : vector<16xi32> to vector<1xi32>
      %squeeze3A_276 = vector.extract %slice3A_275[0] : i32 from vector<1xi32>
      %mul3A_277 = arith.constant 16 : i32
      %mul3A_278 = arith.muli %scan3A_14, %mul3A_277 : i32
      %add3A_279 = arith.constant 9 : i32
      %add3A_280 = arith.addi %mul3A_278, %add3A_279 : i32
      %dma_start3A_281 = arith.constant 0 : i32
      %dma_start3A_282 = tpu.memref_slice %arg10[%add3A_280, %dma_start3A_281] : memref<128x64xf32, #tpu.memory_space<vmem>> -> memref<1x64xf32, #tpu.memory_space<vmem>>
      %dma_start3A_283 = arith.constant 0 : i32
      %dma_start3A_284 = tpu.memref_slice %arg4[%squeeze3A_276, %dma_start3A_283] : memref<1000001x64xf32, #tpu.memory_space<hbm>> -> memref<1x64xf32, #tpu.memory_space<hbm>>
      %dma_start3A_285 = arith.constant 0 : i32
      %dma_start3A_286 = tpu.memref_slice %arg10[%add3A_280, %dma_start3A_285] : memref<128x64xf32, #tpu.memory_space<vmem>> -> memref<1x64xf32, #tpu.memory_space<vmem>>
      %dma_start3A_287 = arith.constant 0 : i32
      %dma_start3A_288 = tpu.memref_slice %arg4[%squeeze3A_276, %dma_start3A_287] : memref<1000001x64xf32, #tpu.memory_space<hbm>> -> memref<1x64xf32, #tpu.memory_space<hbm>>
      tpu.enqueue_dma source(%dma_start3A_288 : memref<1x64xf32, #tpu.memory_space<hbm>>) target(%dma_start3A_286 : memref<1x64xf32, #tpu.memory_space<vmem>>) target_semaphore(%arg14 : memref<!tpu.dma_semaphore, #tpu.memory_space<semaphore_mem>>)
      %slice3A_289 = vector.extract_strided_slice %get3A_25 {offsets = [9], sizes = [1], strides = [1]} : vector<16xi32> to vector<1xi32>
      %squeeze3A_290 = vector.extract %slice3A_289[0] : i32 from vector<1xi32>
      %mul3A_291 = arith.constant 16 : i32
      %mul3A_292 = arith.muli %scan3A_14, %mul3A_291 : i32
      %add3A_293 = arith.constant 9 : i32
      %add3A_294 = arith.addi %mul3A_292, %add3A_293 : i32
      %dma_start3A_295 = arith.constant 0 : i32
      %dma_start3A_296 = tpu.memref_slice %arg11[%add3A_294, %dma_start3A_295] : memref<128x64xf32, #tpu.memory_space<vmem>> -> memref<1x64xf32, #tpu.memory_space<vmem>>
      %dma_start3A_297 = arith.constant 0 : i32
      %dma_start3A_298 = tpu.memref_slice %arg5[%squeeze3A_290, %dma_start3A_297] : memref<100001x64xf32, #tpu.memory_space<hbm>> -> memref<1x64xf32, #tpu.memory_space<hbm>>
      %dma_start3A_299 = arith.constant 0 : i32
      %dma_start3A_300 = tpu.memref_slice %arg11[%add3A_294, %dma_start3A_299] : memref<128x64xf32, #tpu.memory_space<vmem>> -> memref<1x64xf32, #tpu.memory_space<vmem>>
      %dma_start3A_301 = arith.constant 0 : i32
      %dma_start3A_302 = tpu.memref_slice %arg5[%squeeze3A_290, %dma_start3A_301] : memref<100001x64xf32, #tpu.memory_space<hbm>> -> memref<1x64xf32, #tpu.memory_space<hbm>>
      tpu.enqueue_dma source(%dma_start3A_302 : memref<1x64xf32, #tpu.memory_space<hbm>>) target(%dma_start3A_300 : memref<1x64xf32, #tpu.memory_space<vmem>>) target_semaphore(%arg15 : memref<!tpu.dma_semaphore, #tpu.memory_space<semaphore_mem>>)
      %slice3A_303 = vector.extract_strided_slice %get3A_19 {offsets = [10], sizes = [1], strides = [1]} : vector<16xi32> to vector<1xi32>
      %squeeze3A_304 = vector.extract %slice3A_303[0] : i32 from vector<1xi32>
      %mul3A_305 = arith.constant 16 : i32
      %mul3A_306 = arith.muli %scan3A_14, %mul3A_305 : i32
      %add3A_307 = arith.constant 10 : i32
      %add3A_308 = arith.addi %mul3A_306, %add3A_307 : i32
      %dma_start3A_309 = arith.constant 0 : i32
      %dma_start3A_310 = tpu.memref_slice %arg10[%add3A_308, %dma_start3A_309] : memref<128x64xf32, #tpu.memory_space<vmem>> -> memref<1x64xf32, #tpu.memory_space<vmem>>
      %dma_start3A_311 = arith.constant 0 : i32
      %dma_start3A_312 = tpu.memref_slice %arg4[%squeeze3A_304, %dma_start3A_311] : memref<1000001x64xf32, #tpu.memory_space<hbm>> -> memref<1x64xf32, #tpu.memory_space<hbm>>
      %dma_start3A_313 = arith.constant 0 : i32
      %dma_start3A_314 = tpu.memref_slice %arg10[%add3A_308, %dma_start3A_313] : memref<128x64xf32, #tpu.memory_space<vmem>> -> memref<1x64xf32, #tpu.memory_space<vmem>>
      %dma_start3A_315 = arith.constant 0 : i32
      %dma_start3A_316 = tpu.memref_slice %arg4[%squeeze3A_304, %dma_start3A_315] : memref<1000001x64xf32, #tpu.memory_space<hbm>> -> memref<1x64xf32, #tpu.memory_space<hbm>>
      tpu.enqueue_dma source(%dma_start3A_316 : memref<1x64xf32, #tpu.memory_space<hbm>>) target(%dma_start3A_314 : memref<1x64xf32, #tpu.memory_space<vmem>>) target_semaphore(%arg14 : memref<!tpu.dma_semaphore, #tpu.memory_space<semaphore_mem>>)
      %slice3A_317 = vector.extract_strided_slice %get3A_25 {offsets = [10], sizes = [1], strides = [1]} : vector<16xi32> to vector<1xi32>
      %squeeze3A_318 = vector.extract %slice3A_317[0] : i32 from vector<1xi32>
      %mul3A_319 = arith.constant 16 : i32
      %mul3A_320 = arith.muli %scan3A_14, %mul3A_319 : i32
      %add3A_321 = arith.constant 10 : i32
      %add3A_322 = arith.addi %mul3A_320, %add3A_321 : i32
      %dma_start3A_323 = arith.constant 0 : i32
      %dma_start3A_324 = tpu.memref_slice %arg11[%add3A_322, %dma_start3A_323] : memref<128x64xf32, #tpu.memory_space<vmem>> -> memref<1x64xf32, #tpu.memory_space<vmem>>
      %dma_start3A_325 = arith.constant 0 : i32
      %dma_start3A_326 = tpu.memref_slice %arg5[%squeeze3A_318, %dma_start3A_325] : memref<100001x64xf32, #tpu.memory_space<hbm>> -> memref<1x64xf32, #tpu.memory_space<hbm>>
      %dma_start3A_327 = arith.constant 0 : i32
      %dma_start3A_328 = tpu.memref_slice %arg11[%add3A_322, %dma_start3A_327] : memref<128x64xf32, #tpu.memory_space<vmem>> -> memref<1x64xf32, #tpu.memory_space<vmem>>
      %dma_start3A_329 = arith.constant 0 : i32
      %dma_start3A_330 = tpu.memref_slice %arg5[%squeeze3A_318, %dma_start3A_329] : memref<100001x64xf32, #tpu.memory_space<hbm>> -> memref<1x64xf32, #tpu.memory_space<hbm>>
      tpu.enqueue_dma source(%dma_start3A_330 : memref<1x64xf32, #tpu.memory_space<hbm>>) target(%dma_start3A_328 : memref<1x64xf32, #tpu.memory_space<vmem>>) target_semaphore(%arg15 : memref<!tpu.dma_semaphore, #tpu.memory_space<semaphore_mem>>)
      %slice3A_331 = vector.extract_strided_slice %get3A_19 {offsets = [11], sizes = [1], strides = [1]} : vector<16xi32> to vector<1xi32>
      %squeeze3A_332 = vector.extract %slice3A_331[0] : i32 from vector<1xi32>
      %mul3A_333 = arith.constant 16 : i32
      %mul3A_334 = arith.muli %scan3A_14, %mul3A_333 : i32
      %add3A_335 = arith.constant 11 : i32
      %add3A_336 = arith.addi %mul3A_334, %add3A_335 : i32
      %dma_start3A_337 = arith.constant 0 : i32
      %dma_start3A_338 = tpu.memref_slice %arg10[%add3A_336, %dma_start3A_337] : memref<128x64xf32, #tpu.memory_space<vmem>> -> memref<1x64xf32, #tpu.memory_space<vmem>>
      %dma_start3A_339 = arith.constant 0 : i32
      %dma_start3A_340 = tpu.memref_slice %arg4[%squeeze3A_332, %dma_start3A_339] : memref<1000001x64xf32, #tpu.memory_space<hbm>> -> memref<1x64xf32, #tpu.memory_space<hbm>>
      %dma_start3A_341 = arith.constant 0 : i32
      %dma_start3A_342 = tpu.memref_slice %arg10[%add3A_336, %dma_start3A_341] : memref<128x64xf32, #tpu.memory_space<vmem>> -> memref<1x64xf32, #tpu.memory_space<vmem>>
      %dma_start3A_343 = arith.constant 0 : i32
      %dma_start3A_344 = tpu.memref_slice %arg4[%squeeze3A_332, %dma_start3A_343] : memref<1000001x64xf32, #tpu.memory_space<hbm>> -> memref<1x64xf32, #tpu.memory_space<hbm>>
      tpu.enqueue_dma source(%dma_start3A_344 : memref<1x64xf32, #tpu.memory_space<hbm>>) target(%dma_start3A_342 : memref<1x64xf32, #tpu.memory_space<vmem>>) target_semaphore(%arg14 : memref<!tpu.dma_semaphore, #tpu.memory_space<semaphore_mem>>)
      %slice3A_345 = vector.extract_strided_slice %get3A_25 {offsets = [11], sizes = [1], strides = [1]} : vector<16xi32> to vector<1xi32>
      %squeeze3A_346 = vector.extract %slice3A_345[0] : i32 from vector<1xi32>
      %mul3A_347 = arith.constant 16 : i32
      %mul3A_348 = arith.muli %scan3A_14, %mul3A_347 : i32
      %add3A_349 = arith.constant 11 : i32
      %add3A_350 = arith.addi %mul3A_348, %add3A_349 : i32
      %dma_start3A_351 = arith.constant 0 : i32
      %dma_start3A_352 = tpu.memref_slice %arg11[%add3A_350, %dma_start3A_351] : memref<128x64xf32, #tpu.memory_space<vmem>> -> memref<1x64xf32, #tpu.memory_space<vmem>>
      %dma_start3A_353 = arith.constant 0 : i32
      %dma_start3A_354 = tpu.memref_slice %arg5[%squeeze3A_346, %dma_start3A_353] : memref<100001x64xf32, #tpu.memory_space<hbm>> -> memref<1x64xf32, #tpu.memory_space<hbm>>
      %dma_start3A_355 = arith.constant 0 : i32
      %dma_start3A_356 = tpu.memref_slice %arg11[%add3A_350, %dma_start3A_355] : memref<128x64xf32, #tpu.memory_space<vmem>> -> memref<1x64xf32, #tpu.memory_space<vmem>>
      %dma_start3A_357 = arith.constant 0 : i32
      %dma_start3A_358 = tpu.memref_slice %arg5[%squeeze3A_346, %dma_start3A_357] : memref<100001x64xf32, #tpu.memory_space<hbm>> -> memref<1x64xf32, #tpu.memory_space<hbm>>
      tpu.enqueue_dma source(%dma_start3A_358 : memref<1x64xf32, #tpu.memory_space<hbm>>) target(%dma_start3A_356 : memref<1x64xf32, #tpu.memory_space<vmem>>) target_semaphore(%arg15 : memref<!tpu.dma_semaphore, #tpu.memory_space<semaphore_mem>>)
      %slice3A_359 = vector.extract_strided_slice %get3A_19 {offsets = [12], sizes = [1], strides = [1]} : vector<16xi32> to vector<1xi32>
      %squeeze3A_360 = vector.extract %slice3A_359[0] : i32 from vector<1xi32>
      %mul3A_361 = arith.constant 16 : i32
      %mul3A_362 = arith.muli %scan3A_14, %mul3A_361 : i32
      %add3A_363 = arith.constant 12 : i32
      %add3A_364 = arith.addi %mul3A_362, %add3A_363 : i32
      %dma_start3A_365 = arith.constant 0 : i32
      %dma_start3A_366 = tpu.memref_slice %arg10[%add3A_364, %dma_start3A_365] : memref<128x64xf32, #tpu.memory_space<vmem>> -> memref<1x64xf32, #tpu.memory_space<vmem>>
      %dma_start3A_367 = arith.constant 0 : i32
      %dma_start3A_368 = tpu.memref_slice %arg4[%squeeze3A_360, %dma_start3A_367] : memref<1000001x64xf32, #tpu.memory_space<hbm>> -> memref<1x64xf32, #tpu.memory_space<hbm>>
      %dma_start3A_369 = arith.constant 0 : i32
      %dma_start3A_370 = tpu.memref_slice %arg10[%add3A_364, %dma_start3A_369] : memref<128x64xf32, #tpu.memory_space<vmem>> -> memref<1x64xf32, #tpu.memory_space<vmem>>
      %dma_start3A_371 = arith.constant 0 : i32
      %dma_start3A_372 = tpu.memref_slice %arg4[%squeeze3A_360, %dma_start3A_371] : memref<1000001x64xf32, #tpu.memory_space<hbm>> -> memref<1x64xf32, #tpu.memory_space<hbm>>
      tpu.enqueue_dma source(%dma_start3A_372 : memref<1x64xf32, #tpu.memory_space<hbm>>) target(%dma_start3A_370 : memref<1x64xf32, #tpu.memory_space<vmem>>) target_semaphore(%arg14 : memref<!tpu.dma_semaphore, #tpu.memory_space<semaphore_mem>>)
      %slice3A_373 = vector.extract_strided_slice %get3A_25 {offsets = [12], sizes = [1], strides = [1]} : vector<16xi32> to vector<1xi32>
      %squeeze3A_374 = vector.extract %slice3A_373[0] : i32 from vector<1xi32>
      %mul3A_375 = arith.constant 16 : i32
      %mul3A_376 = arith.muli %scan3A_14, %mul3A_375 : i32
      %add3A_377 = arith.constant 12 : i32
      %add3A_378 = arith.addi %mul3A_376, %add3A_377 : i32
      %dma_start3A_379 = arith.constant 0 : i32
      %dma_start3A_380 = tpu.memref_slice %arg11[%add3A_378, %dma_start3A_379] : memref<128x64xf32, #tpu.memory_space<vmem>> -> memref<1x64xf32, #tpu.memory_space<vmem>>
      %dma_start3A_381 = arith.constant 0 : i32
      %dma_start3A_382 = tpu.memref_slice %arg5[%squeeze3A_374, %dma_start3A_381] : memref<100001x64xf32, #tpu.memory_space<hbm>> -> memref<1x64xf32, #tpu.memory_space<hbm>>
      %dma_start3A_383 = arith.constant 0 : i32
      %dma_start3A_384 = tpu.memref_slice %arg11[%add3A_378, %dma_start3A_383] : memref<128x64xf32, #tpu.memory_space<vmem>> -> memref<1x64xf32, #tpu.memory_space<vmem>>
      %dma_start3A_385 = arith.constant 0 : i32
      %dma_start3A_386 = tpu.memref_slice %arg5[%squeeze3A_374, %dma_start3A_385] : memref<100001x64xf32, #tpu.memory_space<hbm>> -> memref<1x64xf32, #tpu.memory_space<hbm>>
      tpu.enqueue_dma source(%dma_start3A_386 : memref<1x64xf32, #tpu.memory_space<hbm>>) target(%dma_start3A_384 : memref<1x64xf32, #tpu.memory_space<vmem>>) target_semaphore(%arg15 : memref<!tpu.dma_semaphore, #tpu.memory_space<semaphore_mem>>)
      %slice3A_387 = vector.extract_strided_slice %get3A_19 {offsets = [13], sizes = [1], strides = [1]} : vector<16xi32> to vector<1xi32>
      %squeeze3A_388 = vector.extract %slice3A_387[0] : i32 from vector<1xi32>
      %mul3A_389 = arith.constant 16 : i32
      %mul3A_390 = arith.muli %scan3A_14, %mul3A_389 : i32
      %add3A_391 = arith.constant 13 : i32
      %add3A_392 = arith.addi %mul3A_390, %add3A_391 : i32
      %dma_start3A_393 = arith.constant 0 : i32
      %dma_start3A_394 = tpu.memref_slice %arg10[%add3A_392, %dma_start3A_393] : memref<128x64xf32, #tpu.memory_space<vmem>> -> memref<1x64xf32, #tpu.memory_space<vmem>>
      %dma_start3A_395 = arith.constant 0 : i32
      %dma_start3A_396 = tpu.memref_slice %arg4[%squeeze3A_388, %dma_start3A_395] : memref<1000001x64xf32, #tpu.memory_space<hbm>> -> memref<1x64xf32, #tpu.memory_space<hbm>>
      %dma_start3A_397 = arith.constant 0 : i32
      %dma_start3A_398 = tpu.memref_slice %arg10[%add3A_392, %dma_start3A_397] : memref<128x64xf32, #tpu.memory_space<vmem>> -> memref<1x64xf32, #tpu.memory_space<vmem>>
      %dma_start3A_399 = arith.constant 0 : i32
      %dma_start3A_400 = tpu.memref_slice %arg4[%squeeze3A_388, %dma_start3A_399] : memref<1000001x64xf32, #tpu.memory_space<hbm>> -> memref<1x64xf32, #tpu.memory_space<hbm>>
      tpu.enqueue_dma source(%dma_start3A_400 : memref<1x64xf32, #tpu.memory_space<hbm>>) target(%dma_start3A_398 : memref<1x64xf32, #tpu.memory_space<vmem>>) target_semaphore(%arg14 : memref<!tpu.dma_semaphore, #tpu.memory_space<semaphore_mem>>)
      %slice3A_401 = vector.extract_strided_slice %get3A_25 {offsets = [13], sizes = [1], strides = [1]} : vector<16xi32> to vector<1xi32>
      %squeeze3A_402 = vector.extract %slice3A_401[0] : i32 from vector<1xi32>
      %mul3A_403 = arith.constant 16 : i32
      %mul3A_404 = arith.muli %scan3A_14, %mul3A_403 : i32
      %add3A_405 = arith.constant 13 : i32
      %add3A_406 = arith.addi %mul3A_404, %add3A_405 : i32
      %dma_start3A_407 = arith.constant 0 : i32
      %dma_start3A_408 = tpu.memref_slice %arg11[%add3A_406, %dma_start3A_407] : memref<128x64xf32, #tpu.memory_space<vmem>> -> memref<1x64xf32, #tpu.memory_space<vmem>>
      %dma_start3A_409 = arith.constant 0 : i32
      %dma_start3A_410 = tpu.memref_slice %arg5[%squeeze3A_402, %dma_start3A_409] : memref<100001x64xf32, #tpu.memory_space<hbm>> -> memref<1x64xf32, #tpu.memory_space<hbm>>
      %dma_start3A_411 = arith.constant 0 : i32
      %dma_start3A_412 = tpu.memref_slice %arg11[%add3A_406, %dma_start3A_411] : memref<128x64xf32, #tpu.memory_space<vmem>> -> memref<1x64xf32, #tpu.memory_space<vmem>>
      %dma_start3A_413 = arith.constant 0 : i32
      %dma_start3A_414 = tpu.memref_slice %arg5[%squeeze3A_402, %dma_start3A_413] : memref<100001x64xf32, #tpu.memory_space<hbm>> -> memref<1x64xf32, #tpu.memory_space<hbm>>
      tpu.enqueue_dma source(%dma_start3A_414 : memref<1x64xf32, #tpu.memory_space<hbm>>) target(%dma_start3A_412 : memref<1x64xf32, #tpu.memory_space<vmem>>) target_semaphore(%arg15 : memref<!tpu.dma_semaphore, #tpu.memory_space<semaphore_mem>>)
      %slice3A_415 = vector.extract_strided_slice %get3A_19 {offsets = [14], sizes = [1], strides = [1]} : vector<16xi32> to vector<1xi32>
      %squeeze3A_416 = vector.extract %slice3A_415[0] : i32 from vector<1xi32>
      %mul3A_417 = arith.constant 16 : i32
      %mul3A_418 = arith.muli %scan3A_14, %mul3A_417 : i32
      %add3A_419 = arith.constant 14 : i32
      %add3A_420 = arith.addi %mul3A_418, %add3A_419 : i32
      %dma_start3A_421 = arith.constant 0 : i32
      %dma_start3A_422 = tpu.memref_slice %arg10[%add3A_420, %dma_start3A_421] : memref<128x64xf32, #tpu.memory_space<vmem>> -> memref<1x64xf32, #tpu.memory_space<vmem>>
      %dma_start3A_423 = arith.constant 0 : i32
      %dma_start3A_424 = tpu.memref_slice %arg4[%squeeze3A_416, %dma_start3A_423] : memref<1000001x64xf32, #tpu.memory_space<hbm>> -> memref<1x64xf32, #tpu.memory_space<hbm>>
      %dma_start3A_425 = arith.constant 0 : i32
      %dma_start3A_426 = tpu.memref_slice %arg10[%add3A_420, %dma_start3A_425] : memref<128x64xf32, #tpu.memory_space<vmem>> -> memref<1x64xf32, #tpu.memory_space<vmem>>
      %dma_start3A_427 = arith.constant 0 : i32
      %dma_start3A_428 = tpu.memref_slice %arg4[%squeeze3A_416, %dma_start3A_427] : memref<1000001x64xf32, #tpu.memory_space<hbm>> -> memref<1x64xf32, #tpu.memory_space<hbm>>
      tpu.enqueue_dma source(%dma_start3A_428 : memref<1x64xf32, #tpu.memory_space<hbm>>) target(%dma_start3A_426 : memref<1x64xf32, #tpu.memory_space<vmem>>) target_semaphore(%arg14 : memref<!tpu.dma_semaphore, #tpu.memory_space<semaphore_mem>>)
      %slice3A_429 = vector.extract_strided_slice %get3A_25 {offsets = [14], sizes = [1], strides = [1]} : vector<16xi32> to vector<1xi32>
      %squeeze3A_430 = vector.extract %slice3A_429[0] : i32 from vector<1xi32>
      %mul3A_431 = arith.constant 16 : i32
      %mul3A_432 = arith.muli %scan3A_14, %mul3A_431 : i32
      %add3A_433 = arith.constant 14 : i32
      %add3A_434 = arith.addi %mul3A_432, %add3A_433 : i32
      %dma_start3A_435 = arith.constant 0 : i32
      %dma_start3A_436 = tpu.memref_slice %arg11[%add3A_434, %dma_start3A_435] : memref<128x64xf32, #tpu.memory_space<vmem>> -> memref<1x64xf32, #tpu.memory_space<vmem>>
      %dma_start3A_437 = arith.constant 0 : i32
      %dma_start3A_438 = tpu.memref_slice %arg5[%squeeze3A_430, %dma_start3A_437] : memref<100001x64xf32, #tpu.memory_space<hbm>> -> memref<1x64xf32, #tpu.memory_space<hbm>>
      %dma_start3A_439 = arith.constant 0 : i32
      %dma_start3A_440 = tpu.memref_slice %arg11[%add3A_434, %dma_start3A_439] : memref<128x64xf32, #tpu.memory_space<vmem>> -> memref<1x64xf32, #tpu.memory_space<vmem>>
      %dma_start3A_441 = arith.constant 0 : i32
      %dma_start3A_442 = tpu.memref_slice %arg5[%squeeze3A_430, %dma_start3A_441] : memref<100001x64xf32, #tpu.memory_space<hbm>> -> memref<1x64xf32, #tpu.memory_space<hbm>>
      tpu.enqueue_dma source(%dma_start3A_442 : memref<1x64xf32, #tpu.memory_space<hbm>>) target(%dma_start3A_440 : memref<1x64xf32, #tpu.memory_space<vmem>>) target_semaphore(%arg15 : memref<!tpu.dma_semaphore, #tpu.memory_space<semaphore_mem>>)
      %slice3A_443 = vector.extract_strided_slice %get3A_19 {offsets = [15], sizes = [1], strides = [1]} : vector<16xi32> to vector<1xi32>
      %squeeze3A_444 = vector.extract %slice3A_443[0] : i32 from vector<1xi32>
      %mul3A_445 = arith.constant 16 : i32
      %mul3A_446 = arith.muli %scan3A_14, %mul3A_445 : i32
      %add3A_447 = arith.constant 15 : i32
      %add3A_448 = arith.addi %mul3A_446, %add3A_447 : i32
      %dma_start3A_449 = arith.constant 0 : i32
      %dma_start3A_450 = tpu.memref_slice %arg10[%add3A_448, %dma_start3A_449] : memref<128x64xf32, #tpu.memory_space<vmem>> -> memref<1x64xf32, #tpu.memory_space<vmem>>
      %dma_start3A_451 = arith.constant 0 : i32
      %dma_start3A_452 = tpu.memref_slice %arg4[%squeeze3A_444, %dma_start3A_451] : memref<1000001x64xf32, #tpu.memory_space<hbm>> -> memref<1x64xf32, #tpu.memory_space<hbm>>
      %dma_start3A_453 = arith.constant 0 : i32
      %dma_start3A_454 = tpu.memref_slice %arg10[%add3A_448, %dma_start3A_453] : memref<128x64xf32, #tpu.memory_space<vmem>> -> memref<1x64xf32, #tpu.memory_space<vmem>>
      %dma_start3A_455 = arith.constant 0 : i32
      %dma_start3A_456 = tpu.memref_slice %arg4[%squeeze3A_444, %dma_start3A_455] : memref<1000001x64xf32, #tpu.memory_space<hbm>> -> memref<1x64xf32, #tpu.memory_space<hbm>>
      tpu.enqueue_dma source(%dma_start3A_456 : memref<1x64xf32, #tpu.memory_space<hbm>>) target(%dma_start3A_454 : memref<1x64xf32, #tpu.memory_space<vmem>>) target_semaphore(%arg14 : memref<!tpu.dma_semaphore, #tpu.memory_space<semaphore_mem>>)
      %slice3A_457 = vector.extract_strided_slice %get3A_25 {offsets = [15], sizes = [1], strides = [1]} : vector<16xi32> to vector<1xi32>
      %squeeze3A_458 = vector.extract %slice3A_457[0] : i32 from vector<1xi32>
      %mul3A_459 = arith.constant 16 : i32
      %mul3A_460 = arith.muli %scan3A_14, %mul3A_459 : i32
      %add3A_461 = arith.constant 15 : i32
      %add3A_462 = arith.addi %mul3A_460, %add3A_461 : i32
      %dma_start3A_463 = arith.constant 0 : i32
      %dma_start3A_464 = tpu.memref_slice %arg11[%add3A_462, %dma_start3A_463] : memref<128x64xf32, #tpu.memory_space<vmem>> -> memref<1x64xf32, #tpu.memory_space<vmem>>
      %dma_start3A_465 = arith.constant 0 : i32
      %dma_start3A_466 = tpu.memref_slice %arg5[%squeeze3A_458, %dma_start3A_465] : memref<100001x64xf32, #tpu.memory_space<hbm>> -> memref<1x64xf32, #tpu.memory_space<hbm>>
      %dma_start3A_467 = arith.constant 0 : i32
      %dma_start3A_468 = tpu.memref_slice %arg11[%add3A_462, %dma_start3A_467] : memref<128x64xf32, #tpu.memory_space<vmem>> -> memref<1x64xf32, #tpu.memory_space<vmem>>
      %dma_start3A_469 = arith.constant 0 : i32
      %dma_start3A_470 = tpu.memref_slice %arg5[%squeeze3A_458, %dma_start3A_469] : memref<100001x64xf32, #tpu.memory_space<hbm>> -> memref<1x64xf32, #tpu.memory_space<hbm>>
      tpu.enqueue_dma source(%dma_start3A_470 : memref<1x64xf32, #tpu.memory_space<hbm>>) target(%dma_start3A_468 : memref<1x64xf32, #tpu.memory_space<vmem>>) target_semaphore(%arg15 : memref<!tpu.dma_semaphore, #tpu.memory_space<semaphore_mem>>)
    }
    %scan3A_7 = arith.constant 8 : i32
    %scan3A_8 = arith.constant 0 : i32
    %scan3A_9 = arith.constant 0 : i32
    %scan3A_10 = arith.constant 2 : i32
    %scan3A_11 = arith.addi %scan3A_9, %scan3A_10 : i32
    %scan3A_12 = arith.constant 1 : i32
    scf.for %scan3A_14 = %scan3A_9 to %scan3A_11 step %scan3A_12  : i32 {
      %mul3A_15 = arith.constant 2 : i32
      %mul3A_16 = arith.muli %mul3A_15, %scan3A_14 : i32
      %add3A_17 = arith.constant 1 : i32
      %add3A_18 = arith.addi %mul3A_16, %add3A_17 : i32
      %scan3A_19 = arith.constant 0 : i32
      %scan3A_20 = arith.constant 0 : i32
      %scan3A_21 = arith.constant 8 : i32
      %scan3A_22 = arith.addi %scan3A_20, %scan3A_21 : i32
      %scan3A_23 = arith.constant 1 : i32
      scf.for %scan3A_66 = %scan3A_20 to %scan3A_22 step %scan3A_23  : i32 {
        %mul3A_67 = arith.constant 128 : i32
        %mul3A_68 = arith.muli %add3A_18, %mul3A_67 : i32
        %mul3A_69 = arith.constant 16 : i32
        %mul3A_70 = arith.muli %scan3A_66, %mul3A_69 : i32
        %add3A_71 = arith.addi %mul3A_68, %mul3A_70 : i32
        %get3A = arith.index_cast %add3A_71 : i32 to index
        %get3A_72 = tpu.vector_load %arg8[%get3A] {strides = array<i32>} : memref<512xi32, #tpu.memory_space<vmem>>, vector<16xi32>,
        %mul3A_73 = arith.constant 128 : i32
        %mul3A_74 = arith.muli %add3A_18, %mul3A_73 : i32
        %mul3A_75 = arith.constant 16 : i32
        %mul3A_76 = arith.muli %scan3A_66, %mul3A_75 : i32
        %add3A_77 = arith.addi %mul3A_74, %mul3A_76 : i32
        %get3A_78 = arith.index_cast %add3A_77 : i32 to index
        %get3A_79 = tpu.vector_load %arg9[%get3A_78] {strides = array<i32>} : memref<512xi32, #tpu.memory_space<vmem>>, vector<16xi32>,
        %slice3A = vector.extract_strided_slice %get3A_72 {offsets = [0], sizes = [1], strides = [1]} : vector<16xi32> to vector<1xi32>
        %squeeze3A = vector.extract %slice3A[0] : i32 from vector<1xi32>
        %mul3A_80 = arith.constant 16 : i32
        %mul3A_81 = arith.muli %scan3A_66, %mul3A_80 : i32
        %add3A_82 = arith.constant 0 : i32
        %add3A_83 = arith.addi %mul3A_81, %add3A_82 : i32
        %dma_start3A = arith.constant 0 : i32
        %dma_start3A_84 = tpu.memref_slice %arg12[%add3A_83, %dma_start3A] : memref<128x64xf32, #tpu.memory_space<vmem>> -> memref<1x64xf32, #tpu.memory_space<vmem>>
        %dma_start3A_85 = arith.constant 0 : i32
        %dma_start3A_86 = tpu.memref_slice %arg4[%squeeze3A, %dma_start3A_85] : memref<1000001x64xf32, #tpu.memory_space<hbm>> -> memref<1x64xf32, #tpu.memory_space<hbm>>
        %dma_start3A_87 = arith.constant 0 : i32
        %dma_start3A_88 = tpu.memref_slice %arg12[%add3A_83, %dma_start3A_87] : memref<128x64xf32, #tpu.memory_space<vmem>> -> memref<1x64xf32, #tpu.memory_space<vmem>>
        %dma_start3A_89 = arith.constant 0 : i32
        %dma_start3A_90 = tpu.memref_slice %arg4[%squeeze3A, %dma_start3A_89] : memref<1000001x64xf32, #tpu.memory_space<hbm>> -> memref<1x64xf32, #tpu.memory_space<hbm>>
        tpu.enqueue_dma source(%dma_start3A_90 : memref<1x64xf32, #tpu.memory_space<hbm>>) target(%dma_start3A_88 : memref<1x64xf32, #tpu.memory_space<vmem>>) target_semaphore(%arg16 : memref<!tpu.dma_semaphore, #tpu.memory_space<semaphore_mem>>)
        %slice3A_91 = vector.extract_strided_slice %get3A_79 {offsets = [0], sizes = [1], strides = [1]} : vector<16xi32> to vector<1xi32>
        %squeeze3A_92 = vector.extract %slice3A_91[0] : i32 from vector<1xi32>
        %mul3A_93 = arith.constant 16 : i32
        %mul3A_94 = arith.muli %scan3A_66, %mul3A_93 : i32
        %add3A_95 = arith.constant 0 : i32
        %add3A_96 = arith.addi %mul3A_94, %add3A_95 : i32
        %dma_start3A_97 = arith.constant 0 : i32
        %dma_start3A_98 = tpu.memref_slice %arg13[%add3A_96, %dma_start3A_97] : memref<128x64xf32, #tpu.memory_space<vmem>> -> memref<1x64xf32, #tpu.memory_space<vmem>>
        %dma_start3A_99 = arith.constant 0 : i32
        %dma_start3A_100 = tpu.memref_slice %arg5[%squeeze3A_92, %dma_start3A_99] : memref<100001x64xf32, #tpu.memory_space<hbm>> -> memref<1x64xf32, #tpu.memory_space<hbm>>
        %dma_start3A_101 = arith.constant 0 : i32
        %dma_start3A_102 = tpu.memref_slice %arg13[%add3A_96, %dma_start3A_101] : memref<128x64xf32, #tpu.memory_space<vmem>> -> memref<1x64xf32, #tpu.memory_space<vmem>>
        %dma_start3A_103 = arith.constant 0 : i32
        %dma_start3A_104 = tpu.memref_slice %arg5[%squeeze3A_92, %dma_start3A_103] : memref<100001x64xf32, #tpu.memory_space<hbm>> -> memref<1x64xf32, #tpu.memory_space<hbm>>
        tpu.enqueue_dma source(%dma_start3A_104 : memref<1x64xf32, #tpu.memory_space<hbm>>) target(%dma_start3A_102 : memref<1x64xf32, #tpu.memory_space<vmem>>) target_semaphore(%arg17 : memref<!tpu.dma_semaphore, #tpu.memory_space<semaphore_mem>>)
        %slice3A_105 = vector.extract_strided_slice %get3A_72 {offsets = [1], sizes = [1], strides = [1]} : vector<16xi32> to vector<1xi32>
        %squeeze3A_106 = vector.extract %slice3A_105[0] : i32 from vector<1xi32>
        %mul3A_107 = arith.constant 16 : i32
        %mul3A_108 = arith.muli %scan3A_66, %mul3A_107 : i32
        %add3A_109 = arith.constant 1 : i32
        %add3A_110 = arith.addi %mul3A_108, %add3A_109 : i32
        %dma_start3A_111 = arith.constant 0 : i32
        %dma_start3A_112 = tpu.memref_slice %arg12[%add3A_110, %dma_start3A_111] : memref<128x64xf32, #tpu.memory_space<vmem>> -> memref<1x64xf32, #tpu.memory_space<vmem>>
        %dma_start3A_113 = arith.constant 0 : i32
        %dma_start3A_114 = tpu.memref_slice %arg4[%squeeze3A_106, %dma_start3A_113] : memref<1000001x64xf32, #tpu.memory_space<hbm>> -> memref<1x64xf32, #tpu.memory_space<hbm>>
        %dma_start3A_115 = arith.constant 0 : i32
        %dma_start3A_116 = tpu.memref_slice %arg12[%add3A_110, %dma_start3A_115] : memref<128x64xf32, #tpu.memory_space<vmem>> -> memref<1x64xf32, #tpu.memory_space<vmem>>
        %dma_start3A_117 = arith.constant 0 : i32
        %dma_start3A_118 = tpu.memref_slice %arg4[%squeeze3A_106, %dma_start3A_117] : memref<1000001x64xf32, #tpu.memory_space<hbm>> -> memref<1x64xf32, #tpu.memory_space<hbm>>
        tpu.enqueue_dma source(%dma_start3A_118 : memref<1x64xf32, #tpu.memory_space<hbm>>) target(%dma_start3A_116 : memref<1x64xf32, #tpu.memory_space<vmem>>) target_semaphore(%arg16 : memref<!tpu.dma_semaphore, #tpu.memory_space<semaphore_mem>>)
        %slice3A_119 = vector.extract_strided_slice %get3A_79 {offsets = [1], sizes = [1], strides = [1]} : vector<16xi32> to vector<1xi32>
        %squeeze3A_120 = vector.extract %slice3A_119[0] : i32 from vector<1xi32>
        %mul3A_121 = arith.constant 16 : i32
        %mul3A_122 = arith.muli %scan3A_66, %mul3A_121 : i32
        %add3A_123 = arith.constant 1 : i32
        %add3A_124 = arith.addi %mul3A_122, %add3A_123 : i32
        %dma_start3A_125 = arith.constant 0 : i32
        %dma_start3A_126 = tpu.memref_slice %arg13[%add3A_124, %dma_start3A_125] : memref<128x64xf32, #tpu.memory_space<vmem>> -> memref<1x64xf32, #tpu.memory_space<vmem>>
        %dma_start3A_127 = arith.constant 0 : i32
        %dma_start3A_128 = tpu.memref_slice %arg5[%squeeze3A_120, %dma_start3A_127] : memref<100001x64xf32, #tpu.memory_space<hbm>> -> memref<1x64xf32, #tpu.memory_space<hbm>>
        %dma_start3A_129 = arith.constant 0 : i32
        %dma_start3A_130 = tpu.memref_slice %arg13[%add3A_124, %dma_start3A_129] : memref<128x64xf32, #tpu.memory_space<vmem>> -> memref<1x64xf32, #tpu.memory_space<vmem>>
        %dma_start3A_131 = arith.constant 0 : i32
        %dma_start3A_132 = tpu.memref_slice %arg5[%squeeze3A_120, %dma_start3A_131] : memref<100001x64xf32, #tpu.memory_space<hbm>> -> memref<1x64xf32, #tpu.memory_space<hbm>>
        tpu.enqueue_dma source(%dma_start3A_132 : memref<1x64xf32, #tpu.memory_space<hbm>>) target(%dma_start3A_130 : memref<1x64xf32, #tpu.memory_space<vmem>>) target_semaphore(%arg17 : memref<!tpu.dma_semaphore, #tpu.memory_space<semaphore_mem>>)
        %slice3A_133 = vector.extract_strided_slice %get3A_72 {offsets = [2], sizes = [1], strides = [1]} : vector<16xi32> to vector<1xi32>
        %squeeze3A_134 = vector.extract %slice3A_133[0] : i32 from vector<1xi32>
        %mul3A_135 = arith.constant 16 : i32
        %mul3A_136 = arith.muli %scan3A_66, %mul3A_135 : i32
        %add3A_137 = arith.constant 2 : i32
        %add3A_138 = arith.addi %mul3A_136, %add3A_137 : i32
        %dma_start3A_139 = arith.constant 0 : i32
        %dma_start3A_140 = tpu.memref_slice %arg12[%add3A_138, %dma_start3A_139] : memref<128x64xf32, #tpu.memory_space<vmem>> -> memref<1x64xf32, #tpu.memory_space<vmem>>
        %dma_start3A_141 = arith.constant 0 : i32
        %dma_start3A_142 = tpu.memref_slice %arg4[%squeeze3A_134, %dma_start3A_141] : memref<1000001x64xf32, #tpu.memory_space<hbm>> -> memref<1x64xf32, #tpu.memory_space<hbm>>
        %dma_start3A_143 = arith.constant 0 : i32
        %dma_start3A_144 = tpu.memref_slice %arg12[%add3A_138, %dma_start3A_143] : memref<128x64xf32, #tpu.memory_space<vmem>> -> memref<1x64xf32, #tpu.memory_space<vmem>>
        %dma_start3A_145 = arith.constant 0 : i32
        %dma_start3A_146 = tpu.memref_slice %arg4[%squeeze3A_134, %dma_start3A_145] : memref<1000001x64xf32, #tpu.memory_space<hbm>> -> memref<1x64xf32, #tpu.memory_space<hbm>>
        tpu.enqueue_dma source(%dma_start3A_146 : memref<1x64xf32, #tpu.memory_space<hbm>>) target(%dma_start3A_144 : memref<1x64xf32, #tpu.memory_space<vmem>>) target_semaphore(%arg16 : memref<!tpu.dma_semaphore, #tpu.memory_space<semaphore_mem>>)
        %slice3A_147 = vector.extract_strided_slice %get3A_79 {offsets = [2], sizes = [1], strides = [1]} : vector<16xi32> to vector<1xi32>
        %squeeze3A_148 = vector.extract %slice3A_147[0] : i32 from vector<1xi32>
        %mul3A_149 = arith.constant 16 : i32
        %mul3A_150 = arith.muli %scan3A_66, %mul3A_149 : i32
        %add3A_151 = arith.constant 2 : i32
        %add3A_152 = arith.addi %mul3A_150, %add3A_151 : i32
        %dma_start3A_153 = arith.constant 0 : i32
        %dma_start3A_154 = tpu.memref_slice %arg13[%add3A_152, %dma_start3A_153] : memref<128x64xf32, #tpu.memory_space<vmem>> -> memref<1x64xf32, #tpu.memory_space<vmem>>
        %dma_start3A_155 = arith.constant 0 : i32
        %dma_start3A_156 = tpu.memref_slice %arg5[%squeeze3A_148, %dma_start3A_155] : memref<100001x64xf32, #tpu.memory_space<hbm>> -> memref<1x64xf32, #tpu.memory_space<hbm>>
        %dma_start3A_157 = arith.constant 0 : i32
        %dma_start3A_158 = tpu.memref_slice %arg13[%add3A_152, %dma_start3A_157] : memref<128x64xf32, #tpu.memory_space<vmem>> -> memref<1x64xf32, #tpu.memory_space<vmem>>
        %dma_start3A_159 = arith.constant 0 : i32
        %dma_start3A_160 = tpu.memref_slice %arg5[%squeeze3A_148, %dma_start3A_159] : memref<100001x64xf32, #tpu.memory_space<hbm>> -> memref<1x64xf32, #tpu.memory_space<hbm>>
        tpu.enqueue_dma source(%dma_start3A_160 : memref<1x64xf32, #tpu.memory_space<hbm>>) target(%dma_start3A_158 : memref<1x64xf32, #tpu.memory_space<vmem>>) target_semaphore(%arg17 : memref<!tpu.dma_semaphore, #tpu.memory_space<semaphore_mem>>)
        %slice3A_161 = vector.extract_strided_slice %get3A_72 {offsets = [3], sizes = [1], strides = [1]} : vector<16xi32> to vector<1xi32>
        %squeeze3A_162 = vector.extract %slice3A_161[0] : i32 from vector<1xi32>
        %mul3A_163 = arith.constant 16 : i32
        %mul3A_164 = arith.muli %scan3A_66, %mul3A_163 : i32
        %add3A_165 = arith.constant 3 : i32
        %add3A_166 = arith.addi %mul3A_164, %add3A_165 : i32
        %dma_start3A_167 = arith.constant 0 : i32
        %dma_start3A_168 = tpu.memref_slice %arg12[%add3A_166, %dma_start3A_167] : memref<128x64xf32, #tpu.memory_space<vmem>> -> memref<1x64xf32, #tpu.memory_space<vmem>>
        %dma_start3A_169 = arith.constant 0 : i32
        %dma_start3A_170 = tpu.memref_slice %arg4[%squeeze3A_162, %dma_start3A_169] : memref<1000001x64xf32, #tpu.memory_space<hbm>> -> memref<1x64xf32, #tpu.memory_space<hbm>>
        %dma_start3A_171 = arith.constant 0 : i32
        %dma_start3A_172 = tpu.memref_slice %arg12[%add3A_166, %dma_start3A_171] : memref<128x64xf32, #tpu.memory_space<vmem>> -> memref<1x64xf32, #tpu.memory_space<vmem>>
        %dma_start3A_173 = arith.constant 0 : i32
        %dma_start3A_174 = tpu.memref_slice %arg4[%squeeze3A_162, %dma_start3A_173] : memref<1000001x64xf32, #tpu.memory_space<hbm>> -> memref<1x64xf32, #tpu.memory_space<hbm>>
        tpu.enqueue_dma source(%dma_start3A_174 : memref<1x64xf32, #tpu.memory_space<hbm>>) target(%dma_start3A_172 : memref<1x64xf32, #tpu.memory_space<vmem>>) target_semaphore(%arg16 : memref<!tpu.dma_semaphore, #tpu.memory_space<semaphore_mem>>)
        %slice3A_175 = vector.extract_strided_slice %get3A_79 {offsets = [3], sizes = [1], strides = [1]} : vector<16xi32> to vector<1xi32>
        %squeeze3A_176 = vector.extract %slice3A_175[0] : i32 from vector<1xi32>
        %mul3A_177 = arith.constant 16 : i32
        %mul3A_178 = arith.muli %scan3A_66, %mul3A_177 : i32
        %add3A_179 = arith.constant 3 : i32
        %add3A_180 = arith.addi %mul3A_178, %add3A_179 : i32
        %dma_start3A_181 = arith.constant 0 : i32
        %dma_start3A_182 = tpu.memref_slice %arg13[%add3A_180, %dma_start3A_181] : memref<128x64xf32, #tpu.memory_space<vmem>> -> memref<1x64xf32, #tpu.memory_space<vmem>>
        %dma_start3A_183 = arith.constant 0 : i32
        %dma_start3A_184 = tpu.memref_slice %arg5[%squeeze3A_176, %dma_start3A_183] : memref<100001x64xf32, #tpu.memory_space<hbm>> -> memref<1x64xf32, #tpu.memory_space<hbm>>
        %dma_start3A_185 = arith.constant 0 : i32
        %dma_start3A_186 = tpu.memref_slice %arg13[%add3A_180, %dma_start3A_185] : memref<128x64xf32, #tpu.memory_space<vmem>> -> memref<1x64xf32, #tpu.memory_space<vmem>>
        %dma_start3A_187 = arith.constant 0 : i32
        %dma_start3A_188 = tpu.memref_slice %arg5[%squeeze3A_176, %dma_start3A_187] : memref<100001x64xf32, #tpu.memory_space<hbm>> -> memref<1x64xf32, #tpu.memory_space<hbm>>
        tpu.enqueue_dma source(%dma_start3A_188 : memref<1x64xf32, #tpu.memory_space<hbm>>) target(%dma_start3A_186 : memref<1x64xf32, #tpu.memory_space<vmem>>) target_semaphore(%arg17 : memref<!tpu.dma_semaphore, #tpu.memory_space<semaphore_mem>>)
        %slice3A_189 = vector.extract_strided_slice %get3A_72 {offsets = [4], sizes = [1], strides = [1]} : vector<16xi32> to vector<1xi32>
        %squeeze3A_190 = vector.extract %slice3A_189[0] : i32 from vector<1xi32>
        %mul3A_191 = arith.constant 16 : i32
        %mul3A_192 = arith.muli %scan3A_66, %mul3A_191 : i32
        %add3A_193 = arith.constant 4 : i32
        %add3A_194 = arith.addi %mul3A_192, %add3A_193 : i32
        %dma_start3A_195 = arith.constant 0 : i32
        %dma_start3A_196 = tpu.memref_slice %arg12[%add3A_194, %dma_start3A_195] : memref<128x64xf32, #tpu.memory_space<vmem>> -> memref<1x64xf32, #tpu.memory_space<vmem>>
        %dma_start3A_197 = arith.constant 0 : i32
        %dma_start3A_198 = tpu.memref_slice %arg4[%squeeze3A_190, %dma_start3A_197] : memref<1000001x64xf32, #tpu.memory_space<hbm>> -> memref<1x64xf32, #tpu.memory_space<hbm>>
        %dma_start3A_199 = arith.constant 0 : i32
        %dma_start3A_200 = tpu.memref_slice %arg12[%add3A_194, %dma_start3A_199] : memref<128x64xf32, #tpu.memory_space<vmem>> -> memref<1x64xf32, #tpu.memory_space<vmem>>
        %dma_start3A_201 = arith.constant 0 : i32
        %dma_start3A_202 = tpu.memref_slice %arg4[%squeeze3A_190, %dma_start3A_201] : memref<1000001x64xf32, #tpu.memory_space<hbm>> -> memref<1x64xf32, #tpu.memory_space<hbm>>
        tpu.enqueue_dma source(%dma_start3A_202 : memref<1x64xf32, #tpu.memory_space<hbm>>) target(%dma_start3A_200 : memref<1x64xf32, #tpu.memory_space<vmem>>) target_semaphore(%arg16 : memref<!tpu.dma_semaphore, #tpu.memory_space<semaphore_mem>>)
        %slice3A_203 = vector.extract_strided_slice %get3A_79 {offsets = [4], sizes = [1], strides = [1]} : vector<16xi32> to vector<1xi32>
        %squeeze3A_204 = vector.extract %slice3A_203[0] : i32 from vector<1xi32>
        %mul3A_205 = arith.constant 16 : i32
        %mul3A_206 = arith.muli %scan3A_66, %mul3A_205 : i32
        %add3A_207 = arith.constant 4 : i32
        %add3A_208 = arith.addi %mul3A_206, %add3A_207 : i32
        %dma_start3A_209 = arith.constant 0 : i32
        %dma_start3A_210 = tpu.memref_slice %arg13[%add3A_208, %dma_start3A_209] : memref<128x64xf32, #tpu.memory_space<vmem>> -> memref<1x64xf32, #tpu.memory_space<vmem>>
        %dma_start3A_211 = arith.constant 0 : i32
        %dma_start3A_212 = tpu.memref_slice %arg5[%squeeze3A_204, %dma_start3A_211] : memref<100001x64xf32, #tpu.memory_space<hbm>> -> memref<1x64xf32, #tpu.memory_space<hbm>>
        %dma_start3A_213 = arith.constant 0 : i32
        %dma_start3A_214 = tpu.memref_slice %arg13[%add3A_208, %dma_start3A_213] : memref<128x64xf32, #tpu.memory_space<vmem>> -> memref<1x64xf32, #tpu.memory_space<vmem>>
        %dma_start3A_215 = arith.constant 0 : i32
        %dma_start3A_216 = tpu.memref_slice %arg5[%squeeze3A_204, %dma_start3A_215] : memref<100001x64xf32, #tpu.memory_space<hbm>> -> memref<1x64xf32, #tpu.memory_space<hbm>>
        tpu.enqueue_dma source(%dma_start3A_216 : memref<1x64xf32, #tpu.memory_space<hbm>>) target(%dma_start3A_214 : memref<1x64xf32, #tpu.memory_space<vmem>>) target_semaphore(%arg17 : memref<!tpu.dma_semaphore, #tpu.memory_space<semaphore_mem>>)
        %slice3A_217 = vector.extract_strided_slice %get3A_72 {offsets = [5], sizes = [1], strides = [1]} : vector<16xi32> to vector<1xi32>
        %squeeze3A_218 = vector.extract %slice3A_217[0] : i32 from vector<1xi32>
        %mul3A_219 = arith.constant 16 : i32
        %mul3A_220 = arith.muli %scan3A_66, %mul3A_219 : i32
        %add3A_221 = arith.constant 5 : i32
        %add3A_222 = arith.addi %mul3A_220, %add3A_221 : i32
        %dma_start3A_223 = arith.constant 0 : i32
        %dma_start3A_224 = tpu.memref_slice %arg12[%add3A_222, %dma_start3A_223] : memref<128x64xf32, #tpu.memory_space<vmem>> -> memref<1x64xf32, #tpu.memory_space<vmem>>
        %dma_start3A_225 = arith.constant 0 : i32
        %dma_start3A_226 = tpu.memref_slice %arg4[%squeeze3A_218, %dma_start3A_225] : memref<1000001x64xf32, #tpu.memory_space<hbm>> -> memref<1x64xf32, #tpu.memory_space<hbm>>
        %dma_start3A_227 = arith.constant 0 : i32
        %dma_start3A_228 = tpu.memref_slice %arg12[%add3A_222, %dma_start3A_227] : memref<128x64xf32, #tpu.memory_space<vmem>> -> memref<1x64xf32, #tpu.memory_space<vmem>>
        %dma_start3A_229 = arith.constant 0 : i32
        %dma_start3A_230 = tpu.memref_slice %arg4[%squeeze3A_218, %dma_start3A_229] : memref<1000001x64xf32, #tpu.memory_space<hbm>> -> memref<1x64xf32, #tpu.memory_space<hbm>>
        tpu.enqueue_dma source(%dma_start3A_230 : memref<1x64xf32, #tpu.memory_space<hbm>>) target(%dma_start3A_228 : memref<1x64xf32, #tpu.memory_space<vmem>>) target_semaphore(%arg16 : memref<!tpu.dma_semaphore, #tpu.memory_space<semaphore_mem>>)
        %slice3A_231 = vector.extract_strided_slice %get3A_79 {offsets = [5], sizes = [1], strides = [1]} : vector<16xi32> to vector<1xi32>
        %squeeze3A_232 = vector.extract %slice3A_231[0] : i32 from vector<1xi32>
        %mul3A_233 = arith.constant 16 : i32
        %mul3A_234 = arith.muli %scan3A_66, %mul3A_233 : i32
        %add3A_235 = arith.constant 5 : i32
        %add3A_236 = arith.addi %mul3A_234, %add3A_235 : i32
        %dma_start3A_237 = arith.constant 0 : i32
        %dma_start3A_238 = tpu.memref_slice %arg13[%add3A_236, %dma_start3A_237] : memref<128x64xf32, #tpu.memory_space<vmem>> -> memref<1x64xf32, #tpu.memory_space<vmem>>
        %dma_start3A_239 = arith.constant 0 : i32
        %dma_start3A_240 = tpu.memref_slice %arg5[%squeeze3A_232, %dma_start3A_239] : memref<100001x64xf32, #tpu.memory_space<hbm>> -> memref<1x64xf32, #tpu.memory_space<hbm>>
        %dma_start3A_241 = arith.constant 0 : i32
        %dma_start3A_242 = tpu.memref_slice %arg13[%add3A_236, %dma_start3A_241] : memref<128x64xf32, #tpu.memory_space<vmem>> -> memref<1x64xf32, #tpu.memory_space<vmem>>
        %dma_start3A_243 = arith.constant 0 : i32
        %dma_start3A_244 = tpu.memref_slice %arg5[%squeeze3A_232, %dma_start3A_243] : memref<100001x64xf32, #tpu.memory_space<hbm>> -> memref<1x64xf32, #tpu.memory_space<hbm>>
        tpu.enqueue_dma source(%dma_start3A_244 : memref<1x64xf32, #tpu.memory_space<hbm>>) target(%dma_start3A_242 : memref<1x64xf32, #tpu.memory_space<vmem>>) target_semaphore(%arg17 : memref<!tpu.dma_semaphore, #tpu.memory_space<semaphore_mem>>)
        %slice3A_245 = vector.extract_strided_slice %get3A_72 {offsets = [6], sizes = [1], strides = [1]} : vector<16xi32> to vector<1xi32>
        %squeeze3A_246 = vector.extract %slice3A_245[0] : i32 from vector<1xi32>
        %mul3A_247 = arith.constant 16 : i32
        %mul3A_248 = arith.muli %scan3A_66, %mul3A_247 : i32
        %add3A_249 = arith.constant 6 : i32
        %add3A_250 = arith.addi %mul3A_248, %add3A_249 : i32
        %dma_start3A_251 = arith.constant 0 : i32
        %dma_start3A_252 = tpu.memref_slice %arg12[%add3A_250, %dma_start3A_251] : memref<128x64xf32, #tpu.memory_space<vmem>> -> memref<1x64xf32, #tpu.memory_space<vmem>>
        %dma_start3A_253 = arith.constant 0 : i32
        %dma_start3A_254 = tpu.memref_slice %arg4[%squeeze3A_246, %dma_start3A_253] : memref<1000001x64xf32, #tpu.memory_space<hbm>> -> memref<1x64xf32, #tpu.memory_space<hbm>>
        %dma_start3A_255 = arith.constant 0 : i32
        %dma_start3A_256 = tpu.memref_slice %arg12[%add3A_250, %dma_start3A_255] : memref<128x64xf32, #tpu.memory_space<vmem>> -> memref<1x64xf32, #tpu.memory_space<vmem>>
        %dma_start3A_257 = arith.constant 0 : i32
        %dma_start3A_258 = tpu.memref_slice %arg4[%squeeze3A_246, %dma_start3A_257] : memref<1000001x64xf32, #tpu.memory_space<hbm>> -> memref<1x64xf32, #tpu.memory_space<hbm>>
        tpu.enqueue_dma source(%dma_start3A_258 : memref<1x64xf32, #tpu.memory_space<hbm>>) target(%dma_start3A_256 : memref<1x64xf32, #tpu.memory_space<vmem>>) target_semaphore(%arg16 : memref<!tpu.dma_semaphore, #tpu.memory_space<semaphore_mem>>)
        %slice3A_259 = vector.extract_strided_slice %get3A_79 {offsets = [6], sizes = [1], strides = [1]} : vector<16xi32> to vector<1xi32>
        %squeeze3A_260 = vector.extract %slice3A_259[0] : i32 from vector<1xi32>
        %mul3A_261 = arith.constant 16 : i32
        %mul3A_262 = arith.muli %scan3A_66, %mul3A_261 : i32
        %add3A_263 = arith.constant 6 : i32
        %add3A_264 = arith.addi %mul3A_262, %add3A_263 : i32
        %dma_start3A_265 = arith.constant 0 : i32
        %dma_start3A_266 = tpu.memref_slice %arg13[%add3A_264, %dma_start3A_265] : memref<128x64xf32, #tpu.memory_space<vmem>> -> memref<1x64xf32, #tpu.memory_space<vmem>>
        %dma_start3A_267 = arith.constant 0 : i32
        %dma_start3A_268 = tpu.memref_slice %arg5[%squeeze3A_260, %dma_start3A_267] : memref<100001x64xf32, #tpu.memory_space<hbm>> -> memref<1x64xf32, #tpu.memory_space<hbm>>
        %dma_start3A_269 = arith.constant 0 : i32
        %dma_start3A_270 = tpu.memref_slice %arg13[%add3A_264, %dma_start3A_269] : memref<128x64xf32, #tpu.memory_space<vmem>> -> memref<1x64xf32, #tpu.memory_space<vmem>>
        %dma_start3A_271 = arith.constant 0 : i32
        %dma_start3A_272 = tpu.memref_slice %arg5[%squeeze3A_260, %dma_start3A_271] : memref<100001x64xf32, #tpu.memory_space<hbm>> -> memref<1x64xf32, #tpu.memory_space<hbm>>
        tpu.enqueue_dma source(%dma_start3A_272 : memref<1x64xf32, #tpu.memory_space<hbm>>) target(%dma_start3A_270 : memref<1x64xf32, #tpu.memory_space<vmem>>) target_semaphore(%arg17 : memref<!tpu.dma_semaphore, #tpu.memory_space<semaphore_mem>>)
        %slice3A_273 = vector.extract_strided_slice %get3A_72 {offsets = [7], sizes = [1], strides = [1]} : vector<16xi32> to vector<1xi32>
        %squeeze3A_274 = vector.extract %slice3A_273[0] : i32 from vector<1xi32>
        %mul3A_275 = arith.constant 16 : i32
        %mul3A_276 = arith.muli %scan3A_66, %mul3A_275 : i32
        %add3A_277 = arith.constant 7 : i32
        %add3A_278 = arith.addi %mul3A_276, %add3A_277 : i32
        %dma_start3A_279 = arith.constant 0 : i32
        %dma_start3A_280 = tpu.memref_slice %arg12[%add3A_278, %dma_start3A_279] : memref<128x64xf32, #tpu.memory_space<vmem>> -> memref<1x64xf32, #tpu.memory_space<vmem>>
        %dma_start3A_281 = arith.constant 0 : i32
        %dma_start3A_282 = tpu.memref_slice %arg4[%squeeze3A_274, %dma_start3A_281] : memref<1000001x64xf32, #tpu.memory_space<hbm>> -> memref<1x64xf32, #tpu.memory_space<hbm>>
        %dma_start3A_283 = arith.constant 0 : i32
        %dma_start3A_284 = tpu.memref_slice %arg12[%add3A_278, %dma_start3A_283] : memref<128x64xf32, #tpu.memory_space<vmem>> -> memref<1x64xf32, #tpu.memory_space<vmem>>
        %dma_start3A_285 = arith.constant 0 : i32
        %dma_start3A_286 = tpu.memref_slice %arg4[%squeeze3A_274, %dma_start3A_285] : memref<1000001x64xf32, #tpu.memory_space<hbm>> -> memref<1x64xf32, #tpu.memory_space<hbm>>
        tpu.enqueue_dma source(%dma_start3A_286 : memref<1x64xf32, #tpu.memory_space<hbm>>) target(%dma_start3A_284 : memref<1x64xf32, #tpu.memory_space<vmem>>) target_semaphore(%arg16 : memref<!tpu.dma_semaphore, #tpu.memory_space<semaphore_mem>>)
        %slice3A_287 = vector.extract_strided_slice %get3A_79 {offsets = [7], sizes = [1], strides = [1]} : vector<16xi32> to vector<1xi32>
        %squeeze3A_288 = vector.extract %slice3A_287[0] : i32 from vector<1xi32>
        %mul3A_289 = arith.constant 16 : i32
        %mul3A_290 = arith.muli %scan3A_66, %mul3A_289 : i32
        %add3A_291 = arith.constant 7 : i32
        %add3A_292 = arith.addi %mul3A_290, %add3A_291 : i32
        %dma_start3A_293 = arith.constant 0 : i32
        %dma_start3A_294 = tpu.memref_slice %arg13[%add3A_292, %dma_start3A_293] : memref<128x64xf32, #tpu.memory_space<vmem>> -> memref<1x64xf32, #tpu.memory_space<vmem>>
        %dma_start3A_295 = arith.constant 0 : i32
        %dma_start3A_296 = tpu.memref_slice %arg5[%squeeze3A_288, %dma_start3A_295] : memref<100001x64xf32, #tpu.memory_space<hbm>> -> memref<1x64xf32, #tpu.memory_space<hbm>>
        %dma_start3A_297 = arith.constant 0 : i32
        %dma_start3A_298 = tpu.memref_slice %arg13[%add3A_292, %dma_start3A_297] : memref<128x64xf32, #tpu.memory_space<vmem>> -> memref<1x64xf32, #tpu.memory_space<vmem>>
        %dma_start3A_299 = arith.constant 0 : i32
        %dma_start3A_300 = tpu.memref_slice %arg5[%squeeze3A_288, %dma_start3A_299] : memref<100001x64xf32, #tpu.memory_space<hbm>> -> memref<1x64xf32, #tpu.memory_space<hbm>>
        tpu.enqueue_dma source(%dma_start3A_300 : memref<1x64xf32, #tpu.memory_space<hbm>>) target(%dma_start3A_298 : memref<1x64xf32, #tpu.memory_space<vmem>>) target_semaphore(%arg17 : memref<!tpu.dma_semaphore, #tpu.memory_space<semaphore_mem>>)
        %slice3A_301 = vector.extract_strided_slice %get3A_72 {offsets = [8], sizes = [1], strides = [1]} : vector<16xi32> to vector<1xi32>
        %squeeze3A_302 = vector.extract %slice3A_301[0] : i32 from vector<1xi32>
        %mul3A_303 = arith.constant 16 : i32
        %mul3A_304 = arith.muli %scan3A_66, %mul3A_303 : i32
        %add3A_305 = arith.constant 8 : i32
        %add3A_306 = arith.addi %mul3A_304, %add3A_305 : i32
        %dma_start3A_307 = arith.constant 0 : i32
        %dma_start3A_308 = tpu.memref_slice %arg12[%add3A_306, %dma_start3A_307] : memref<128x64xf32, #tpu.memory_space<vmem>> -> memref<1x64xf32, #tpu.memory_space<vmem>>
        %dma_start3A_309 = arith.constant 0 : i32
        %dma_start3A_310 = tpu.memref_slice %arg4[%squeeze3A_302, %dma_start3A_309] : memref<1000001x64xf32, #tpu.memory_space<hbm>> -> memref<1x64xf32, #tpu.memory_space<hbm>>
        %dma_start3A_311 = arith.constant 0 : i32
        %dma_start3A_312 = tpu.memref_slice %arg12[%add3A_306, %dma_start3A_311] : memref<128x64xf32, #tpu.memory_space<vmem>> -> memref<1x64xf32, #tpu.memory_space<vmem>>
        %dma_start3A_313 = arith.constant 0 : i32
        %dma_start3A_314 = tpu.memref_slice %arg4[%squeeze3A_302, %dma_start3A_313] : memref<1000001x64xf32, #tpu.memory_space<hbm>> -> memref<1x64xf32, #tpu.memory_space<hbm>>
        tpu.enqueue_dma source(%dma_start3A_314 : memref<1x64xf32, #tpu.memory_space<hbm>>) target(%dma_start3A_312 : memref<1x64xf32, #tpu.memory_space<vmem>>) target_semaphore(%arg16 : memref<!tpu.dma_semaphore, #tpu.memory_space<semaphore_mem>>)
        %slice3A_315 = vector.extract_strided_slice %get3A_79 {offsets = [8], sizes = [1], strides = [1]} : vector<16xi32> to vector<1xi32>
        %squeeze3A_316 = vector.extract %slice3A_315[0] : i32 from vector<1xi32>
        %mul3A_317 = arith.constant 16 : i32
        %mul3A_318 = arith.muli %scan3A_66, %mul3A_317 : i32
        %add3A_319 = arith.constant 8 : i32
        %add3A_320 = arith.addi %mul3A_318, %add3A_319 : i32
        %dma_start3A_321 = arith.constant 0 : i32
        %dma_start3A_322 = tpu.memref_slice %arg13[%add3A_320, %dma_start3A_321] : memref<128x64xf32, #tpu.memory_space<vmem>> -> memref<1x64xf32, #tpu.memory_space<vmem>>
        %dma_start3A_323 = arith.constant 0 : i32
        %dma_start3A_324 = tpu.memref_slice %arg5[%squeeze3A_316, %dma_start3A_323] : memref<100001x64xf32, #tpu.memory_space<hbm>> -> memref<1x64xf32, #tpu.memory_space<hbm>>
        %dma_start3A_325 = arith.constant 0 : i32
        %dma_start3A_326 = tpu.memref_slice %arg13[%add3A_320, %dma_start3A_325] : memref<128x64xf32, #tpu.memory_space<vmem>> -> memref<1x64xf32, #tpu.memory_space<vmem>>
        %dma_start3A_327 = arith.constant 0 : i32
        %dma_start3A_328 = tpu.memref_slice %arg5[%squeeze3A_316, %dma_start3A_327] : memref<100001x64xf32, #tpu.memory_space<hbm>> -> memref<1x64xf32, #tpu.memory_space<hbm>>
        tpu.enqueue_dma source(%dma_start3A_328 : memref<1x64xf32, #tpu.memory_space<hbm>>) target(%dma_start3A_326 : memref<1x64xf32, #tpu.memory_space<vmem>>) target_semaphore(%arg17 : memref<!tpu.dma_semaphore, #tpu.memory_space<semaphore_mem>>)
        %slice3A_329 = vector.extract_strided_slice %get3A_72 {offsets = [9], sizes = [1], strides = [1]} : vector<16xi32> to vector<1xi32>
        %squeeze3A_330 = vector.extract %slice3A_329[0] : i32 from vector<1xi32>
        %mul3A_331 = arith.constant 16 : i32
        %mul3A_332 = arith.muli %scan3A_66, %mul3A_331 : i32
        %add3A_333 = arith.constant 9 : i32
        %add3A_334 = arith.addi %mul3A_332, %add3A_333 : i32
        %dma_start3A_335 = arith.constant 0 : i32
        %dma_start3A_336 = tpu.memref_slice %arg12[%add3A_334, %dma_start3A_335] : memref<128x64xf32, #tpu.memory_space<vmem>> -> memref<1x64xf32, #tpu.memory_space<vmem>>
        %dma_start3A_337 = arith.constant 0 : i32
        %dma_start3A_338 = tpu.memref_slice %arg4[%squeeze3A_330, %dma_start3A_337] : memref<1000001x64xf32, #tpu.memory_space<hbm>> -> memref<1x64xf32, #tpu.memory_space<hbm>>
        %dma_start3A_339 = arith.constant 0 : i32
        %dma_start3A_340 = tpu.memref_slice %arg12[%add3A_334, %dma_start3A_339] : memref<128x64xf32, #tpu.memory_space<vmem>> -> memref<1x64xf32, #tpu.memory_space<vmem>>
        %dma_start3A_341 = arith.constant 0 : i32
        %dma_start3A_342 = tpu.memref_slice %arg4[%squeeze3A_330, %dma_start3A_341] : memref<1000001x64xf32, #tpu.memory_space<hbm>> -> memref<1x64xf32, #tpu.memory_space<hbm>>
        tpu.enqueue_dma source(%dma_start3A_342 : memref<1x64xf32, #tpu.memory_space<hbm>>) target(%dma_start3A_340 : memref<1x64xf32, #tpu.memory_space<vmem>>) target_semaphore(%arg16 : memref<!tpu.dma_semaphore, #tpu.memory_space<semaphore_mem>>)
        %slice3A_343 = vector.extract_strided_slice %get3A_79 {offsets = [9], sizes = [1], strides = [1]} : vector<16xi32> to vector<1xi32>
        %squeeze3A_344 = vector.extract %slice3A_343[0] : i32 from vector<1xi32>
        %mul3A_345 = arith.constant 16 : i32
        %mul3A_346 = arith.muli %scan3A_66, %mul3A_345 : i32
        %add3A_347 = arith.constant 9 : i32
        %add3A_348 = arith.addi %mul3A_346, %add3A_347 : i32
        %dma_start3A_349 = arith.constant 0 : i32
        %dma_start3A_350 = tpu.memref_slice %arg13[%add3A_348, %dma_start3A_349] : memref<128x64xf32, #tpu.memory_space<vmem>> -> memref<1x64xf32, #tpu.memory_space<vmem>>
        %dma_start3A_351 = arith.constant 0 : i32
        %dma_start3A_352 = tpu.memref_slice %arg5[%squeeze3A_344, %dma_start3A_351] : memref<100001x64xf32, #tpu.memory_space<hbm>> -> memref<1x64xf32, #tpu.memory_space<hbm>>
        %dma_start3A_353 = arith.constant 0 : i32
        %dma_start3A_354 = tpu.memref_slice %arg13[%add3A_348, %dma_start3A_353] : memref<128x64xf32, #tpu.memory_space<vmem>> -> memref<1x64xf32, #tpu.memory_space<vmem>>
        %dma_start3A_355 = arith.constant 0 : i32
        %dma_start3A_356 = tpu.memref_slice %arg5[%squeeze3A_344, %dma_start3A_355] : memref<100001x64xf32, #tpu.memory_space<hbm>> -> memref<1x64xf32, #tpu.memory_space<hbm>>
        tpu.enqueue_dma source(%dma_start3A_356 : memref<1x64xf32, #tpu.memory_space<hbm>>) target(%dma_start3A_354 : memref<1x64xf32, #tpu.memory_space<vmem>>) target_semaphore(%arg17 : memref<!tpu.dma_semaphore, #tpu.memory_space<semaphore_mem>>)
        %slice3A_357 = vector.extract_strided_slice %get3A_72 {offsets = [10], sizes = [1], strides = [1]} : vector<16xi32> to vector<1xi32>
        %squeeze3A_358 = vector.extract %slice3A_357[0] : i32 from vector<1xi32>
        %mul3A_359 = arith.constant 16 : i32
        %mul3A_360 = arith.muli %scan3A_66, %mul3A_359 : i32
        %add3A_361 = arith.constant 10 : i32
        %add3A_362 = arith.addi %mul3A_360, %add3A_361 : i32
        %dma_start3A_363 = arith.constant 0 : i32
        %dma_start3A_364 = tpu.memref_slice %arg12[%add3A_362, %dma_start3A_363] : memref<128x64xf32, #tpu.memory_space<vmem>> -> memref<1x64xf32, #tpu.memory_space<vmem>>
        %dma_start3A_365 = arith.constant 0 : i32
        %dma_start3A_366 = tpu.memref_slice %arg4[%squeeze3A_358, %dma_start3A_365] : memref<1000001x64xf32, #tpu.memory_space<hbm>> -> memref<1x64xf32, #tpu.memory_space<hbm>>
        %dma_start3A_367 = arith.constant 0 : i32
        %dma_start3A_368 = tpu.memref_slice %arg12[%add3A_362, %dma_start3A_367] : memref<128x64xf32, #tpu.memory_space<vmem>> -> memref<1x64xf32, #tpu.memory_space<vmem>>
        %dma_start3A_369 = arith.constant 0 : i32
        %dma_start3A_370 = tpu.memref_slice %arg4[%squeeze3A_358, %dma_start3A_369] : memref<1000001x64xf32, #tpu.memory_space<hbm>> -> memref<1x64xf32, #tpu.memory_space<hbm>>
        tpu.enqueue_dma source(%dma_start3A_370 : memref<1x64xf32, #tpu.memory_space<hbm>>) target(%dma_start3A_368 : memref<1x64xf32, #tpu.memory_space<vmem>>) target_semaphore(%arg16 : memref<!tpu.dma_semaphore, #tpu.memory_space<semaphore_mem>>)
        %slice3A_371 = vector.extract_strided_slice %get3A_79 {offsets = [10], sizes = [1], strides = [1]} : vector<16xi32> to vector<1xi32>
        %squeeze3A_372 = vector.extract %slice3A_371[0] : i32 from vector<1xi32>
        %mul3A_373 = arith.constant 16 : i32
        %mul3A_374 = arith.muli %scan3A_66, %mul3A_373 : i32
        %add3A_375 = arith.constant 10 : i32
        %add3A_376 = arith.addi %mul3A_374, %add3A_375 : i32
        %dma_start3A_377 = arith.constant 0 : i32
        %dma_start3A_378 = tpu.memref_slice %arg13[%add3A_376, %dma_start3A_377] : memref<128x64xf32, #tpu.memory_space<vmem>> -> memref<1x64xf32, #tpu.memory_space<vmem>>
        %dma_start3A_379 = arith.constant 0 : i32
        %dma_start3A_380 = tpu.memref_slice %arg5[%squeeze3A_372, %dma_start3A_379] : memref<100001x64xf32, #tpu.memory_space<hbm>> -> memref<1x64xf32, #tpu.memory_space<hbm>>
        %dma_start3A_381 = arith.constant 0 : i32
        %dma_start3A_382 = tpu.memref_slice %arg13[%add3A_376, %dma_start3A_381] : memref<128x64xf32, #tpu.memory_space<vmem>> -> memref<1x64xf32, #tpu.memory_space<vmem>>
        %dma_start3A_383 = arith.constant 0 : i32
        %dma_start3A_384 = tpu.memref_slice %arg5[%squeeze3A_372, %dma_start3A_383] : memref<100001x64xf32, #tpu.memory_space<hbm>> -> memref<1x64xf32, #tpu.memory_space<hbm>>
        tpu.enqueue_dma source(%dma_start3A_384 : memref<1x64xf32, #tpu.memory_space<hbm>>) target(%dma_start3A_382 : memref<1x64xf32, #tpu.memory_space<vmem>>) target_semaphore(%arg17 : memref<!tpu.dma_semaphore, #tpu.memory_space<semaphore_mem>>)
        %slice3A_385 = vector.extract_strided_slice %get3A_72 {offsets = [11], sizes = [1], strides = [1]} : vector<16xi32> to vector<1xi32>
        %squeeze3A_386 = vector.extract %slice3A_385[0] : i32 from vector<1xi32>
        %mul3A_387 = arith.constant 16 : i32
        %mul3A_388 = arith.muli %scan3A_66, %mul3A_387 : i32
        %add3A_389 = arith.constant 11 : i32
        %add3A_390 = arith.addi %mul3A_388, %add3A_389 : i32
        %dma_start3A_391 = arith.constant 0 : i32
        %dma_start3A_392 = tpu.memref_slice %arg12[%add3A_390, %dma_start3A_391] : memref<128x64xf32, #tpu.memory_space<vmem>> -> memref<1x64xf32, #tpu.memory_space<vmem>>
        %dma_start3A_393 = arith.constant 0 : i32
        %dma_start3A_394 = tpu.memref_slice %arg4[%squeeze3A_386, %dma_start3A_393] : memref<1000001x64xf32, #tpu.memory_space<hbm>> -> memref<1x64xf32, #tpu.memory_space<hbm>>
        %dma_start3A_395 = arith.constant 0 : i32
        %dma_start3A_396 = tpu.memref_slice %arg12[%add3A_390, %dma_start3A_395] : memref<128x64xf32, #tpu.memory_space<vmem>> -> memref<1x64xf32, #tpu.memory_space<vmem>>
        %dma_start3A_397 = arith.constant 0 : i32
        %dma_start3A_398 = tpu.memref_slice %arg4[%squeeze3A_386, %dma_start3A_397] : memref<1000001x64xf32, #tpu.memory_space<hbm>> -> memref<1x64xf32, #tpu.memory_space<hbm>>
        tpu.enqueue_dma source(%dma_start3A_398 : memref<1x64xf32, #tpu.memory_space<hbm>>) target(%dma_start3A_396 : memref<1x64xf32, #tpu.memory_space<vmem>>) target_semaphore(%arg16 : memref<!tpu.dma_semaphore, #tpu.memory_space<semaphore_mem>>)
        %slice3A_399 = vector.extract_strided_slice %get3A_79 {offsets = [11], sizes = [1], strides = [1]} : vector<16xi32> to vector<1xi32>
        %squeeze3A_400 = vector.extract %slice3A_399[0] : i32 from vector<1xi32>
        %mul3A_401 = arith.constant 16 : i32
        %mul3A_402 = arith.muli %scan3A_66, %mul3A_401 : i32
        %add3A_403 = arith.constant 11 : i32
        %add3A_404 = arith.addi %mul3A_402, %add3A_403 : i32
        %dma_start3A_405 = arith.constant 0 : i32
        %dma_start3A_406 = tpu.memref_slice %arg13[%add3A_404, %dma_start3A_405] : memref<128x64xf32, #tpu.memory_space<vmem>> -> memref<1x64xf32, #tpu.memory_space<vmem>>
        %dma_start3A_407 = arith.constant 0 : i32
        %dma_start3A_408 = tpu.memref_slice %arg5[%squeeze3A_400, %dma_start3A_407] : memref<100001x64xf32, #tpu.memory_space<hbm>> -> memref<1x64xf32, #tpu.memory_space<hbm>>
        %dma_start3A_409 = arith.constant 0 : i32
        %dma_start3A_410 = tpu.memref_slice %arg13[%add3A_404, %dma_start3A_409] : memref<128x64xf32, #tpu.memory_space<vmem>> -> memref<1x64xf32, #tpu.memory_space<vmem>>
        %dma_start3A_411 = arith.constant 0 : i32
        %dma_start3A_412 = tpu.memref_slice %arg5[%squeeze3A_400, %dma_start3A_411] : memref<100001x64xf32, #tpu.memory_space<hbm>> -> memref<1x64xf32, #tpu.memory_space<hbm>>
        tpu.enqueue_dma source(%dma_start3A_412 : memref<1x64xf32, #tpu.memory_space<hbm>>) target(%dma_start3A_410 : memref<1x64xf32, #tpu.memory_space<vmem>>) target_semaphore(%arg17 : memref<!tpu.dma_semaphore, #tpu.memory_space<semaphore_mem>>)
        %slice3A_413 = vector.extract_strided_slice %get3A_72 {offsets = [12], sizes = [1], strides = [1]} : vector<16xi32> to vector<1xi32>
        %squeeze3A_414 = vector.extract %slice3A_413[0] : i32 from vector<1xi32>
        %mul3A_415 = arith.constant 16 : i32
        %mul3A_416 = arith.muli %scan3A_66, %mul3A_415 : i32
        %add3A_417 = arith.constant 12 : i32
        %add3A_418 = arith.addi %mul3A_416, %add3A_417 : i32
        %dma_start3A_419 = arith.constant 0 : i32
        %dma_start3A_420 = tpu.memref_slice %arg12[%add3A_418, %dma_start3A_419] : memref<128x64xf32, #tpu.memory_space<vmem>> -> memref<1x64xf32, #tpu.memory_space<vmem>>
        %dma_start3A_421 = arith.constant 0 : i32
        %dma_start3A_422 = tpu.memref_slice %arg4[%squeeze3A_414, %dma_start3A_421] : memref<1000001x64xf32, #tpu.memory_space<hbm>> -> memref<1x64xf32, #tpu.memory_space<hbm>>
        %dma_start3A_423 = arith.constant 0 : i32
        %dma_start3A_424 = tpu.memref_slice %arg12[%add3A_418, %dma_start3A_423] : memref<128x64xf32, #tpu.memory_space<vmem>> -> memref<1x64xf32, #tpu.memory_space<vmem>>
        %dma_start3A_425 = arith.constant 0 : i32
        %dma_start3A_426 = tpu.memref_slice %arg4[%squeeze3A_414, %dma_start3A_425] : memref<1000001x64xf32, #tpu.memory_space<hbm>> -> memref<1x64xf32, #tpu.memory_space<hbm>>
        tpu.enqueue_dma source(%dma_start3A_426 : memref<1x64xf32, #tpu.memory_space<hbm>>) target(%dma_start3A_424 : memref<1x64xf32, #tpu.memory_space<vmem>>) target_semaphore(%arg16 : memref<!tpu.dma_semaphore, #tpu.memory_space<semaphore_mem>>)
        %slice3A_427 = vector.extract_strided_slice %get3A_79 {offsets = [12], sizes = [1], strides = [1]} : vector<16xi32> to vector<1xi32>
        %squeeze3A_428 = vector.extract %slice3A_427[0] : i32 from vector<1xi32>
        %mul3A_429 = arith.constant 16 : i32
        %mul3A_430 = arith.muli %scan3A_66, %mul3A_429 : i32
        %add3A_431 = arith.constant 12 : i32
        %add3A_432 = arith.addi %mul3A_430, %add3A_431 : i32
        %dma_start3A_433 = arith.constant 0 : i32
        %dma_start3A_434 = tpu.memref_slice %arg13[%add3A_432, %dma_start3A_433] : memref<128x64xf32, #tpu.memory_space<vmem>> -> memref<1x64xf32, #tpu.memory_space<vmem>>
        %dma_start3A_435 = arith.constant 0 : i32
        %dma_start3A_436 = tpu.memref_slice %arg5[%squeeze3A_428, %dma_start3A_435] : memref<100001x64xf32, #tpu.memory_space<hbm>> -> memref<1x64xf32, #tpu.memory_space<hbm>>
        %dma_start3A_437 = arith.constant 0 : i32
        %dma_start3A_438 = tpu.memref_slice %arg13[%add3A_432, %dma_start3A_437] : memref<128x64xf32, #tpu.memory_space<vmem>> -> memref<1x64xf32, #tpu.memory_space<vmem>>
        %dma_start3A_439 = arith.constant 0 : i32
        %dma_start3A_440 = tpu.memref_slice %arg5[%squeeze3A_428, %dma_start3A_439] : memref<100001x64xf32, #tpu.memory_space<hbm>> -> memref<1x64xf32, #tpu.memory_space<hbm>>
        tpu.enqueue_dma source(%dma_start3A_440 : memref<1x64xf32, #tpu.memory_space<hbm>>) target(%dma_start3A_438 : memref<1x64xf32, #tpu.memory_space<vmem>>) target_semaphore(%arg17 : memref<!tpu.dma_semaphore, #tpu.memory_space<semaphore_mem>>)
        %slice3A_441 = vector.extract_strided_slice %get3A_72 {offsets = [13], sizes = [1], strides = [1]} : vector<16xi32> to vector<1xi32>
        %squeeze3A_442 = vector.extract %slice3A_441[0] : i32 from vector<1xi32>
        %mul3A_443 = arith.constant 16 : i32
        %mul3A_444 = arith.muli %scan3A_66, %mul3A_443 : i32
        %add3A_445 = arith.constant 13 : i32
        %add3A_446 = arith.addi %mul3A_444, %add3A_445 : i32
        %dma_start3A_447 = arith.constant 0 : i32
        %dma_start3A_448 = tpu.memref_slice %arg12[%add3A_446, %dma_start3A_447] : memref<128x64xf32, #tpu.memory_space<vmem>> -> memref<1x64xf32, #tpu.memory_space<vmem>>
        %dma_start3A_449 = arith.constant 0 : i32
        %dma_start3A_450 = tpu.memref_slice %arg4[%squeeze3A_442, %dma_start3A_449] : memref<1000001x64xf32, #tpu.memory_space<hbm>> -> memref<1x64xf32, #tpu.memory_space<hbm>>
        %dma_start3A_451 = arith.constant 0 : i32
        %dma_start3A_452 = tpu.memref_slice %arg12[%add3A_446, %dma_start3A_451] : memref<128x64xf32, #tpu.memory_space<vmem>> -> memref<1x64xf32, #tpu.memory_space<vmem>>
        %dma_start3A_453 = arith.constant 0 : i32
        %dma_start3A_454 = tpu.memref_slice %arg4[%squeeze3A_442, %dma_start3A_453] : memref<1000001x64xf32, #tpu.memory_space<hbm>> -> memref<1x64xf32, #tpu.memory_space<hbm>>
        tpu.enqueue_dma source(%dma_start3A_454 : memref<1x64xf32, #tpu.memory_space<hbm>>) target(%dma_start3A_452 : memref<1x64xf32, #tpu.memory_space<vmem>>) target_semaphore(%arg16 : memref<!tpu.dma_semaphore, #tpu.memory_space<semaphore_mem>>)
        %slice3A_455 = vector.extract_strided_slice %get3A_79 {offsets = [13], sizes = [1], strides = [1]} : vector<16xi32> to vector<1xi32>
        %squeeze3A_456 = vector.extract %slice3A_455[0] : i32 from vector<1xi32>
        %mul3A_457 = arith.constant 16 : i32
        %mul3A_458 = arith.muli %scan3A_66, %mul3A_457 : i32
        %add3A_459 = arith.constant 13 : i32
        %add3A_460 = arith.addi %mul3A_458, %add3A_459 : i32
        %dma_start3A_461 = arith.constant 0 : i32
        %dma_start3A_462 = tpu.memref_slice %arg13[%add3A_460, %dma_start3A_461] : memref<128x64xf32, #tpu.memory_space<vmem>> -> memref<1x64xf32, #tpu.memory_space<vmem>>
        %dma_start3A_463 = arith.constant 0 : i32
        %dma_start3A_464 = tpu.memref_slice %arg5[%squeeze3A_456, %dma_start3A_463] : memref<100001x64xf32, #tpu.memory_space<hbm>> -> memref<1x64xf32, #tpu.memory_space<hbm>>
        %dma_start3A_465 = arith.constant 0 : i32
        %dma_start3A_466 = tpu.memref_slice %arg13[%add3A_460, %dma_start3A_465] : memref<128x64xf32, #tpu.memory_space<vmem>> -> memref<1x64xf32, #tpu.memory_space<vmem>>
        %dma_start3A_467 = arith.constant 0 : i32
        %dma_start3A_468 = tpu.memref_slice %arg5[%squeeze3A_456, %dma_start3A_467] : memref<100001x64xf32, #tpu.memory_space<hbm>> -> memref<1x64xf32, #tpu.memory_space<hbm>>
        tpu.enqueue_dma source(%dma_start3A_468 : memref<1x64xf32, #tpu.memory_space<hbm>>) target(%dma_start3A_466 : memref<1x64xf32, #tpu.memory_space<vmem>>) target_semaphore(%arg17 : memref<!tpu.dma_semaphore, #tpu.memory_space<semaphore_mem>>)
        %slice3A_469 = vector.extract_strided_slice %get3A_72 {offsets = [14], sizes = [1], strides = [1]} : vector<16xi32> to vector<1xi32>
        %squeeze3A_470 = vector.extract %slice3A_469[0] : i32 from vector<1xi32>
        %mul3A_471 = arith.constant 16 : i32
        %mul3A_472 = arith.muli %scan3A_66, %mul3A_471 : i32
        %add3A_473 = arith.constant 14 : i32
        %add3A_474 = arith.addi %mul3A_472, %add3A_473 : i32
        %dma_start3A_475 = arith.constant 0 : i32
        %dma_start3A_476 = tpu.memref_slice %arg12[%add3A_474, %dma_start3A_475] : memref<128x64xf32, #tpu.memory_space<vmem>> -> memref<1x64xf32, #tpu.memory_space<vmem>>
        %dma_start3A_477 = arith.constant 0 : i32
        %dma_start3A_478 = tpu.memref_slice %arg4[%squeeze3A_470, %dma_start3A_477] : memref<1000001x64xf32, #tpu.memory_space<hbm>> -> memref<1x64xf32, #tpu.memory_space<hbm>>
        %dma_start3A_479 = arith.constant 0 : i32
        %dma_start3A_480 = tpu.memref_slice %arg12[%add3A_474, %dma_start3A_479] : memref<128x64xf32, #tpu.memory_space<vmem>> -> memref<1x64xf32, #tpu.memory_space<vmem>>
        %dma_start3A_481 = arith.constant 0 : i32
        %dma_start3A_482 = tpu.memref_slice %arg4[%squeeze3A_470, %dma_start3A_481] : memref<1000001x64xf32, #tpu.memory_space<hbm>> -> memref<1x64xf32, #tpu.memory_space<hbm>>
        tpu.enqueue_dma source(%dma_start3A_482 : memref<1x64xf32, #tpu.memory_space<hbm>>) target(%dma_start3A_480 : memref<1x64xf32, #tpu.memory_space<vmem>>) target_semaphore(%arg16 : memref<!tpu.dma_semaphore, #tpu.memory_space<semaphore_mem>>)
        %slice3A_483 = vector.extract_strided_slice %get3A_79 {offsets = [14], sizes = [1], strides = [1]} : vector<16xi32> to vector<1xi32>
        %squeeze3A_484 = vector.extract %slice3A_483[0] : i32 from vector<1xi32>
        %mul3A_485 = arith.constant 16 : i32
        %mul3A_486 = arith.muli %scan3A_66, %mul3A_485 : i32
        %add3A_487 = arith.constant 14 : i32
        %add3A_488 = arith.addi %mul3A_486, %add3A_487 : i32
        %dma_start3A_489 = arith.constant 0 : i32
        %dma_start3A_490 = tpu.memref_slice %arg13[%add3A_488, %dma_start3A_489] : memref<128x64xf32, #tpu.memory_space<vmem>> -> memref<1x64xf32, #tpu.memory_space<vmem>>
        %dma_start3A_491 = arith.constant 0 : i32
        %dma_start3A_492 = tpu.memref_slice %arg5[%squeeze3A_484, %dma_start3A_491] : memref<100001x64xf32, #tpu.memory_space<hbm>> -> memref<1x64xf32, #tpu.memory_space<hbm>>
        %dma_start3A_493 = arith.constant 0 : i32
        %dma_start3A_494 = tpu.memref_slice %arg13[%add3A_488, %dma_start3A_493] : memref<128x64xf32, #tpu.memory_space<vmem>> -> memref<1x64xf32, #tpu.memory_space<vmem>>
        %dma_start3A_495 = arith.constant 0 : i32
        %dma_start3A_496 = tpu.memref_slice %arg5[%squeeze3A_484, %dma_start3A_495] : memref<100001x64xf32, #tpu.memory_space<hbm>> -> memref<1x64xf32, #tpu.memory_space<hbm>>
        tpu.enqueue_dma source(%dma_start3A_496 : memref<1x64xf32, #tpu.memory_space<hbm>>) target(%dma_start3A_494 : memref<1x64xf32, #tpu.memory_space<vmem>>) target_semaphore(%arg17 : memref<!tpu.dma_semaphore, #tpu.memory_space<semaphore_mem>>)
        %slice3A_497 = vector.extract_strided_slice %get3A_72 {offsets = [15], sizes = [1], strides = [1]} : vector<16xi32> to vector<1xi32>
        %squeeze3A_498 = vector.extract %slice3A_497[0] : i32 from vector<1xi32>
        %mul3A_499 = arith.constant 16 : i32
        %mul3A_500 = arith.muli %scan3A_66, %mul3A_499 : i32
        %add3A_501 = arith.constant 15 : i32
        %add3A_502 = arith.addi %mul3A_500, %add3A_501 : i32
        %dma_start3A_503 = arith.constant 0 : i32
        %dma_start3A_504 = tpu.memref_slice %arg12[%add3A_502, %dma_start3A_503] : memref<128x64xf32, #tpu.memory_space<vmem>> -> memref<1x64xf32, #tpu.memory_space<vmem>>
        %dma_start3A_505 = arith.constant 0 : i32
        %dma_start3A_506 = tpu.memref_slice %arg4[%squeeze3A_498, %dma_start3A_505] : memref<1000001x64xf32, #tpu.memory_space<hbm>> -> memref<1x64xf32, #tpu.memory_space<hbm>>
        %dma_start3A_507 = arith.constant 0 : i32
        %dma_start3A_508 = tpu.memref_slice %arg12[%add3A_502, %dma_start3A_507] : memref<128x64xf32, #tpu.memory_space<vmem>> -> memref<1x64xf32, #tpu.memory_space<vmem>>
        %dma_start3A_509 = arith.constant 0 : i32
        %dma_start3A_510 = tpu.memref_slice %arg4[%squeeze3A_498, %dma_start3A_509] : memref<1000001x64xf32, #tpu.memory_space<hbm>> -> memref<1x64xf32, #tpu.memory_space<hbm>>
        tpu.enqueue_dma source(%dma_start3A_510 : memref<1x64xf32, #tpu.memory_space<hbm>>) target(%dma_start3A_508 : memref<1x64xf32, #tpu.memory_space<vmem>>) target_semaphore(%arg16 : memref<!tpu.dma_semaphore, #tpu.memory_space<semaphore_mem>>)
        %slice3A_511 = vector.extract_strided_slice %get3A_79 {offsets = [15], sizes = [1], strides = [1]} : vector<16xi32> to vector<1xi32>
        %squeeze3A_512 = vector.extract %slice3A_511[0] : i32 from vector<1xi32>
        %mul3A_513 = arith.constant 16 : i32
        %mul3A_514 = arith.muli %scan3A_66, %mul3A_513 : i32
        %add3A_515 = arith.constant 15 : i32
        %add3A_516 = arith.addi %mul3A_514, %add3A_515 : i32
        %dma_start3A_517 = arith.constant 0 : i32
        %dma_start3A_518 = tpu.memref_slice %arg13[%add3A_516, %dma_start3A_517] : memref<128x64xf32, #tpu.memory_space<vmem>> -> memref<1x64xf32, #tpu.memory_space<vmem>>
        %dma_start3A_519 = arith.constant 0 : i32
        %dma_start3A_520 = tpu.memref_slice %arg5[%squeeze3A_512, %dma_start3A_519] : memref<100001x64xf32, #tpu.memory_space<hbm>> -> memref<1x64xf32, #tpu.memory_space<hbm>>
        %dma_start3A_521 = arith.constant 0 : i32
        %dma_start3A_522 = tpu.memref_slice %arg13[%add3A_516, %dma_start3A_521] : memref<128x64xf32, #tpu.memory_space<vmem>> -> memref<1x64xf32, #tpu.memory_space<vmem>>
        %dma_start3A_523 = arith.constant 0 : i32
        %dma_start3A_524 = tpu.memref_slice %arg5[%squeeze3A_512, %dma_start3A_523] : memref<100001x64xf32, #tpu.memory_space<hbm>> -> memref<1x64xf32, #tpu.memory_space<hbm>>
        tpu.enqueue_dma source(%dma_start3A_524 : memref<1x64xf32, #tpu.memory_space<hbm>>) target(%dma_start3A_522 : memref<1x64xf32, #tpu.memory_space<vmem>>) target_semaphore(%arg17 : memref<!tpu.dma_semaphore, #tpu.memory_space<semaphore_mem>>)
      }
      %scan3A_24 = arith.constant 8 : i32
      %dma_wait3A = arith.constant 0 : i32
      %dma_wait3A_25 = arith.constant 0 : i32
      %dma_wait3A_26 = tpu.memref_slice %arg4[%dma_wait3A, %dma_wait3A_25] : memref<1000001x64xf32, #tpu.memory_space<hbm>> -> memref<128x64xf32, #tpu.memory_space<hbm>>
      %dma_wait3A_27 = arith.constant 0 : i32
      %dma_wait3A_28 = arith.constant 0 : i32
      %dma_wait3A_29 = tpu.memref_slice %arg4[%dma_wait3A_27, %dma_wait3A_28] : memref<1000001x64xf32, #tpu.memory_space<hbm>> -> memref<128x64xf32, #tpu.memory_space<hbm>>
      tpu.wait_dma2 semaphore(%arg14 : memref<!tpu.dma_semaphore, #tpu.memory_space<semaphore_mem>>) src(%dma_wait3A_29 : memref<128x64xf32, #tpu.memory_space<hbm>>) dst(%arg10 : memref<128x64xf32, #tpu.memory_space<vmem>>)
      %dma_wait3A_30 = arith.constant 0 : i32
      %dma_wait3A_31 = arith.constant 0 : i32
      %dma_wait3A_32 = tpu.memref_slice %arg5[%dma_wait3A_30, %dma_wait3A_31] : memref<100001x64xf32, #tpu.memory_space<hbm>> -> memref<128x64xf32, #tpu.memory_space<hbm>>
      %dma_wait3A_33 = arith.constant 0 : i32
      %dma_wait3A_34 = arith.constant 0 : i32
      %dma_wait3A_35 = tpu.memref_slice %arg5[%dma_wait3A_33, %dma_wait3A_34] : memref<100001x64xf32, #tpu.memory_space<hbm>> -> memref<128x64xf32, #tpu.memory_space<hbm>>
      tpu.wait_dma2 semaphore(%arg15 : memref<!tpu.dma_semaphore, #tpu.memory_space<semaphore_mem>>) src(%dma_wait3A_35 : memref<128x64xf32, #tpu.memory_space<hbm>>) dst(%arg11 : memref<128x64xf32, #tpu.memory_space<vmem>>)
      %mul3A_36 = arith.constant 128 : i32
      %mul3A_37 = arith.muli %mul3A_16, %mul3A_36 : i32
      %add3A_38 = arith.addi %mul3A_2, %mul3A_37 : i32
      "tpu.region"() ({
        %run_scoped3A = tpu.sem_alloc : memref<!tpu.dma_semaphore, #tpu.memory_space<semaphore_mem>>
        %dma_start3A = arith.constant 0 : i32
        %dma_start3A_66 = tpu.memref_slice %arg6[%add3A_38, %dma_start3A] : memref<16384x64xf32, #tpu.memory_space<hbm>> -> memref<128x64xf32, #tpu.memory_space<hbm>>
        %dma_start3A_67 = arith.constant 0 : i32
        %dma_start3A_68 = tpu.memref_slice %arg6[%add3A_38, %dma_start3A_67] : memref<16384x64xf32, #tpu.memory_space<hbm>> -> memref<128x64xf32, #tpu.memory_space<hbm>>
        tpu.enqueue_dma source(%arg10 : memref<128x64xf32, #tpu.memory_space<vmem>>) target(%dma_start3A_68 : memref<128x64xf32, #tpu.memory_space<hbm>>) target_semaphore(%run_scoped3A : memref<!tpu.dma_semaphore, #tpu.memory_space<semaphore_mem>>)
        %dma_wait3A_69 = arith.constant 0 : i32
        %dma_wait3A_70 = tpu.memref_slice %arg6[%add3A_38, %dma_wait3A_69] : memref<16384x64xf32, #tpu.memory_space<hbm>> -> memref<128x64xf32, #tpu.memory_space<hbm>>
        %dma_wait3A_71 = arith.constant 0 : i32
        %dma_wait3A_72 = tpu.memref_slice %arg6[%add3A_38, %dma_wait3A_71] : memref<16384x64xf32, #tpu.memory_space<hbm>> -> memref<128x64xf32, #tpu.memory_space<hbm>>
        tpu.wait_dma2 semaphore(%run_scoped3A : memref<!tpu.dma_semaphore, #tpu.memory_space<semaphore_mem>>) src(%arg10 : memref<128x64xf32, #tpu.memory_space<vmem>>) dst(%dma_wait3A_72 : memref<128x64xf32, #tpu.memory_space<hbm>>)
        tpu.yield
      }) : () -> ()
      %mul3A_39 = arith.constant 128 : i32
      %mul3A_40 = arith.muli %mul3A_16, %mul3A_39 : i32
      %add3A_41 = arith.addi %mul3A_2, %mul3A_40 : i32
      "tpu.region"() ({
        %run_scoped3A = tpu.sem_alloc : memref<!tpu.dma_semaphore, #tpu.memory_space<semaphore_mem>>
        %dma_start3A = arith.constant 0 : i32
        %dma_start3A_66 = tpu.memref_slice %arg7[%add3A_41, %dma_start3A] : memref<16384x64xf32, #tpu.memory_space<hbm>> -> memref<128x64xf32, #tpu.memory_space<hbm>>
        %dma_start3A_67 = arith.constant 0 : i32
        %dma_start3A_68 = tpu.memref_slice %arg7[%add3A_41, %dma_start3A_67] : memref<16384x64xf32, #tpu.memory_space<hbm>> -> memref<128x64xf32, #tpu.memory_space<hbm>>
        tpu.enqueue_dma source(%arg11 : memref<128x64xf32, #tpu.memory_space<vmem>>) target(%dma_start3A_68 : memref<128x64xf32, #tpu.memory_space<hbm>>) target_semaphore(%run_scoped3A : memref<!tpu.dma_semaphore, #tpu.memory_space<semaphore_mem>>)
        %dma_wait3A_69 = arith.constant 0 : i32
        %dma_wait3A_70 = tpu.memref_slice %arg7[%add3A_41, %dma_wait3A_69] : memref<16384x64xf32, #tpu.memory_space<hbm>> -> memref<128x64xf32, #tpu.memory_space<hbm>>
        %dma_wait3A_71 = arith.constant 0 : i32
        %dma_wait3A_72 = tpu.memref_slice %arg7[%add3A_41, %dma_wait3A_71] : memref<16384x64xf32, #tpu.memory_space<hbm>> -> memref<128x64xf32, #tpu.memory_space<hbm>>
        tpu.wait_dma2 semaphore(%run_scoped3A : memref<!tpu.dma_semaphore, #tpu.memory_space<semaphore_mem>>) src(%arg11 : memref<128x64xf32, #tpu.memory_space<vmem>>) dst(%dma_wait3A_72 : memref<128x64xf32, #tpu.memory_space<hbm>>)
        tpu.yield
      }) : () -> ()
      %add3A_42 = arith.constant 2 : i32
      %add3A_43 = arith.addi %mul3A_16, %add3A_42 : i32
      %lt3A = arith.constant 4 : i32
      %lt3A_44 = arith.cmpi slt, %add3A_43, %lt3A : i32
      %convert_element_type3A = arith.extui %lt3A_44 : i1 to i32
      %cond3A = arith.constant 0 : i32
      %cond3A_45 = arith.cmpi ne, %convert_element_type3A, %cond3A : i32
      scf.if %cond3A_45 {
        %add3A_66 = arith.constant 2 : i32
        %add3A_67 = arith.addi %mul3A_16, %add3A_66 : i32
        %scan3A_68 = arith.constant 0 : i32
        %scan3A_69 = arith.constant 0 : i32
        %scan3A_70 = arith.constant 8 : i32
        %scan3A_71 = arith.addi %scan3A_69, %scan3A_70 : i32
        %scan3A_72 = arith.constant 1 : i32
        scf.for %scan3A_74 = %scan3A_69 to %scan3A_71 step %scan3A_72  : i32 {
          %mul3A_75 = arith.constant 128 : i32
          %mul3A_76 = arith.muli %add3A_67, %mul3A_75 : i32
          %mul3A_77 = arith.constant 16 : i32
          %mul3A_78 = arith.muli %scan3A_74, %mul3A_77 : i32
          %add3A_79 = arith.addi %mul3A_76, %mul3A_78 : i32
          %get3A = arith.index_cast %add3A_79 : i32 to index
          %get3A_80 = tpu.vector_load %arg8[%get3A] {strides = array<i32>} : memref<512xi32, #tpu.memory_space<vmem>>, vector<16xi32>,
          %mul3A_81 = arith.constant 128 : i32
          %mul3A_82 = arith.muli %add3A_67, %mul3A_81 : i32
          %mul3A_83 = arith.constant 16 : i32
          %mul3A_84 = arith.muli %scan3A_74, %mul3A_83 : i32
          %add3A_85 = arith.addi %mul3A_82, %mul3A_84 : i32
          %get3A_86 = arith.index_cast %add3A_85 : i32 to index
          %get3A_87 = tpu.vector_load %arg9[%get3A_86] {strides = array<i32>} : memref<512xi32, #tpu.memory_space<vmem>>, vector<16xi32>,
          %slice3A = vector.extract_strided_slice %get3A_80 {offsets = [0], sizes = [1], strides = [1]} : vector<16xi32> to vector<1xi32>
          %squeeze3A = vector.extract %slice3A[0] : i32 from vector<1xi32>
          %mul3A_88 = arith.constant 16 : i32
          %mul3A_89 = arith.muli %scan3A_74, %mul3A_88 : i32
          %add3A_90 = arith.constant 0 : i32
          %add3A_91 = arith.addi %mul3A_89, %add3A_90 : i32
          %dma_start3A = arith.constant 0 : i32
          %dma_start3A_92 = tpu.memref_slice %arg10[%add3A_91, %dma_start3A] : memref<128x64xf32, #tpu.memory_space<vmem>> -> memref<1x64xf32, #tpu.memory_space<vmem>>
          %dma_start3A_93 = arith.constant 0 : i32
          %dma_start3A_94 = tpu.memref_slice %arg4[%squeeze3A, %dma_start3A_93] : memref<1000001x64xf32, #tpu.memory_space<hbm>> -> memref<1x64xf32, #tpu.memory_space<hbm>>
          %dma_start3A_95 = arith.constant 0 : i32
          %dma_start3A_96 = tpu.memref_slice %arg10[%add3A_91, %dma_start3A_95] : memref<128x64xf32, #tpu.memory_space<vmem>> -> memref<1x64xf32, #tpu.memory_space<vmem>>
          %dma_start3A_97 = arith.constant 0 : i32
          %dma_start3A_98 = tpu.memref_slice %arg4[%squeeze3A, %dma_start3A_97] : memref<1000001x64xf32, #tpu.memory_space<hbm>> -> memref<1x64xf32, #tpu.memory_space<hbm>>
          tpu.enqueue_dma source(%dma_start3A_98 : memref<1x64xf32, #tpu.memory_space<hbm>>) target(%dma_start3A_96 : memref<1x64xf32, #tpu.memory_space<vmem>>) target_semaphore(%arg14 : memref<!tpu.dma_semaphore, #tpu.memory_space<semaphore_mem>>)
          %slice3A_99 = vector.extract_strided_slice %get3A_87 {offsets = [0], sizes = [1], strides = [1]} : vector<16xi32> to vector<1xi32>
          %squeeze3A_100 = vector.extract %slice3A_99[0] : i32 from vector<1xi32>
          %mul3A_101 = arith.constant 16 : i32
          %mul3A_102 = arith.muli %scan3A_74, %mul3A_101 : i32
          %add3A_103 = arith.constant 0 : i32
          %add3A_104 = arith.addi %mul3A_102, %add3A_103 : i32
          %dma_start3A_105 = arith.constant 0 : i32
          %dma_start3A_106 = tpu.memref_slice %arg11[%add3A_104, %dma_start3A_105] : memref<128x64xf32, #tpu.memory_space<vmem>> -> memref<1x64xf32, #tpu.memory_space<vmem>>
          %dma_start3A_107 = arith.constant 0 : i32
          %dma_start3A_108 = tpu.memref_slice %arg5[%squeeze3A_100, %dma_start3A_107] : memref<100001x64xf32, #tpu.memory_space<hbm>> -> memref<1x64xf32, #tpu.memory_space<hbm>>
          %dma_start3A_109 = arith.constant 0 : i32
          %dma_start3A_110 = tpu.memref_slice %arg11[%add3A_104, %dma_start3A_109] : memref<128x64xf32, #tpu.memory_space<vmem>> -> memref<1x64xf32, #tpu.memory_space<vmem>>
          %dma_start3A_111 = arith.constant 0 : i32
          %dma_start3A_112 = tpu.memref_slice %arg5[%squeeze3A_100, %dma_start3A_111] : memref<100001x64xf32, #tpu.memory_space<hbm>> -> memref<1x64xf32, #tpu.memory_space<hbm>>
          tpu.enqueue_dma source(%dma_start3A_112 : memref<1x64xf32, #tpu.memory_space<hbm>>) target(%dma_start3A_110 : memref<1x64xf32, #tpu.memory_space<vmem>>) target_semaphore(%arg15 : memref<!tpu.dma_semaphore, #tpu.memory_space<semaphore_mem>>)
          %slice3A_113 = vector.extract_strided_slice %get3A_80 {offsets = [1], sizes = [1], strides = [1]} : vector<16xi32> to vector<1xi32>
          %squeeze3A_114 = vector.extract %slice3A_113[0] : i32 from vector<1xi32>
          %mul3A_115 = arith.constant 16 : i32
          %mul3A_116 = arith.muli %scan3A_74, %mul3A_115 : i32
          %add3A_117 = arith.constant 1 : i32
          %add3A_118 = arith.addi %mul3A_116, %add3A_117 : i32
          %dma_start3A_119 = arith.constant 0 : i32
          %dma_start3A_120 = tpu.memref_slice %arg10[%add3A_118, %dma_start3A_119] : memref<128x64xf32, #tpu.memory_space<vmem>> -> memref<1x64xf32, #tpu.memory_space<vmem>>
          %dma_start3A_121 = arith.constant 0 : i32
          %dma_start3A_122 = tpu.memref_slice %arg4[%squeeze3A_114, %dma_start3A_121] : memref<1000001x64xf32, #tpu.memory_space<hbm>> -> memref<1x64xf32, #tpu.memory_space<hbm>>
          %dma_start3A_123 = arith.constant 0 : i32
          %dma_start3A_124 = tpu.memref_slice %arg10[%add3A_118, %dma_start3A_123] : memref<128x64xf32, #tpu.memory_space<vmem>> -> memref<1x64xf32, #tpu.memory_space<vmem>>
          %dma_start3A_125 = arith.constant 0 : i32
          %dma_start3A_126 = tpu.memref_slice %arg4[%squeeze3A_114, %dma_start3A_125] : memref<1000001x64xf32, #tpu.memory_space<hbm>> -> memref<1x64xf32, #tpu.memory_space<hbm>>
          tpu.enqueue_dma source(%dma_start3A_126 : memref<1x64xf32, #tpu.memory_space<hbm>>) target(%dma_start3A_124 : memref<1x64xf32, #tpu.memory_space<vmem>>) target_semaphore(%arg14 : memref<!tpu.dma_semaphore, #tpu.memory_space<semaphore_mem>>)
          %slice3A_127 = vector.extract_strided_slice %get3A_87 {offsets = [1], sizes = [1], strides = [1]} : vector<16xi32> to vector<1xi32>
          %squeeze3A_128 = vector.extract %slice3A_127[0] : i32 from vector<1xi32>
          %mul3A_129 = arith.constant 16 : i32
          %mul3A_130 = arith.muli %scan3A_74, %mul3A_129 : i32
          %add3A_131 = arith.constant 1 : i32
          %add3A_132 = arith.addi %mul3A_130, %add3A_131 : i32
          %dma_start3A_133 = arith.constant 0 : i32
          %dma_start3A_134 = tpu.memref_slice %arg11[%add3A_132, %dma_start3A_133] : memref<128x64xf32, #tpu.memory_space<vmem>> -> memref<1x64xf32, #tpu.memory_space<vmem>>
          %dma_start3A_135 = arith.constant 0 : i32
          %dma_start3A_136 = tpu.memref_slice %arg5[%squeeze3A_128, %dma_start3A_135] : memref<100001x64xf32, #tpu.memory_space<hbm>> -> memref<1x64xf32, #tpu.memory_space<hbm>>
          %dma_start3A_137 = arith.constant 0 : i32
          %dma_start3A_138 = tpu.memref_slice %arg11[%add3A_132, %dma_start3A_137] : memref<128x64xf32, #tpu.memory_space<vmem>> -> memref<1x64xf32, #tpu.memory_space<vmem>>
          %dma_start3A_139 = arith.constant 0 : i32
          %dma_start3A_140 = tpu.memref_slice %arg5[%squeeze3A_128, %dma_start3A_139] : memref<100001x64xf32, #tpu.memory_space<hbm>> -> memref<1x64xf32, #tpu.memory_space<hbm>>
          tpu.enqueue_dma source(%dma_start3A_140 : memref<1x64xf32, #tpu.memory_space<hbm>>) target(%dma_start3A_138 : memref<1x64xf32, #tpu.memory_space<vmem>>) target_semaphore(%arg15 : memref<!tpu.dma_semaphore, #tpu.memory_space<semaphore_mem>>)
          %slice3A_141 = vector.extract_strided_slice %get3A_80 {offsets = [2], sizes = [1], strides = [1]} : vector<16xi32> to vector<1xi32>
          %squeeze3A_142 = vector.extract %slice3A_141[0] : i32 from vector<1xi32>
          %mul3A_143 = arith.constant 16 : i32
          %mul3A_144 = arith.muli %scan3A_74, %mul3A_143 : i32
          %add3A_145 = arith.constant 2 : i32
          %add3A_146 = arith.addi %mul3A_144, %add3A_145 : i32
          %dma_start3A_147 = arith.constant 0 : i32
          %dma_start3A_148 = tpu.memref_slice %arg10[%add3A_146, %dma_start3A_147] : memref<128x64xf32, #tpu.memory_space<vmem>> -> memref<1x64xf32, #tpu.memory_space<vmem>>
          %dma_start3A_149 = arith.constant 0 : i32
          %dma_start3A_150 = tpu.memref_slice %arg4[%squeeze3A_142, %dma_start3A_149] : memref<1000001x64xf32, #tpu.memory_space<hbm>> -> memref<1x64xf32, #tpu.memory_space<hbm>>
          %dma_start3A_151 = arith.constant 0 : i32
          %dma_start3A_152 = tpu.memref_slice %arg10[%add3A_146, %dma_start3A_151] : memref<128x64xf32, #tpu.memory_space<vmem>> -> memref<1x64xf32, #tpu.memory_space<vmem>>
          %dma_start3A_153 = arith.constant 0 : i32
          %dma_start3A_154 = tpu.memref_slice %arg4[%squeeze3A_142, %dma_start3A_153] : memref<1000001x64xf32, #tpu.memory_space<hbm>> -> memref<1x64xf32, #tpu.memory_space<hbm>>
          tpu.enqueue_dma source(%dma_start3A_154 : memref<1x64xf32, #tpu.memory_space<hbm>>) target(%dma_start3A_152 : memref<1x64xf32, #tpu.memory_space<vmem>>) target_semaphore(%arg14 : memref<!tpu.dma_semaphore, #tpu.memory_space<semaphore_mem>>)
          %slice3A_155 = vector.extract_strided_slice %get3A_87 {offsets = [2], sizes = [1], strides = [1]} : vector<16xi32> to vector<1xi32>
          %squeeze3A_156 = vector.extract %slice3A_155[0] : i32 from vector<1xi32>
          %mul3A_157 = arith.constant 16 : i32
          %mul3A_158 = arith.muli %scan3A_74, %mul3A_157 : i32
          %add3A_159 = arith.constant 2 : i32
          %add3A_160 = arith.addi %mul3A_158, %add3A_159 : i32
          %dma_start3A_161 = arith.constant 0 : i32
          %dma_start3A_162 = tpu.memref_slice %arg11[%add3A_160, %dma_start3A_161] : memref<128x64xf32, #tpu.memory_space<vmem>> -> memref<1x64xf32, #tpu.memory_space<vmem>>
          %dma_start3A_163 = arith.constant 0 : i32
          %dma_start3A_164 = tpu.memref_slice %arg5[%squeeze3A_156, %dma_start3A_163] : memref<100001x64xf32, #tpu.memory_space<hbm>> -> memref<1x64xf32, #tpu.memory_space<hbm>>
          %dma_start3A_165 = arith.constant 0 : i32
          %dma_start3A_166 = tpu.memref_slice %arg11[%add3A_160, %dma_start3A_165] : memref<128x64xf32, #tpu.memory_space<vmem>> -> memref<1x64xf32, #tpu.memory_space<vmem>>
          %dma_start3A_167 = arith.constant 0 : i32
          %dma_start3A_168 = tpu.memref_slice %arg5[%squeeze3A_156, %dma_start3A_167] : memref<100001x64xf32, #tpu.memory_space<hbm>> -> memref<1x64xf32, #tpu.memory_space<hbm>>
          tpu.enqueue_dma source(%dma_start3A_168 : memref<1x64xf32, #tpu.memory_space<hbm>>) target(%dma_start3A_166 : memref<1x64xf32, #tpu.memory_space<vmem>>) target_semaphore(%arg15 : memref<!tpu.dma_semaphore, #tpu.memory_space<semaphore_mem>>)
          %slice3A_169 = vector.extract_strided_slice %get3A_80 {offsets = [3], sizes = [1], strides = [1]} : vector<16xi32> to vector<1xi32>
          %squeeze3A_170 = vector.extract %slice3A_169[0] : i32 from vector<1xi32>
          %mul3A_171 = arith.constant 16 : i32
          %mul3A_172 = arith.muli %scan3A_74, %mul3A_171 : i32
          %add3A_173 = arith.constant 3 : i32
          %add3A_174 = arith.addi %mul3A_172, %add3A_173 : i32
          %dma_start3A_175 = arith.constant 0 : i32
          %dma_start3A_176 = tpu.memref_slice %arg10[%add3A_174, %dma_start3A_175] : memref<128x64xf32, #tpu.memory_space<vmem>> -> memref<1x64xf32, #tpu.memory_space<vmem>>
          %dma_start3A_177 = arith.constant 0 : i32
          %dma_start3A_178 = tpu.memref_slice %arg4[%squeeze3A_170, %dma_start3A_177] : memref<1000001x64xf32, #tpu.memory_space<hbm>> -> memref<1x64xf32, #tpu.memory_space<hbm>>
          %dma_start3A_179 = arith.constant 0 : i32
          %dma_start3A_180 = tpu.memref_slice %arg10[%add3A_174, %dma_start3A_179] : memref<128x64xf32, #tpu.memory_space<vmem>> -> memref<1x64xf32, #tpu.memory_space<vmem>>
          %dma_start3A_181 = arith.constant 0 : i32
          %dma_start3A_182 = tpu.memref_slice %arg4[%squeeze3A_170, %dma_start3A_181] : memref<1000001x64xf32, #tpu.memory_space<hbm>> -> memref<1x64xf32, #tpu.memory_space<hbm>>
          tpu.enqueue_dma source(%dma_start3A_182 : memref<1x64xf32, #tpu.memory_space<hbm>>) target(%dma_start3A_180 : memref<1x64xf32, #tpu.memory_space<vmem>>) target_semaphore(%arg14 : memref<!tpu.dma_semaphore, #tpu.memory_space<semaphore_mem>>)
          %slice3A_183 = vector.extract_strided_slice %get3A_87 {offsets = [3], sizes = [1], strides = [1]} : vector<16xi32> to vector<1xi32>
          %squeeze3A_184 = vector.extract %slice3A_183[0] : i32 from vector<1xi32>
          %mul3A_185 = arith.constant 16 : i32
          %mul3A_186 = arith.muli %scan3A_74, %mul3A_185 : i32
          %add3A_187 = arith.constant 3 : i32
          %add3A_188 = arith.addi %mul3A_186, %add3A_187 : i32
          %dma_start3A_189 = arith.constant 0 : i32
          %dma_start3A_190 = tpu.memref_slice %arg11[%add3A_188, %dma_start3A_189] : memref<128x64xf32, #tpu.memory_space<vmem>> -> memref<1x64xf32, #tpu.memory_space<vmem>>
          %dma_start3A_191 = arith.constant 0 : i32
          %dma_start3A_192 = tpu.memref_slice %arg5[%squeeze3A_184, %dma_start3A_191] : memref<100001x64xf32, #tpu.memory_space<hbm>> -> memref<1x64xf32, #tpu.memory_space<hbm>>
          %dma_start3A_193 = arith.constant 0 : i32
          %dma_start3A_194 = tpu.memref_slice %arg11[%add3A_188, %dma_start3A_193] : memref<128x64xf32, #tpu.memory_space<vmem>> -> memref<1x64xf32, #tpu.memory_space<vmem>>
          %dma_start3A_195 = arith.constant 0 : i32
          %dma_start3A_196 = tpu.memref_slice %arg5[%squeeze3A_184, %dma_start3A_195] : memref<100001x64xf32, #tpu.memory_space<hbm>> -> memref<1x64xf32, #tpu.memory_space<hbm>>
          tpu.enqueue_dma source(%dma_start3A_196 : memref<1x64xf32, #tpu.memory_space<hbm>>) target(%dma_start3A_194 : memref<1x64xf32, #tpu.memory_space<vmem>>) target_semaphore(%arg15 : memref<!tpu.dma_semaphore, #tpu.memory_space<semaphore_mem>>)
          %slice3A_197 = vector.extract_strided_slice %get3A_80 {offsets = [4], sizes = [1], strides = [1]} : vector<16xi32> to vector<1xi32>
          %squeeze3A_198 = vector.extract %slice3A_197[0] : i32 from vector<1xi32>
          %mul3A_199 = arith.constant 16 : i32
          %mul3A_200 = arith.muli %scan3A_74, %mul3A_199 : i32
          %add3A_201 = arith.constant 4 : i32
          %add3A_202 = arith.addi %mul3A_200, %add3A_201 : i32
          %dma_start3A_203 = arith.constant 0 : i32
          %dma_start3A_204 = tpu.memref_slice %arg10[%add3A_202, %dma_start3A_203] : memref<128x64xf32, #tpu.memory_space<vmem>> -> memref<1x64xf32, #tpu.memory_space<vmem>>
          %dma_start3A_205 = arith.constant 0 : i32
          %dma_start3A_206 = tpu.memref_slice %arg4[%squeeze3A_198, %dma_start3A_205] : memref<1000001x64xf32, #tpu.memory_space<hbm>> -> memref<1x64xf32, #tpu.memory_space<hbm>>
          %dma_start3A_207 = arith.constant 0 : i32
          %dma_start3A_208 = tpu.memref_slice %arg10[%add3A_202, %dma_start3A_207] : memref<128x64xf32, #tpu.memory_space<vmem>> -> memref<1x64xf32, #tpu.memory_space<vmem>>
          %dma_start3A_209 = arith.constant 0 : i32
          %dma_start3A_210 = tpu.memref_slice %arg4[%squeeze3A_198, %dma_start3A_209] : memref<1000001x64xf32, #tpu.memory_space<hbm>> -> memref<1x64xf32, #tpu.memory_space<hbm>>
          tpu.enqueue_dma source(%dma_start3A_210 : memref<1x64xf32, #tpu.memory_space<hbm>>) target(%dma_start3A_208 : memref<1x64xf32, #tpu.memory_space<vmem>>) target_semaphore(%arg14 : memref<!tpu.dma_semaphore, #tpu.memory_space<semaphore_mem>>)
          %slice3A_211 = vector.extract_strided_slice %get3A_87 {offsets = [4], sizes = [1], strides = [1]} : vector<16xi32> to vector<1xi32>
          %squeeze3A_212 = vector.extract %slice3A_211[0] : i32 from vector<1xi32>
          %mul3A_213 = arith.constant 16 : i32
          %mul3A_214 = arith.muli %scan3A_74, %mul3A_213 : i32
          %add3A_215 = arith.constant 4 : i32
          %add3A_216 = arith.addi %mul3A_214, %add3A_215 : i32
          %dma_start3A_217 = arith.constant 0 : i32
          %dma_start3A_218 = tpu.memref_slice %arg11[%add3A_216, %dma_start3A_217] : memref<128x64xf32, #tpu.memory_space<vmem>> -> memref<1x64xf32, #tpu.memory_space<vmem>>
          %dma_start3A_219 = arith.constant 0 : i32
          %dma_start3A_220 = tpu.memref_slice %arg5[%squeeze3A_212, %dma_start3A_219] : memref<100001x64xf32, #tpu.memory_space<hbm>> -> memref<1x64xf32, #tpu.memory_space<hbm>>
          %dma_start3A_221 = arith.constant 0 : i32
          %dma_start3A_222 = tpu.memref_slice %arg11[%add3A_216, %dma_start3A_221] : memref<128x64xf32, #tpu.memory_space<vmem>> -> memref<1x64xf32, #tpu.memory_space<vmem>>
          %dma_start3A_223 = arith.constant 0 : i32
          %dma_start3A_224 = tpu.memref_slice %arg5[%squeeze3A_212, %dma_start3A_223] : memref<100001x64xf32, #tpu.memory_space<hbm>> -> memref<1x64xf32, #tpu.memory_space<hbm>>
          tpu.enqueue_dma source(%dma_start3A_224 : memref<1x64xf32, #tpu.memory_space<hbm>>) target(%dma_start3A_222 : memref<1x64xf32, #tpu.memory_space<vmem>>) target_semaphore(%arg15 : memref<!tpu.dma_semaphore, #tpu.memory_space<semaphore_mem>>)
          %slice3A_225 = vector.extract_strided_slice %get3A_80 {offsets = [5], sizes = [1], strides = [1]} : vector<16xi32> to vector<1xi32>
          %squeeze3A_226 = vector.extract %slice3A_225[0] : i32 from vector<1xi32>
          %mul3A_227 = arith.constant 16 : i32
          %mul3A_228 = arith.muli %scan3A_74, %mul3A_227 : i32
          %add3A_229 = arith.constant 5 : i32
          %add3A_230 = arith.addi %mul3A_228, %add3A_229 : i32
          %dma_start3A_231 = arith.constant 0 : i32
          %dma_start3A_232 = tpu.memref_slice %arg10[%add3A_230, %dma_start3A_231] : memref<128x64xf32, #tpu.memory_space<vmem>> -> memref<1x64xf32, #tpu.memory_space<vmem>>
          %dma_start3A_233 = arith.constant 0 : i32
          %dma_start3A_234 = tpu.memref_slice %arg4[%squeeze3A_226, %dma_start3A_233] : memref<1000001x64xf32, #tpu.memory_space<hbm>> -> memref<1x64xf32, #tpu.memory_space<hbm>>
          %dma_start3A_235 = arith.constant 0 : i32
          %dma_start3A_236 = tpu.memref_slice %arg10[%add3A_230, %dma_start3A_235] : memref<128x64xf32, #tpu.memory_space<vmem>> -> memref<1x64xf32, #tpu.memory_space<vmem>>
          %dma_start3A_237 = arith.constant 0 : i32
          %dma_start3A_238 = tpu.memref_slice %arg4[%squeeze3A_226, %dma_start3A_237] : memref<1000001x64xf32, #tpu.memory_space<hbm>> -> memref<1x64xf32, #tpu.memory_space<hbm>>
          tpu.enqueue_dma source(%dma_start3A_238 : memref<1x64xf32, #tpu.memory_space<hbm>>) target(%dma_start3A_236 : memref<1x64xf32, #tpu.memory_space<vmem>>) target_semaphore(%arg14 : memref<!tpu.dma_semaphore, #tpu.memory_space<semaphore_mem>>)
          %slice3A_239 = vector.extract_strided_slice %get3A_87 {offsets = [5], sizes = [1], strides = [1]} : vector<16xi32> to vector<1xi32>
          %squeeze3A_240 = vector.extract %slice3A_239[0] : i32 from vector<1xi32>
          %mul3A_241 = arith.constant 16 : i32
          %mul3A_242 = arith.muli %scan3A_74, %mul3A_241 : i32
          %add3A_243 = arith.constant 5 : i32
          %add3A_244 = arith.addi %mul3A_242, %add3A_243 : i32
          %dma_start3A_245 = arith.constant 0 : i32
          %dma_start3A_246 = tpu.memref_slice %arg11[%add3A_244, %dma_start3A_245] : memref<128x64xf32, #tpu.memory_space<vmem>> -> memref<1x64xf32, #tpu.memory_space<vmem>>
          %dma_start3A_247 = arith.constant 0 : i32
          %dma_start3A_248 = tpu.memref_slice %arg5[%squeeze3A_240, %dma_start3A_247] : memref<100001x64xf32, #tpu.memory_space<hbm>> -> memref<1x64xf32, #tpu.memory_space<hbm>>
          %dma_start3A_249 = arith.constant 0 : i32
          %dma_start3A_250 = tpu.memref_slice %arg11[%add3A_244, %dma_start3A_249] : memref<128x64xf32, #tpu.memory_space<vmem>> -> memref<1x64xf32, #tpu.memory_space<vmem>>
          %dma_start3A_251 = arith.constant 0 : i32
          %dma_start3A_252 = tpu.memref_slice %arg5[%squeeze3A_240, %dma_start3A_251] : memref<100001x64xf32, #tpu.memory_space<hbm>> -> memref<1x64xf32, #tpu.memory_space<hbm>>
          tpu.enqueue_dma source(%dma_start3A_252 : memref<1x64xf32, #tpu.memory_space<hbm>>) target(%dma_start3A_250 : memref<1x64xf32, #tpu.memory_space<vmem>>) target_semaphore(%arg15 : memref<!tpu.dma_semaphore, #tpu.memory_space<semaphore_mem>>)
          %slice3A_253 = vector.extract_strided_slice %get3A_80 {offsets = [6], sizes = [1], strides = [1]} : vector<16xi32> to vector<1xi32>
          %squeeze3A_254 = vector.extract %slice3A_253[0] : i32 from vector<1xi32>
          %mul3A_255 = arith.constant 16 : i32
          %mul3A_256 = arith.muli %scan3A_74, %mul3A_255 : i32
          %add3A_257 = arith.constant 6 : i32
          %add3A_258 = arith.addi %mul3A_256, %add3A_257 : i32
          %dma_start3A_259 = arith.constant 0 : i32
          %dma_start3A_260 = tpu.memref_slice %arg10[%add3A_258, %dma_start3A_259] : memref<128x64xf32, #tpu.memory_space<vmem>> -> memref<1x64xf32, #tpu.memory_space<vmem>>
          %dma_start3A_261 = arith.constant 0 : i32
          %dma_start3A_262 = tpu.memref_slice %arg4[%squeeze3A_254, %dma_start3A_261] : memref<1000001x64xf32, #tpu.memory_space<hbm>> -> memref<1x64xf32, #tpu.memory_space<hbm>>
          %dma_start3A_263 = arith.constant 0 : i32
          %dma_start3A_264 = tpu.memref_slice %arg10[%add3A_258, %dma_start3A_263] : memref<128x64xf32, #tpu.memory_space<vmem>> -> memref<1x64xf32, #tpu.memory_space<vmem>>
          %dma_start3A_265 = arith.constant 0 : i32
          %dma_start3A_266 = tpu.memref_slice %arg4[%squeeze3A_254, %dma_start3A_265] : memref<1000001x64xf32, #tpu.memory_space<hbm>> -> memref<1x64xf32, #tpu.memory_space<hbm>>
          tpu.enqueue_dma source(%dma_start3A_266 : memref<1x64xf32, #tpu.memory_space<hbm>>) target(%dma_start3A_264 : memref<1x64xf32, #tpu.memory_space<vmem>>) target_semaphore(%arg14 : memref<!tpu.dma_semaphore, #tpu.memory_space<semaphore_mem>>)
          %slice3A_267 = vector.extract_strided_slice %get3A_87 {offsets = [6], sizes = [1], strides = [1]} : vector<16xi32> to vector<1xi32>
          %squeeze3A_268 = vector.extract %slice3A_267[0] : i32 from vector<1xi32>
          %mul3A_269 = arith.constant 16 : i32
          %mul3A_270 = arith.muli %scan3A_74, %mul3A_269 : i32
          %add3A_271 = arith.constant 6 : i32
          %add3A_272 = arith.addi %mul3A_270, %add3A_271 : i32
          %dma_start3A_273 = arith.constant 0 : i32
          %dma_start3A_274 = tpu.memref_slice %arg11[%add3A_272, %dma_start3A_273] : memref<128x64xf32, #tpu.memory_space<vmem>> -> memref<1x64xf32, #tpu.memory_space<vmem>>
          %dma_start3A_275 = arith.constant 0 : i32
          %dma_start3A_276 = tpu.memref_slice %arg5[%squeeze3A_268, %dma_start3A_275] : memref<100001x64xf32, #tpu.memory_space<hbm>> -> memref<1x64xf32, #tpu.memory_space<hbm>>
          %dma_start3A_277 = arith.constant 0 : i32
          %dma_start3A_278 = tpu.memref_slice %arg11[%add3A_272, %dma_start3A_277] : memref<128x64xf32, #tpu.memory_space<vmem>> -> memref<1x64xf32, #tpu.memory_space<vmem>>
          %dma_start3A_279 = arith.constant 0 : i32
          %dma_start3A_280 = tpu.memref_slice %arg5[%squeeze3A_268, %dma_start3A_279] : memref<100001x64xf32, #tpu.memory_space<hbm>> -> memref<1x64xf32, #tpu.memory_space<hbm>>
          tpu.enqueue_dma source(%dma_start3A_280 : memref<1x64xf32, #tpu.memory_space<hbm>>) target(%dma_start3A_278 : memref<1x64xf32, #tpu.memory_space<vmem>>) target_semaphore(%arg15 : memref<!tpu.dma_semaphore, #tpu.memory_space<semaphore_mem>>)
          %slice3A_281 = vector.extract_strided_slice %get3A_80 {offsets = [7], sizes = [1], strides = [1]} : vector<16xi32> to vector<1xi32>
          %squeeze3A_282 = vector.extract %slice3A_281[0] : i32 from vector<1xi32>
          %mul3A_283 = arith.constant 16 : i32
          %mul3A_284 = arith.muli %scan3A_74, %mul3A_283 : i32
          %add3A_285 = arith.constant 7 : i32
          %add3A_286 = arith.addi %mul3A_284, %add3A_285 : i32
          %dma_start3A_287 = arith.constant 0 : i32
          %dma_start3A_288 = tpu.memref_slice %arg10[%add3A_286, %dma_start3A_287] : memref<128x64xf32, #tpu.memory_space<vmem>> -> memref<1x64xf32, #tpu.memory_space<vmem>>
          %dma_start3A_289 = arith.constant 0 : i32
          %dma_start3A_290 = tpu.memref_slice %arg4[%squeeze3A_282, %dma_start3A_289] : memref<1000001x64xf32, #tpu.memory_space<hbm>> -> memref<1x64xf32, #tpu.memory_space<hbm>>
          %dma_start3A_291 = arith.constant 0 : i32
          %dma_start3A_292 = tpu.memref_slice %arg10[%add3A_286, %dma_start3A_291] : memref<128x64xf32, #tpu.memory_space<vmem>> -> memref<1x64xf32, #tpu.memory_space<vmem>>
          %dma_start3A_293 = arith.constant 0 : i32
          %dma_start3A_294 = tpu.memref_slice %arg4[%squeeze3A_282, %dma_start3A_293] : memref<1000001x64xf32, #tpu.memory_space<hbm>> -> memref<1x64xf32, #tpu.memory_space<hbm>>
          tpu.enqueue_dma source(%dma_start3A_294 : memref<1x64xf32, #tpu.memory_space<hbm>>) target(%dma_start3A_292 : memref<1x64xf32, #tpu.memory_space<vmem>>) target_semaphore(%arg14 : memref<!tpu.dma_semaphore, #tpu.memory_space<semaphore_mem>>)
          %slice3A_295 = vector.extract_strided_slice %get3A_87 {offsets = [7], sizes = [1], strides = [1]} : vector<16xi32> to vector<1xi32>
          %squeeze3A_296 = vector.extract %slice3A_295[0] : i32 from vector<1xi32>
          %mul3A_297 = arith.constant 16 : i32
          %mul3A_298 = arith.muli %scan3A_74, %mul3A_297 : i32
          %add3A_299 = arith.constant 7 : i32
          %add3A_300 = arith.addi %mul3A_298, %add3A_299 : i32
          %dma_start3A_301 = arith.constant 0 : i32
          %dma_start3A_302 = tpu.memref_slice %arg11[%add3A_300, %dma_start3A_301] : memref<128x64xf32, #tpu.memory_space<vmem>> -> memref<1x64xf32, #tpu.memory_space<vmem>>
          %dma_start3A_303 = arith.constant 0 : i32
          %dma_start3A_304 = tpu.memref_slice %arg5[%squeeze3A_296, %dma_start3A_303] : memref<100001x64xf32, #tpu.memory_space<hbm>> -> memref<1x64xf32, #tpu.memory_space<hbm>>
          %dma_start3A_305 = arith.constant 0 : i32
          %dma_start3A_306 = tpu.memref_slice %arg11[%add3A_300, %dma_start3A_305] : memref<128x64xf32, #tpu.memory_space<vmem>> -> memref<1x64xf32, #tpu.memory_space<vmem>>
          %dma_start3A_307 = arith.constant 0 : i32
          %dma_start3A_308 = tpu.memref_slice %arg5[%squeeze3A_296, %dma_start3A_307] : memref<100001x64xf32, #tpu.memory_space<hbm>> -> memref<1x64xf32, #tpu.memory_space<hbm>>
          tpu.enqueue_dma source(%dma_start3A_308 : memref<1x64xf32, #tpu.memory_space<hbm>>) target(%dma_start3A_306 : memref<1x64xf32, #tpu.memory_space<vmem>>) target_semaphore(%arg15 : memref<!tpu.dma_semaphore, #tpu.memory_space<semaphore_mem>>)
          %slice3A_309 = vector.extract_strided_slice %get3A_80 {offsets = [8], sizes = [1], strides = [1]} : vector<16xi32> to vector<1xi32>
          %squeeze3A_310 = vector.extract %slice3A_309[0] : i32 from vector<1xi32>
          %mul3A_311 = arith.constant 16 : i32
          %mul3A_312 = arith.muli %scan3A_74, %mul3A_311 : i32
          %add3A_313 = arith.constant 8 : i32
          %add3A_314 = arith.addi %mul3A_312, %add3A_313 : i32
          %dma_start3A_315 = arith.constant 0 : i32
          %dma_start3A_316 = tpu.memref_slice %arg10[%add3A_314, %dma_start3A_315] : memref<128x64xf32, #tpu.memory_space<vmem>> -> memref<1x64xf32, #tpu.memory_space<vmem>>
          %dma_start3A_317 = arith.constant 0 : i32
          %dma_start3A_318 = tpu.memref_slice %arg4[%squeeze3A_310, %dma_start3A_317] : memref<1000001x64xf32, #tpu.memory_space<hbm>> -> memref<1x64xf32, #tpu.memory_space<hbm>>
          %dma_start3A_319 = arith.constant 0 : i32
          %dma_start3A_320 = tpu.memref_slice %arg10[%add3A_314, %dma_start3A_319] : memref<128x64xf32, #tpu.memory_space<vmem>> -> memref<1x64xf32, #tpu.memory_space<vmem>>
          %dma_start3A_321 = arith.constant 0 : i32
          %dma_start3A_322 = tpu.memref_slice %arg4[%squeeze3A_310, %dma_start3A_321] : memref<1000001x64xf32, #tpu.memory_space<hbm>> -> memref<1x64xf32, #tpu.memory_space<hbm>>
          tpu.enqueue_dma source(%dma_start3A_322 : memref<1x64xf32, #tpu.memory_space<hbm>>) target(%dma_start3A_320 : memref<1x64xf32, #tpu.memory_space<vmem>>) target_semaphore(%arg14 : memref<!tpu.dma_semaphore, #tpu.memory_space<semaphore_mem>>)
          %slice3A_323 = vector.extract_strided_slice %get3A_87 {offsets = [8], sizes = [1], strides = [1]} : vector<16xi32> to vector<1xi32>
          %squeeze3A_324 = vector.extract %slice3A_323[0] : i32 from vector<1xi32>
          %mul3A_325 = arith.constant 16 : i32
          %mul3A_326 = arith.muli %scan3A_74, %mul3A_325 : i32
          %add3A_327 = arith.constant 8 : i32
          %add3A_328 = arith.addi %mul3A_326, %add3A_327 : i32
          %dma_start3A_329 = arith.constant 0 : i32
          %dma_start3A_330 = tpu.memref_slice %arg11[%add3A_328, %dma_start3A_329] : memref<128x64xf32, #tpu.memory_space<vmem>> -> memref<1x64xf32, #tpu.memory_space<vmem>>
          %dma_start3A_331 = arith.constant 0 : i32
          %dma_start3A_332 = tpu.memref_slice %arg5[%squeeze3A_324, %dma_start3A_331] : memref<100001x64xf32, #tpu.memory_space<hbm>> -> memref<1x64xf32, #tpu.memory_space<hbm>>
          %dma_start3A_333 = arith.constant 0 : i32
          %dma_start3A_334 = tpu.memref_slice %arg11[%add3A_328, %dma_start3A_333] : memref<128x64xf32, #tpu.memory_space<vmem>> -> memref<1x64xf32, #tpu.memory_space<vmem>>
          %dma_start3A_335 = arith.constant 0 : i32
          %dma_start3A_336 = tpu.memref_slice %arg5[%squeeze3A_324, %dma_start3A_335] : memref<100001x64xf32, #tpu.memory_space<hbm>> -> memref<1x64xf32, #tpu.memory_space<hbm>>
          tpu.enqueue_dma source(%dma_start3A_336 : memref<1x64xf32, #tpu.memory_space<hbm>>) target(%dma_start3A_334 : memref<1x64xf32, #tpu.memory_space<vmem>>) target_semaphore(%arg15 : memref<!tpu.dma_semaphore, #tpu.memory_space<semaphore_mem>>)
          %slice3A_337 = vector.extract_strided_slice %get3A_80 {offsets = [9], sizes = [1], strides = [1]} : vector<16xi32> to vector<1xi32>
          %squeeze3A_338 = vector.extract %slice3A_337[0] : i32 from vector<1xi32>
          %mul3A_339 = arith.constant 16 : i32
          %mul3A_340 = arith.muli %scan3A_74, %mul3A_339 : i32
          %add3A_341 = arith.constant 9 : i32
          %add3A_342 = arith.addi %mul3A_340, %add3A_341 : i32
          %dma_start3A_343 = arith.constant 0 : i32
          %dma_start3A_344 = tpu.memref_slice %arg10[%add3A_342, %dma_start3A_343] : memref<128x64xf32, #tpu.memory_space<vmem>> -> memref<1x64xf32, #tpu.memory_space<vmem>>
          %dma_start3A_345 = arith.constant 0 : i32
          %dma_start3A_346 = tpu.memref_slice %arg4[%squeeze3A_338, %dma_start3A_345] : memref<1000001x64xf32, #tpu.memory_space<hbm>> -> memref<1x64xf32, #tpu.memory_space<hbm>>
          %dma_start3A_347 = arith.constant 0 : i32
          %dma_start3A_348 = tpu.memref_slice %arg10[%add3A_342, %dma_start3A_347] : memref<128x64xf32, #tpu.memory_space<vmem>> -> memref<1x64xf32, #tpu.memory_space<vmem>>
          %dma_start3A_349 = arith.constant 0 : i32
          %dma_start3A_350 = tpu.memref_slice %arg4[%squeeze3A_338, %dma_start3A_349] : memref<1000001x64xf32, #tpu.memory_space<hbm>> -> memref<1x64xf32, #tpu.memory_space<hbm>>
          tpu.enqueue_dma source(%dma_start3A_350 : memref<1x64xf32, #tpu.memory_space<hbm>>) target(%dma_start3A_348 : memref<1x64xf32, #tpu.memory_space<vmem>>) target_semaphore(%arg14 : memref<!tpu.dma_semaphore, #tpu.memory_space<semaphore_mem>>)
          %slice3A_351 = vector.extract_strided_slice %get3A_87 {offsets = [9], sizes = [1], strides = [1]} : vector<16xi32> to vector<1xi32>
          %squeeze3A_352 = vector.extract %slice3A_351[0] : i32 from vector<1xi32>
          %mul3A_353 = arith.constant 16 : i32
          %mul3A_354 = arith.muli %scan3A_74, %mul3A_353 : i32
          %add3A_355 = arith.constant 9 : i32
          %add3A_356 = arith.addi %mul3A_354, %add3A_355 : i32
          %dma_start3A_357 = arith.constant 0 : i32
          %dma_start3A_358 = tpu.memref_slice %arg11[%add3A_356, %dma_start3A_357] : memref<128x64xf32, #tpu.memory_space<vmem>> -> memref<1x64xf32, #tpu.memory_space<vmem>>
          %dma_start3A_359 = arith.constant 0 : i32
          %dma_start3A_360 = tpu.memref_slice %arg5[%squeeze3A_352, %dma_start3A_359] : memref<100001x64xf32, #tpu.memory_space<hbm>> -> memref<1x64xf32, #tpu.memory_space<hbm>>
          %dma_start3A_361 = arith.constant 0 : i32
          %dma_start3A_362 = tpu.memref_slice %arg11[%add3A_356, %dma_start3A_361] : memref<128x64xf32, #tpu.memory_space<vmem>> -> memref<1x64xf32, #tpu.memory_space<vmem>>
          %dma_start3A_363 = arith.constant 0 : i32
          %dma_start3A_364 = tpu.memref_slice %arg5[%squeeze3A_352, %dma_start3A_363] : memref<100001x64xf32, #tpu.memory_space<hbm>> -> memref<1x64xf32, #tpu.memory_space<hbm>>
          tpu.enqueue_dma source(%dma_start3A_364 : memref<1x64xf32, #tpu.memory_space<hbm>>) target(%dma_start3A_362 : memref<1x64xf32, #tpu.memory_space<vmem>>) target_semaphore(%arg15 : memref<!tpu.dma_semaphore, #tpu.memory_space<semaphore_mem>>)
          %slice3A_365 = vector.extract_strided_slice %get3A_80 {offsets = [10], sizes = [1], strides = [1]} : vector<16xi32> to vector<1xi32>
          %squeeze3A_366 = vector.extract %slice3A_365[0] : i32 from vector<1xi32>
          %mul3A_367 = arith.constant 16 : i32
          %mul3A_368 = arith.muli %scan3A_74, %mul3A_367 : i32
          %add3A_369 = arith.constant 10 : i32
          %add3A_370 = arith.addi %mul3A_368, %add3A_369 : i32
          %dma_start3A_371 = arith.constant 0 : i32
          %dma_start3A_372 = tpu.memref_slice %arg10[%add3A_370, %dma_start3A_371] : memref<128x64xf32, #tpu.memory_space<vmem>> -> memref<1x64xf32, #tpu.memory_space<vmem>>
          %dma_start3A_373 = arith.constant 0 : i32
          %dma_start3A_374 = tpu.memref_slice %arg4[%squeeze3A_366, %dma_start3A_373] : memref<1000001x64xf32, #tpu.memory_space<hbm>> -> memref<1x64xf32, #tpu.memory_space<hbm>>
          %dma_start3A_375 = arith.constant 0 : i32
          %dma_start3A_376 = tpu.memref_slice %arg10[%add3A_370, %dma_start3A_375] : memref<128x64xf32, #tpu.memory_space<vmem>> -> memref<1x64xf32, #tpu.memory_space<vmem>>
          %dma_start3A_377 = arith.constant 0 : i32
          %dma_start3A_378 = tpu.memref_slice %arg4[%squeeze3A_366, %dma_start3A_377] : memref<1000001x64xf32, #tpu.memory_space<hbm>> -> memref<1x64xf32, #tpu.memory_space<hbm>>
          tpu.enqueue_dma source(%dma_start3A_378 : memref<1x64xf32, #tpu.memory_space<hbm>>) target(%dma_start3A_376 : memref<1x64xf32, #tpu.memory_space<vmem>>) target_semaphore(%arg14 : memref<!tpu.dma_semaphore, #tpu.memory_space<semaphore_mem>>)
          %slice3A_379 = vector.extract_strided_slice %get3A_87 {offsets = [10], sizes = [1], strides = [1]} : vector<16xi32> to vector<1xi32>
          %squeeze3A_380 = vector.extract %slice3A_379[0] : i32 from vector<1xi32>
          %mul3A_381 = arith.constant 16 : i32
          %mul3A_382 = arith.muli %scan3A_74, %mul3A_381 : i32
          %add3A_383 = arith.constant 10 : i32
          %add3A_384 = arith.addi %mul3A_382, %add3A_383 : i32
          %dma_start3A_385 = arith.constant 0 : i32
          %dma_start3A_386 = tpu.memref_slice %arg11[%add3A_384, %dma_start3A_385] : memref<128x64xf32, #tpu.memory_space<vmem>> -> memref<1x64xf32, #tpu.memory_space<vmem>>
          %dma_start3A_387 = arith.constant 0 : i32
          %dma_start3A_388 = tpu.memref_slice %arg5[%squeeze3A_380, %dma_start3A_387] : memref<100001x64xf32, #tpu.memory_space<hbm>> -> memref<1x64xf32, #tpu.memory_space<hbm>>
          %dma_start3A_389 = arith.constant 0 : i32
          %dma_start3A_390 = tpu.memref_slice %arg11[%add3A_384, %dma_start3A_389] : memref<128x64xf32, #tpu.memory_space<vmem>> -> memref<1x64xf32, #tpu.memory_space<vmem>>
          %dma_start3A_391 = arith.constant 0 : i32
          %dma_start3A_392 = tpu.memref_slice %arg5[%squeeze3A_380, %dma_start3A_391] : memref<100001x64xf32, #tpu.memory_space<hbm>> -> memref<1x64xf32, #tpu.memory_space<hbm>>
          tpu.enqueue_dma source(%dma_start3A_392 : memref<1x64xf32, #tpu.memory_space<hbm>>) target(%dma_start3A_390 : memref<1x64xf32, #tpu.memory_space<vmem>>) target_semaphore(%arg15 : memref<!tpu.dma_semaphore, #tpu.memory_space<semaphore_mem>>)
          %slice3A_393 = vector.extract_strided_slice %get3A_80 {offsets = [11], sizes = [1], strides = [1]} : vector<16xi32> to vector<1xi32>
          %squeeze3A_394 = vector.extract %slice3A_393[0] : i32 from vector<1xi32>
          %mul3A_395 = arith.constant 16 : i32
          %mul3A_396 = arith.muli %scan3A_74, %mul3A_395 : i32
          %add3A_397 = arith.constant 11 : i32
          %add3A_398 = arith.addi %mul3A_396, %add3A_397 : i32
          %dma_start3A_399 = arith.constant 0 : i32
          %dma_start3A_400 = tpu.memref_slice %arg10[%add3A_398, %dma_start3A_399] : memref<128x64xf32, #tpu.memory_space<vmem>> -> memref<1x64xf32, #tpu.memory_space<vmem>>
          %dma_start3A_401 = arith.constant 0 : i32
          %dma_start3A_402 = tpu.memref_slice %arg4[%squeeze3A_394, %dma_start3A_401] : memref<1000001x64xf32, #tpu.memory_space<hbm>> -> memref<1x64xf32, #tpu.memory_space<hbm>>
          %dma_start3A_403 = arith.constant 0 : i32
          %dma_start3A_404 = tpu.memref_slice %arg10[%add3A_398, %dma_start3A_403] : memref<128x64xf32, #tpu.memory_space<vmem>> -> memref<1x64xf32, #tpu.memory_space<vmem>>
          %dma_start3A_405 = arith.constant 0 : i32
          %dma_start3A_406 = tpu.memref_slice %arg4[%squeeze3A_394, %dma_start3A_405] : memref<1000001x64xf32, #tpu.memory_space<hbm>> -> memref<1x64xf32, #tpu.memory_space<hbm>>
          tpu.enqueue_dma source(%dma_start3A_406 : memref<1x64xf32, #tpu.memory_space<hbm>>) target(%dma_start3A_404 : memref<1x64xf32, #tpu.memory_space<vmem>>) target_semaphore(%arg14 : memref<!tpu.dma_semaphore, #tpu.memory_space<semaphore_mem>>)
          %slice3A_407 = vector.extract_strided_slice %get3A_87 {offsets = [11], sizes = [1], strides = [1]} : vector<16xi32> to vector<1xi32>
          %squeeze3A_408 = vector.extract %slice3A_407[0] : i32 from vector<1xi32>
          %mul3A_409 = arith.constant 16 : i32
          %mul3A_410 = arith.muli %scan3A_74, %mul3A_409 : i32
          %add3A_411 = arith.constant 11 : i32
          %add3A_412 = arith.addi %mul3A_410, %add3A_411 : i32
          %dma_start3A_413 = arith.constant 0 : i32
          %dma_start3A_414 = tpu.memref_slice %arg11[%add3A_412, %dma_start3A_413] : memref<128x64xf32, #tpu.memory_space<vmem>> -> memref<1x64xf32, #tpu.memory_space<vmem>>
          %dma_start3A_415 = arith.constant 0 : i32
          %dma_start3A_416 = tpu.memref_slice %arg5[%squeeze3A_408, %dma_start3A_415] : memref<100001x64xf32, #tpu.memory_space<hbm>> -> memref<1x64xf32, #tpu.memory_space<hbm>>
          %dma_start3A_417 = arith.constant 0 : i32
          %dma_start3A_418 = tpu.memref_slice %arg11[%add3A_412, %dma_start3A_417] : memref<128x64xf32, #tpu.memory_space<vmem>> -> memref<1x64xf32, #tpu.memory_space<vmem>>
          %dma_start3A_419 = arith.constant 0 : i32
          %dma_start3A_420 = tpu.memref_slice %arg5[%squeeze3A_408, %dma_start3A_419] : memref<100001x64xf32, #tpu.memory_space<hbm>> -> memref<1x64xf32, #tpu.memory_space<hbm>>
          tpu.enqueue_dma source(%dma_start3A_420 : memref<1x64xf32, #tpu.memory_space<hbm>>) target(%dma_start3A_418 : memref<1x64xf32, #tpu.memory_space<vmem>>) target_semaphore(%arg15 : memref<!tpu.dma_semaphore, #tpu.memory_space<semaphore_mem>>)
          %slice3A_421 = vector.extract_strided_slice %get3A_80 {offsets = [12], sizes = [1], strides = [1]} : vector<16xi32> to vector<1xi32>
          %squeeze3A_422 = vector.extract %slice3A_421[0] : i32 from vector<1xi32>
          %mul3A_423 = arith.constant 16 : i32
          %mul3A_424 = arith.muli %scan3A_74, %mul3A_423 : i32
          %add3A_425 = arith.constant 12 : i32
          %add3A_426 = arith.addi %mul3A_424, %add3A_425 : i32
          %dma_start3A_427 = arith.constant 0 : i32
          %dma_start3A_428 = tpu.memref_slice %arg10[%add3A_426, %dma_start3A_427] : memref<128x64xf32, #tpu.memory_space<vmem>> -> memref<1x64xf32, #tpu.memory_space<vmem>>
          %dma_start3A_429 = arith.constant 0 : i32
          %dma_start3A_430 = tpu.memref_slice %arg4[%squeeze3A_422, %dma_start3A_429] : memref<1000001x64xf32, #tpu.memory_space<hbm>> -> memref<1x64xf32, #tpu.memory_space<hbm>>
          %dma_start3A_431 = arith.constant 0 : i32
          %dma_start3A_432 = tpu.memref_slice %arg10[%add3A_426, %dma_start3A_431] : memref<128x64xf32, #tpu.memory_space<vmem>> -> memref<1x64xf32, #tpu.memory_space<vmem>>
          %dma_start3A_433 = arith.constant 0 : i32
          %dma_start3A_434 = tpu.memref_slice %arg4[%squeeze3A_422, %dma_start3A_433] : memref<1000001x64xf32, #tpu.memory_space<hbm>> -> memref<1x64xf32, #tpu.memory_space<hbm>>
          tpu.enqueue_dma source(%dma_start3A_434 : memref<1x64xf32, #tpu.memory_space<hbm>>) target(%dma_start3A_432 : memref<1x64xf32, #tpu.memory_space<vmem>>) target_semaphore(%arg14 : memref<!tpu.dma_semaphore, #tpu.memory_space<semaphore_mem>>)
          %slice3A_435 = vector.extract_strided_slice %get3A_87 {offsets = [12], sizes = [1], strides = [1]} : vector<16xi32> to vector<1xi32>
          %squeeze3A_436 = vector.extract %slice3A_435[0] : i32 from vector<1xi32>
          %mul3A_437 = arith.constant 16 : i32
          %mul3A_438 = arith.muli %scan3A_74, %mul3A_437 : i32
          %add3A_439 = arith.constant 12 : i32
          %add3A_440 = arith.addi %mul3A_438, %add3A_439 : i32
          %dma_start3A_441 = arith.constant 0 : i32
          %dma_start3A_442 = tpu.memref_slice %arg11[%add3A_440, %dma_start3A_441] : memref<128x64xf32, #tpu.memory_space<vmem>> -> memref<1x64xf32, #tpu.memory_space<vmem>>
          %dma_start3A_443 = arith.constant 0 : i32
          %dma_start3A_444 = tpu.memref_slice %arg5[%squeeze3A_436, %dma_start3A_443] : memref<100001x64xf32, #tpu.memory_space<hbm>> -> memref<1x64xf32, #tpu.memory_space<hbm>>
          %dma_start3A_445 = arith.constant 0 : i32
          %dma_start3A_446 = tpu.memref_slice %arg11[%add3A_440, %dma_start3A_445] : memref<128x64xf32, #tpu.memory_space<vmem>> -> memref<1x64xf32, #tpu.memory_space<vmem>>
          %dma_start3A_447 = arith.constant 0 : i32
          %dma_start3A_448 = tpu.memref_slice %arg5[%squeeze3A_436, %dma_start3A_447] : memref<100001x64xf32, #tpu.memory_space<hbm>> -> memref<1x64xf32, #tpu.memory_space<hbm>>
          tpu.enqueue_dma source(%dma_start3A_448 : memref<1x64xf32, #tpu.memory_space<hbm>>) target(%dma_start3A_446 : memref<1x64xf32, #tpu.memory_space<vmem>>) target_semaphore(%arg15 : memref<!tpu.dma_semaphore, #tpu.memory_space<semaphore_mem>>)
          %slice3A_449 = vector.extract_strided_slice %get3A_80 {offsets = [13], sizes = [1], strides = [1]} : vector<16xi32> to vector<1xi32>
          %squeeze3A_450 = vector.extract %slice3A_449[0] : i32 from vector<1xi32>
          %mul3A_451 = arith.constant 16 : i32
          %mul3A_452 = arith.muli %scan3A_74, %mul3A_451 : i32
          %add3A_453 = arith.constant 13 : i32
          %add3A_454 = arith.addi %mul3A_452, %add3A_453 : i32
          %dma_start3A_455 = arith.constant 0 : i32
          %dma_start3A_456 = tpu.memref_slice %arg10[%add3A_454, %dma_start3A_455] : memref<128x64xf32, #tpu.memory_space<vmem>> -> memref<1x64xf32, #tpu.memory_space<vmem>>
          %dma_start3A_457 = arith.constant 0 : i32
          %dma_start3A_458 = tpu.memref_slice %arg4[%squeeze3A_450, %dma_start3A_457] : memref<1000001x64xf32, #tpu.memory_space<hbm>> -> memref<1x64xf32, #tpu.memory_space<hbm>>
          %dma_start3A_459 = arith.constant 0 : i32
          %dma_start3A_460 = tpu.memref_slice %arg10[%add3A_454, %dma_start3A_459] : memref<128x64xf32, #tpu.memory_space<vmem>> -> memref<1x64xf32, #tpu.memory_space<vmem>>
          %dma_start3A_461 = arith.constant 0 : i32
          %dma_start3A_462 = tpu.memref_slice %arg4[%squeeze3A_450, %dma_start3A_461] : memref<1000001x64xf32, #tpu.memory_space<hbm>> -> memref<1x64xf32, #tpu.memory_space<hbm>>
          tpu.enqueue_dma source(%dma_start3A_462 : memref<1x64xf32, #tpu.memory_space<hbm>>) target(%dma_start3A_460 : memref<1x64xf32, #tpu.memory_space<vmem>>) target_semaphore(%arg14 : memref<!tpu.dma_semaphore, #tpu.memory_space<semaphore_mem>>)
          %slice3A_463 = vector.extract_strided_slice %get3A_87 {offsets = [13], sizes = [1], strides = [1]} : vector<16xi32> to vector<1xi32>
          %squeeze3A_464 = vector.extract %slice3A_463[0] : i32 from vector<1xi32>
          %mul3A_465 = arith.constant 16 : i32
          %mul3A_466 = arith.muli %scan3A_74, %mul3A_465 : i32
          %add3A_467 = arith.constant 13 : i32
          %add3A_468 = arith.addi %mul3A_466, %add3A_467 : i32
          %dma_start3A_469 = arith.constant 0 : i32
          %dma_start3A_470 = tpu.memref_slice %arg11[%add3A_468, %dma_start3A_469] : memref<128x64xf32, #tpu.memory_space<vmem>> -> memref<1x64xf32, #tpu.memory_space<vmem>>
          %dma_start3A_471 = arith.constant 0 : i32
          %dma_start3A_472 = tpu.memref_slice %arg5[%squeeze3A_464, %dma_start3A_471] : memref<100001x64xf32, #tpu.memory_space<hbm>> -> memref<1x64xf32, #tpu.memory_space<hbm>>
          %dma_start3A_473 = arith.constant 0 : i32
          %dma_start3A_474 = tpu.memref_slice %arg11[%add3A_468, %dma_start3A_473] : memref<128x64xf32, #tpu.memory_space<vmem>> -> memref<1x64xf32, #tpu.memory_space<vmem>>
          %dma_start3A_475 = arith.constant 0 : i32
          %dma_start3A_476 = tpu.memref_slice %arg5[%squeeze3A_464, %dma_start3A_475] : memref<100001x64xf32, #tpu.memory_space<hbm>> -> memref<1x64xf32, #tpu.memory_space<hbm>>
          tpu.enqueue_dma source(%dma_start3A_476 : memref<1x64xf32, #tpu.memory_space<hbm>>) target(%dma_start3A_474 : memref<1x64xf32, #tpu.memory_space<vmem>>) target_semaphore(%arg15 : memref<!tpu.dma_semaphore, #tpu.memory_space<semaphore_mem>>)
          %slice3A_477 = vector.extract_strided_slice %get3A_80 {offsets = [14], sizes = [1], strides = [1]} : vector<16xi32> to vector<1xi32>
          %squeeze3A_478 = vector.extract %slice3A_477[0] : i32 from vector<1xi32>
          %mul3A_479 = arith.constant 16 : i32
          %mul3A_480 = arith.muli %scan3A_74, %mul3A_479 : i32
          %add3A_481 = arith.constant 14 : i32
          %add3A_482 = arith.addi %mul3A_480, %add3A_481 : i32
          %dma_start3A_483 = arith.constant 0 : i32
          %dma_start3A_484 = tpu.memref_slice %arg10[%add3A_482, %dma_start3A_483] : memref<128x64xf32, #tpu.memory_space<vmem>> -> memref<1x64xf32, #tpu.memory_space<vmem>>
          %dma_start3A_485 = arith.constant 0 : i32
          %dma_start3A_486 = tpu.memref_slice %arg4[%squeeze3A_478, %dma_start3A_485] : memref<1000001x64xf32, #tpu.memory_space<hbm>> -> memref<1x64xf32, #tpu.memory_space<hbm>>
          %dma_start3A_487 = arith.constant 0 : i32
          %dma_start3A_488 = tpu.memref_slice %arg10[%add3A_482, %dma_start3A_487] : memref<128x64xf32, #tpu.memory_space<vmem>> -> memref<1x64xf32, #tpu.memory_space<vmem>>
          %dma_start3A_489 = arith.constant 0 : i32
          %dma_start3A_490 = tpu.memref_slice %arg4[%squeeze3A_478, %dma_start3A_489] : memref<1000001x64xf32, #tpu.memory_space<hbm>> -> memref<1x64xf32, #tpu.memory_space<hbm>>
          tpu.enqueue_dma source(%dma_start3A_490 : memref<1x64xf32, #tpu.memory_space<hbm>>) target(%dma_start3A_488 : memref<1x64xf32, #tpu.memory_space<vmem>>) target_semaphore(%arg14 : memref<!tpu.dma_semaphore, #tpu.memory_space<semaphore_mem>>)
          %slice3A_491 = vector.extract_strided_slice %get3A_87 {offsets = [14], sizes = [1], strides = [1]} : vector<16xi32> to vector<1xi32>
          %squeeze3A_492 = vector.extract %slice3A_491[0] : i32 from vector<1xi32>
          %mul3A_493 = arith.constant 16 : i32
          %mul3A_494 = arith.muli %scan3A_74, %mul3A_493 : i32
          %add3A_495 = arith.constant 14 : i32
          %add3A_496 = arith.addi %mul3A_494, %add3A_495 : i32
          %dma_start3A_497 = arith.constant 0 : i32
          %dma_start3A_498 = tpu.memref_slice %arg11[%add3A_496, %dma_start3A_497] : memref<128x64xf32, #tpu.memory_space<vmem>> -> memref<1x64xf32, #tpu.memory_space<vmem>>
          %dma_start3A_499 = arith.constant 0 : i32
          %dma_start3A_500 = tpu.memref_slice %arg5[%squeeze3A_492, %dma_start3A_499] : memref<100001x64xf32, #tpu.memory_space<hbm>> -> memref<1x64xf32, #tpu.memory_space<hbm>>
          %dma_start3A_501 = arith.constant 0 : i32
          %dma_start3A_502 = tpu.memref_slice %arg11[%add3A_496, %dma_start3A_501] : memref<128x64xf32, #tpu.memory_space<vmem>> -> memref<1x64xf32, #tpu.memory_space<vmem>>
          %dma_start3A_503 = arith.constant 0 : i32
          %dma_start3A_504 = tpu.memref_slice %arg5[%squeeze3A_492, %dma_start3A_503] : memref<100001x64xf32, #tpu.memory_space<hbm>> -> memref<1x64xf32, #tpu.memory_space<hbm>>
          tpu.enqueue_dma source(%dma_start3A_504 : memref<1x64xf32, #tpu.memory_space<hbm>>) target(%dma_start3A_502 : memref<1x64xf32, #tpu.memory_space<vmem>>) target_semaphore(%arg15 : memref<!tpu.dma_semaphore, #tpu.memory_space<semaphore_mem>>)
          %slice3A_505 = vector.extract_strided_slice %get3A_80 {offsets = [15], sizes = [1], strides = [1]} : vector<16xi32> to vector<1xi32>
          %squeeze3A_506 = vector.extract %slice3A_505[0] : i32 from vector<1xi32>
          %mul3A_507 = arith.constant 16 : i32
          %mul3A_508 = arith.muli %scan3A_74, %mul3A_507 : i32
          %add3A_509 = arith.constant 15 : i32
          %add3A_510 = arith.addi %mul3A_508, %add3A_509 : i32
          %dma_start3A_511 = arith.constant 0 : i32
          %dma_start3A_512 = tpu.memref_slice %arg10[%add3A_510, %dma_start3A_511] : memref<128x64xf32, #tpu.memory_space<vmem>> -> memref<1x64xf32, #tpu.memory_space<vmem>>
          %dma_start3A_513 = arith.constant 0 : i32
          %dma_start3A_514 = tpu.memref_slice %arg4[%squeeze3A_506, %dma_start3A_513] : memref<1000001x64xf32, #tpu.memory_space<hbm>> -> memref<1x64xf32, #tpu.memory_space<hbm>>
          %dma_start3A_515 = arith.constant 0 : i32
          %dma_start3A_516 = tpu.memref_slice %arg10[%add3A_510, %dma_start3A_515] : memref<128x64xf32, #tpu.memory_space<vmem>> -> memref<1x64xf32, #tpu.memory_space<vmem>>
          %dma_start3A_517 = arith.constant 0 : i32
          %dma_start3A_518 = tpu.memref_slice %arg4[%squeeze3A_506, %dma_start3A_517] : memref<1000001x64xf32, #tpu.memory_space<hbm>> -> memref<1x64xf32, #tpu.memory_space<hbm>>
          tpu.enqueue_dma source(%dma_start3A_518 : memref<1x64xf32, #tpu.memory_space<hbm>>) target(%dma_start3A_516 : memref<1x64xf32, #tpu.memory_space<vmem>>) target_semaphore(%arg14 : memref<!tpu.dma_semaphore, #tpu.memory_space<semaphore_mem>>)
          %slice3A_519 = vector.extract_strided_slice %get3A_87 {offsets = [15], sizes = [1], strides = [1]} : vector<16xi32> to vector<1xi32>
          %squeeze3A_520 = vector.extract %slice3A_519[0] : i32 from vector<1xi32>
          %mul3A_521 = arith.constant 16 : i32
          %mul3A_522 = arith.muli %scan3A_74, %mul3A_521 : i32
          %add3A_523 = arith.constant 15 : i32
          %add3A_524 = arith.addi %mul3A_522, %add3A_523 : i32
          %dma_start3A_525 = arith.constant 0 : i32
          %dma_start3A_526 = tpu.memref_slice %arg11[%add3A_524, %dma_start3A_525] : memref<128x64xf32, #tpu.memory_space<vmem>> -> memref<1x64xf32, #tpu.memory_space<vmem>>
          %dma_start3A_527 = arith.constant 0 : i32
          %dma_start3A_528 = tpu.memref_slice %arg5[%squeeze3A_520, %dma_start3A_527] : memref<100001x64xf32, #tpu.memory_space<hbm>> -> memref<1x64xf32, #tpu.memory_space<hbm>>
          %dma_start3A_529 = arith.constant 0 : i32
          %dma_start3A_530 = tpu.memref_slice %arg11[%add3A_524, %dma_start3A_529] : memref<128x64xf32, #tpu.memory_space<vmem>> -> memref<1x64xf32, #tpu.memory_space<vmem>>
          %dma_start3A_531 = arith.constant 0 : i32
          %dma_start3A_532 = tpu.memref_slice %arg5[%squeeze3A_520, %dma_start3A_531] : memref<100001x64xf32, #tpu.memory_space<hbm>> -> memref<1x64xf32, #tpu.memory_space<hbm>>
          tpu.enqueue_dma source(%dma_start3A_532 : memref<1x64xf32, #tpu.memory_space<hbm>>) target(%dma_start3A_530 : memref<1x64xf32, #tpu.memory_space<vmem>>) target_semaphore(%arg15 : memref<!tpu.dma_semaphore, #tpu.memory_space<semaphore_mem>>)
        }
        %scan3A_73 = arith.constant 8 : i32
      } else {
      }
      %add3A_46 = arith.constant 1 : i32
      %add3A_47 = arith.addi %mul3A_16, %add3A_46 : i32
      %dma_wait3A_48 = arith.constant 0 : i32
      %dma_wait3A_49 = arith.constant 0 : i32
      %dma_wait3A_50 = tpu.memref_slice %arg4[%dma_wait3A_48, %dma_wait3A_49] : memref<1000001x64xf32, #tpu.memory_space<hbm>> -> memref<128x64xf32, #tpu.memory_space<hbm>>
      %dma_wait3A_51 = arith.constant 0 : i32
      %dma_wait3A_52 = arith.constant 0 : i32
      %dma_wait3A_53 = tpu.memref_slice %arg4[%dma_wait3A_51, %dma_wait3A_52] : memref<1000001x64xf32, #tpu.memory_space<hbm>> -> memref<128x64xf32, #tpu.memory_space<hbm>>
      tpu.wait_dma2 semaphore(%arg16 : memref<!tpu.dma_semaphore, #tpu.memory_space<semaphore_mem>>) src(%dma_wait3A_53 : memref<128x64xf32, #tpu.memory_space<hbm>>) dst(%arg12 : memref<128x64xf32, #tpu.memory_space<vmem>>)
      %dma_wait3A_54 = arith.constant 0 : i32
      %dma_wait3A_55 = arith.constant 0 : i32
      %dma_wait3A_56 = tpu.memref_slice %arg5[%dma_wait3A_54, %dma_wait3A_55] : memref<100001x64xf32, #tpu.memory_space<hbm>> -> memref<128x64xf32, #tpu.memory_space<hbm>>
      %dma_wait3A_57 = arith.constant 0 : i32
      %dma_wait3A_58 = arith.constant 0 : i32
      %dma_wait3A_59 = tpu.memref_slice %arg5[%dma_wait3A_57, %dma_wait3A_58] : memref<100001x64xf32, #tpu.memory_space<hbm>> -> memref<128x64xf32, #tpu.memory_space<hbm>>
      tpu.wait_dma2 semaphore(%arg17 : memref<!tpu.dma_semaphore, #tpu.memory_space<semaphore_mem>>) src(%dma_wait3A_59 : memref<128x64xf32, #tpu.memory_space<hbm>>) dst(%arg13 : memref<128x64xf32, #tpu.memory_space<vmem>>)
      %mul3A_60 = arith.constant 128 : i32
      %mul3A_61 = arith.muli %add3A_47, %mul3A_60 : i32
      %add3A_62 = arith.addi %mul3A_2, %mul3A_61 : i32
      "tpu.region"() ({
        %run_scoped3A = tpu.sem_alloc : memref<!tpu.dma_semaphore, #tpu.memory_space<semaphore_mem>>
        %dma_start3A = arith.constant 0 : i32
        %dma_start3A_66 = tpu.memref_slice %arg6[%add3A_62, %dma_start3A] : memref<16384x64xf32, #tpu.memory_space<hbm>> -> memref<128x64xf32, #tpu.memory_space<hbm>>
        %dma_start3A_67 = arith.constant 0 : i32
        %dma_start3A_68 = tpu.memref_slice %arg6[%add3A_62, %dma_start3A_67] : memref<16384x64xf32, #tpu.memory_space<hbm>> -> memref<128x64xf32, #tpu.memory_space<hbm>>
        tpu.enqueue_dma source(%arg12 : memref<128x64xf32, #tpu.memory_space<vmem>>) target(%dma_start3A_68 : memref<128x64xf32, #tpu.memory_space<hbm>>) target_semaphore(%run_scoped3A : memref<!tpu.dma_semaphore, #tpu.memory_space<semaphore_mem>>)
        %dma_wait3A_69 = arith.constant 0 : i32
        %dma_wait3A_70 = tpu.memref_slice %arg6[%add3A_62, %dma_wait3A_69] : memref<16384x64xf32, #tpu.memory_space<hbm>> -> memref<128x64xf32, #tpu.memory_space<hbm>>
        %dma_wait3A_71 = arith.constant 0 : i32
        %dma_wait3A_72 = tpu.memref_slice %arg6[%add3A_62, %dma_wait3A_71] : memref<16384x64xf32, #tpu.memory_space<hbm>> -> memref<128x64xf32, #tpu.memory_space<hbm>>
        tpu.wait_dma2 semaphore(%run_scoped3A : memref<!tpu.dma_semaphore, #tpu.memory_space<semaphore_mem>>) src(%arg12 : memref<128x64xf32, #tpu.memory_space<vmem>>) dst(%dma_wait3A_72 : memref<128x64xf32, #tpu.memory_space<hbm>>)
        tpu.yield
      }) : () -> ()
      %mul3A_63 = arith.constant 128 : i32
      %mul3A_64 = arith.muli %add3A_47, %mul3A_63 : i32
      %add3A_65 = arith.addi %mul3A_2, %mul3A_64 : i32
      "tpu.region"() ({
        %run_scoped3A = tpu.sem_alloc : memref<!tpu.dma_semaphore, #tpu.memory_space<semaphore_mem>>
        %dma_start3A = arith.constant 0 : i32
        %dma_start3A_66 = tpu.memref_slice %arg7[%add3A_65, %dma_start3A] : memref<16384x64xf32, #tpu.memory_space<hbm>> -> memref<128x64xf32, #tpu.memory_space<hbm>>
        %dma_start3A_67 = arith.constant 0 : i32
        %dma_start3A_68 = tpu.memref_slice %arg7[%add3A_65, %dma_start3A_67] : memref<16384x64xf32, #tpu.memory_space<hbm>> -> memref<128x64xf32, #tpu.memory_space<hbm>>
        tpu.enqueue_dma source(%arg13 : memref<128x64xf32, #tpu.memory_space<vmem>>) target(%dma_start3A_68 : memref<128x64xf32, #tpu.memory_space<hbm>>) target_semaphore(%run_scoped3A : memref<!tpu.dma_semaphore, #tpu.memory_space<semaphore_mem>>)
        %dma_wait3A_69 = arith.constant 0 : i32
        %dma_wait3A_70 = tpu.memref_slice %arg7[%add3A_65, %dma_wait3A_69] : memref<16384x64xf32, #tpu.memory_space<hbm>> -> memref<128x64xf32, #tpu.memory_space<hbm>>
        %dma_wait3A_71 = arith.constant 0 : i32
        %dma_wait3A_72 = tpu.memref_slice %arg7[%add3A_65, %dma_wait3A_71] : memref<16384x64xf32, #tpu.memory_space<hbm>> -> memref<128x64xf32, #tpu.memory_space<hbm>>
        tpu.wait_dma2 semaphore(%run_scoped3A : memref<!tpu.dma_semaphore, #tpu.memory_space<semaphore_mem>>) src(%arg13 : memref<128x64xf32, #tpu.memory_space<vmem>>) dst(%dma_wait3A_72 : memref<128x64xf32, #tpu.memory_space<hbm>>)
        tpu.yield
      }) : () -> ()
    }
    %scan3A_13 = arith.constant 2 : i32
    return
  }
}

module attributes {stable_mosaic.version = 14 : i64} {
  func.func @body(%arg0: i32, %arg1: memref<4096x64xf32, #tpu.memory_space<vmem>>, %arg2: memref<4096x64xf32, #tpu.memory_space<vmem>>, %arg3: memref<64x256xf32, #tpu.memory_space<vmem>>, %arg4: memref<64x256xf32, #tpu.memory_space<vmem>>, %arg5: memref<1x256xf32, #tpu.memory_space<vmem>>, %arg6: memref<256x64xf32, #tpu.memory_space<vmem>>, %arg7: memref<1x64xf32, #tpu.memory_space<vmem>>, %arg8: memref<64x1xf32, #tpu.memory_space<vmem>>, %arg9: memref<1x1xf32, #tpu.memory_space<vmem>>, %arg10: memref<4096x1xf32, #tpu.memory_space<vmem>>) attributes {dimension_semantics = [#tpu.dimension_semantics<arbitrary>], iteration_bounds = array<i64: 4>, scalar_prefetch = 0 : i64, scratch_operands = 0 : i64, tpu.core_type = #tpu.core_type<tc>, window_params = [{transform_indices = @transform_0, window_bounds = array<i64: 4096, 64>}, {transform_indices = @transform_1, window_bounds = array<i64: 4096, 64>}, {pipeline_mode = #tpu.pipeline_mode<synchronous>, transform_indices = @transform_2, window_bounds = array<i64: 64, 256>}, {pipeline_mode = #tpu.pipeline_mode<synchronous>, transform_indices = @transform_3, window_bounds = array<i64: 64, 256>}, {pipeline_mode = #tpu.pipeline_mode<synchronous>, transform_indices = @transform_4, window_bounds = array<i64: 1, 256>}, {pipeline_mode = #tpu.pipeline_mode<synchronous>, transform_indices = @transform_5, window_bounds = array<i64: 256, 64>}, {pipeline_mode = #tpu.pipeline_mode<synchronous>, transform_indices = @transform_6, window_bounds = array<i64: 1, 64>}, {pipeline_mode = #tpu.pipeline_mode<synchronous>, transform_indices = @transform_7, window_bounds = array<i64: 64, 1>}, {pipeline_mode = #tpu.pipeline_mode<synchronous>, transform_indices = @transform_8, window_bounds = array<i64: 1, 1>}, {transform_indices = @transform_9, window_bounds = array<i64: 4096, 1>}]} {
    %get3A = arith.constant 0 : index
    %get3A_0 = arith.constant 0 : index
    %get3A_1 = vector.load %arg1[%get3A, %get3A_0] : memref<4096x64xf32, #tpu.memory_space<vmem>>, vector<4096x64xf32>
    %get3A_2 = arith.constant 0 : index
    %get3A_3 = arith.constant 0 : index
    %get3A_4 = vector.load %arg3[%get3A_2, %get3A_3] : memref<64x256xf32, #tpu.memory_space<vmem>>, vector<64x256xf32>
    %dot_general3A = arith.constant dense<0.000000e+00> : vector<4096x256xf32>
    %dot_general3A_5 = tpu.matmul %get3A_1, %get3A_4, %dot_general3A {dimension_numbers = #tpu.dot_dimension_numbers<[1], [0], [0], [1], [0, 0, 1, 1], [], []>, transpose_lhs_hint = false} : vector<4096x64xf32>, vector<64x256xf32>, vector<4096x256xf32> -> vector<4096x256xf32>
    %get3A_6 = arith.constant 0 : index
    %get3A_7 = arith.constant 0 : index
    %get3A_8 = vector.load %arg2[%get3A_6, %get3A_7] : memref<4096x64xf32, #tpu.memory_space<vmem>>, vector<4096x64xf32>
    %get3A_9 = arith.constant 0 : index
    %get3A_10 = arith.constant 0 : index
    %get3A_11 = vector.load %arg4[%get3A_9, %get3A_10] : memref<64x256xf32, #tpu.memory_space<vmem>>, vector<64x256xf32>
    %dot_general3A_12 = arith.constant dense<0.000000e+00> : vector<4096x256xf32>
    %dot_general3A_13 = tpu.matmul %get3A_8, %get3A_11, %dot_general3A_12 {dimension_numbers = #tpu.dot_dimension_numbers<[1], [0], [0], [1], [0, 0, 1, 1], [], []>, transpose_lhs_hint = false} : vector<4096x64xf32>, vector<64x256xf32>, vector<4096x256xf32> -> vector<4096x256xf32>
    %add3A = arith.addf %dot_general3A_5, %dot_general3A_13 : vector<4096x256xf32>
    %get3A_14 = arith.constant 0 : index
    %get3A_15 = arith.constant 0 : index
    %get3A_16 = vector.load %arg5[%get3A_14, %get3A_15] : memref<1x256xf32, #tpu.memory_space<vmem>>, vector<1x256xf32>
    %add3A_17 = vector.broadcast %get3A_16 : vector<1x256xf32> to vector<4096x256xf32>
    %add3A_18 = arith.addf %add3A, %add3A_17 : vector<4096x256xf32>
    %max3A = arith.constant 0.000000e+00 : f32
    %max3A_19 = vector.broadcast %max3A : f32 to vector<4096x256xf32>
    %max3A_20 = arith.maximumf %add3A_18, %max3A_19 : vector<4096x256xf32>
    %get3A_21 = arith.constant 0 : index
    %get3A_22 = arith.constant 0 : index
    %get3A_23 = vector.load %arg6[%get3A_21, %get3A_22] : memref<256x64xf32, #tpu.memory_space<vmem>>, vector<256x64xf32>
    %dot_general3A_24 = arith.constant dense<0.000000e+00> : vector<4096x64xf32>
    %dot_general3A_25 = tpu.matmul %max3A_20, %get3A_23, %dot_general3A_24 {dimension_numbers = #tpu.dot_dimension_numbers<[1], [0], [0], [1], [0, 0, 1, 1], [], []>, transpose_lhs_hint = false} : vector<4096x256xf32>, vector<256x64xf32>, vector<4096x64xf32> -> vector<4096x64xf32>
    %get3A_26 = arith.constant 0 : index
    %get3A_27 = arith.constant 0 : index
    %get3A_28 = vector.load %arg7[%get3A_26, %get3A_27] : memref<1x64xf32, #tpu.memory_space<vmem>>, vector<1x64xf32>
    %add3A_29 = vector.broadcast %get3A_28 : vector<1x64xf32> to vector<4096x64xf32>
    %add3A_30 = arith.addf %dot_general3A_25, %add3A_29 : vector<4096x64xf32>
    %max3A_31 = arith.constant 0.000000e+00 : f32
    %max3A_32 = vector.broadcast %max3A_31 : f32 to vector<4096x64xf32>
    %max3A_33 = arith.maximumf %add3A_30, %max3A_32 : vector<4096x64xf32>
    %get3A_34 = arith.constant 0 : index
    %get3A_35 = arith.constant 0 : index
    %get3A_36 = vector.load %arg8[%get3A_34, %get3A_35] : memref<64x1xf32, #tpu.memory_space<vmem>>, vector<64x1xf32>
    %dot_general3A_37 = arith.constant dense<0.000000e+00> : vector<4096x1xf32>
    %dot_general3A_38 = tpu.matmul %max3A_33, %get3A_36, %dot_general3A_37 {dimension_numbers = #tpu.dot_dimension_numbers<[1], [0], [0], [1], [0, 0, 1, 1], [], []>, transpose_lhs_hint = false} : vector<4096x64xf32>, vector<64x1xf32>, vector<4096x1xf32> -> vector<4096x1xf32>
    %get3A_39 = arith.constant 0 : index
    %get3A_40 = arith.constant 0 : index
    %get3A_41 = vector.load %arg9[%get3A_39, %get3A_40] : memref<1x1xf32, #tpu.memory_space<vmem>>, vector<1x1xf32>
    %add3A_42 = vector.broadcast %get3A_41 : vector<1x1xf32> to vector<4096x1xf32>
    %add3A_43 = arith.addf %dot_general3A_38, %add3A_42 : vector<4096x1xf32>
    %swap3A = arith.constant 0 : index
    %swap3A_44 = arith.constant 0 : index
    %swap3A_45 = vector.load %arg10[%swap3A, %swap3A_44] : memref<4096x1xf32, #tpu.memory_space<vmem>>, vector<4096x1xf32>
    tpu.vector_store %arg10[%swap3A, %swap3A_44], %add3A_43 {strides = array<i32>} : memref<4096x1xf32, #tpu.memory_space<vmem>>, vector<4096x1xf32>,
    return
  }
  func.func @transform_0(%arg0: i32) -> (i32, i32) {
    %c0_i32 = arith.constant 0 : i32
    %c0_i32_0 = arith.constant 0 : i32
    return %arg0, %c0_i32 : i32, i32
  }
  func.func @transform_1(%arg0: i32) -> (i32, i32) {
    %c0_i32 = arith.constant 0 : i32
    %c0_i32_0 = arith.constant 0 : i32
    return %arg0, %c0_i32 : i32, i32
  }
  func.func @transform_2(%arg0: i32) -> (i32, i32) {
    %c0_i32 = arith.constant 0 : i32
    %c0_i32_0 = arith.constant 0 : i32
    %c0_i32_1 = arith.constant 0 : i32
    return %c0_i32, %c0_i32_0 : i32, i32
  }
  func.func @transform_3(%arg0: i32) -> (i32, i32) {
    %c0_i32 = arith.constant 0 : i32
    %c0_i32_0 = arith.constant 0 : i32
    %c0_i32_1 = arith.constant 0 : i32
    return %c0_i32, %c0_i32_0 : i32, i32
  }
  func.func @transform_4(%arg0: i32) -> (i32, i32) {
    %c0_i32 = arith.constant 0 : i32
    %c0_i32_0 = arith.constant 0 : i32
    %c0_i32_1 = arith.constant 0 : i32
    return %c0_i32, %c0_i32_0 : i32, i32
  }
  func.func @transform_5(%arg0: i32) -> (i32, i32) {
    %c0_i32 = arith.constant 0 : i32
    %c0_i32_0 = arith.constant 0 : i32
    %c0_i32_1 = arith.constant 0 : i32
    return %c0_i32, %c0_i32_0 : i32, i32
  }
  func.func @transform_6(%arg0: i32) -> (i32, i32) {
    %c0_i32 = arith.constant 0 : i32
    %c0_i32_0 = arith.constant 0 : i32
    %c0_i32_1 = arith.constant 0 : i32
    return %c0_i32, %c0_i32_0 : i32, i32
  }
  func.func @transform_7(%arg0: i32) -> (i32, i32) {
    %c0_i32 = arith.constant 0 : i32
    %c0_i32_0 = arith.constant 0 : i32
    %c0_i32_1 = arith.constant 0 : i32
    return %c0_i32, %c0_i32_0 : i32, i32
  }
  func.func @transform_8(%arg0: i32) -> (i32, i32) {
    %c0_i32 = arith.constant 0 : i32
    %c0_i32_0 = arith.constant 0 : i32
    %c0_i32_1 = arith.constant 0 : i32
    return %c0_i32, %c0_i32_0 : i32, i32
  }
  func.func @transform_9(%arg0: i32) -> (i32, i32) {
    %c0_i32 = arith.constant 0 : i32
    %c0_i32_0 = arith.constant 0 : i32
    return %arg0, %c0_i32 : i32, i32
  }
}

</mosaic_0001>

<sc_bundles>
// kernel: kernel.4.cloned.1.call-start
scs
__scs_entry_jumppad:
0x0: {  	(pc) =	sbr.rel $0x88, $3  }
0x1: {  	(tag) =	ssettag $0x0;
	lr =	simm.s32 $0x1  }
0x2: {  	[smem:$0x3F97] =	sst lr;
	_ =	strace $0xD0000000  }
0x3: {  	_ = 	snop  }
0x4: {  	_ = 	snop  }
0x5: {  	_ = 	snop  }
0x6: {  	_ = 	snop  }
0x7: {  	_ = 	snop  }
__scs_overlays_trampoline_lowered:
0x8: {  	[smem:$0x3FA6] =	sst s0  }
0x9: {  	[smem:$0x3FA7] =	sst s1  }
0xa: {  	[smem:$0x3FA8] =	sst s2  }
0xb: {  	[smem:$0x3FA9] =	sst s3  }
0xc: {  	[smem:$0x3FAA] =	sst s4  }
0xd: {  	[smem:$0x3FAB] =	sst s5  }
0xe: {  	[smem:$0x3FAC] =	sst s6  }
0xf: {  	[smem:$0x3FAD] =	sst s7  }
0x10: {  	[smem:$0x3FAE] =	sst s8  }
0x11: {  	[smem:$0x3FAF] =	sst s9;
	s0 =	simm.s32 @!p0 $0x0  }
0x12: {  	s1 =	sld [smem:$0x3F95];
	s0 =	simm.s32 @p0 $0x1  }
0x13: {  	[smem:$0x3FB0] =	sst s0;
	s0 =	simm.s32 @!p1 $0x0  }
0x14: {  	s2 =	sld [smem:$0x3F94];
	s0 =	simm.s32 @p1 $0x1  }
0x15: {  	[smem:$0x3FB1] =	sst s0;
	s0 =	simm.s32 @!p2 $0x0  }
0x16: {  	s3 =	sld [smem:$0x3FDB];
	s0 =	simm.s32 @p2 $0x1  }
0x17: {  	s4 =	simm.s32 $0x1BF5;
	[smem:$0x3FB3] =	sst s0  }
0x18: {  	s0 =	sld [smem:$0x3F96];
	_ =	swait.ge [sflag:s4], $0x0  }
0x19: {  	s7 =	sld [smem:$0x3F97]  }
0x1a: {  	s8 =	sadd.s32 $0xFFFFE003, lr  }
0x1b: {  	s9 =	sadd.s32 $0xFFFFFEF7, lr;
	s5 =	simm.s32 $0xFFFFFFFF;
	p2 =	slt.u32 s8, $0xFFFFF086  }
0x1c: {  	p1 =	slt.u32 s9, $0xF7A;
	s5 =	simm.s32 @!p2 $0x0  }
0x1d: {  	s5 =	simm.s32 @p1 $0x1;
	p0 =	seq.s32 s7, s2  }
0x1e: {  	s7 =	smul.u32 @!p0 $0xF7A, s2;
	p2 =	seq.s32 @!p0 s5, $0x0  }
0x1f: {  	s9 =	smul.u32 $0xF7A, s1;
	s8 =	simm.s32 @!p0 $0x1BF5;
	p2 =	por !p2, p0  }
0x20: {  	[sflag:s8] =	ssyncset.s32 @!p0 $0xFFFFF086;
	s6 =	sadd.s32 @!p0 s3, s7;
	s7 =	simm.s32 @!p0 $0x108  }
0x21: {  	s3 =	sadd.s32 s3, s9;
	s6 =	sadd.s32 @!p0 $0x88, s6;
	s7 =	simm.s32 @p2 $0x1082  }
0x22: {  	[simem:s7], [sflag:s8] =	dma.local @!p0 [hbm:s6], $0xF7A  }
0x23: {  	s9 =	sor.u32 $0xD0000000, s2;
	s6 =	simm.s32 $0x108;
	_ =	swait.ge @!p0 [sflag:s8], $0x0  }
0x24: {  	s3 =	sadd.s32 $0x88, s3;
	s6 =	simm.s32 @!p1 $0x1082;
	[sflag:s4] =	ssyncset.s32 $0xFFFFF086  }
0x25: {  	[simem:s6], [sflag:s4] =	dma.local [hbm:s3], $0xF7A  }
0x26: {  	[smem:$0x3F97] =	sst s1;
	(tag) =	ssettag s2;
	_ =	strace s9  }
0x27: {  	s1 =	sld [smem:$0x3FA7]  }
0x28: {  	s2 =	sld [smem:$0x3FA8]  }
0x29: {  	s4 =	sld [smem:$0x3FAA]  }
0x2a: {  	p0 =	seq.s32 s5, $0x0;
	s5 =	sld [smem:$0x3FAB]  }
0x2b: {  	s6 =	sld [smem:$0x3FAC]  }
0x2c: {  	s7 =	sld [smem:$0x3FAD]  }
0x2d: {  	s3 =	simm.s32 $0x108;
	s8 =	sld [smem:$0x3FAE]  }
0x2e: {  	s3 =	simm.s32 @!p0 $0x1082;
	s9 =	sld [smem:$0x3FAF]  }
0x2f: {  	lr =	sadd.s32 s0, s3;
	s0 =	sld [smem:$0x3FA6]  }
0x30: {  	s3 =	sld [smem:$0x3FA9]  }
0x31: {  	[smem:$0x3FB2] =	sst s10  }
0x32: {  	s10 =	sld [smem:$0x3FB0];
	_ =	sdelay $0x3  }
0x33: {  	p0 =	seq.s32 s10, $0x1;
	s10 =	sld [smem:$0x3FB2];
	_ =	sdelay $0x3  }
0x34: {  	[smem:$0x3FB2] =	sst s10  }
0x35: {  	s10 =	sld [smem:$0x3FB1];
	_ =	sdelay $0x3  }
0x36: {  	p1 =	seq.s32 s10, $0x1;
	s10 =	sld [smem:$0x3FB2];
	_ =	sdelay $0x3  }
0x37: {  	[smem:$0x3FB2] =	sst s10  }
0x38: {  	s10 =	sld [smem:$0x3FB3]  }
0x39: {  	_ = 	snop;
	(pc) =	sbr.ind lr, $3  }
0x3a: {  	_ = 	snop  }
0x3b: {  	_ = 	snop  }
0x3c: {  	p2 =	seq.s32 s10, $0x1;
	s10 =	sld [smem:$0x3FB2]  }
0x3d: {  	_ =	shalt  }
0x3e: {  	_ =	shalt  }
0x3f: {  	_ =	shalt  }
0x40: {  	_ =	shalt  }
0x41: {  	_ =	shalt  }
0x42: {  	_ =	shalt  }
0x43: {  	_ =	shalt  }
0x44: {  	_ =	shalt  }
0x45: {  	_ =	shalt  }
0x46: {  	_ =	shalt  }
0x47: {  	_ =	shalt  }
0x48: {  	_ =	shalt  }
0x49: {  	_ =	shalt  }
0x4a: {  	_ =	shalt  }
0x4b: {  	_ =	shalt  }
0x4c: {  	_ =	shalt  }
0x4d: {  	_ =	shalt  }
0x4e: {  	_ =	shalt  }
0x4f: {  	_ =	shalt  }
0x50: {  	_ =	shalt  }
0x51: {  	_ =	shalt  }
0x52: {  	_ =	shalt  }
0x53: {  	_ =	shalt  }
0x54: {  	_ =	shalt  }
0x55: {  	_ =	shalt  }
0x56: {  	_ =	shalt  }
0x57: {  	_ =	shalt  }
0x58: {  	_ =	shalt  }
0x59: {  	_ =	shalt  }
0x5a: {  	_ =	shalt  }
0x5b: {  	_ =	shalt  }
0x5c: {  	_ =	shalt  }
0x5d: {  	_ =	shalt  }
0x5e: {  	_ =	shalt  }
0x5f: {  	_ =	shalt  }
0x60: {  	_ =	shalt  }
0x61: {  	_ =	shalt  }
0x62: {  	_ =	shalt  }
0x63: {  	_ =	shalt  }
0x64: {  	_ =	shalt  }
0x65: {  	_ =	shalt  }
0x66: {  	_ =	shalt  }
0x67: {  	_ =	shalt  }
0x68: {  	_ =	shalt  }
0x69: {  	_ =	shalt  }
0x6a: {  	_ =	shalt  }
0x6b: {  	_ =	shalt  }
0x6c: {  	_ =	shalt  }
0x6d: {  	_ =	shalt  }
0x6e: {  	_ =	shalt  }
0x6f: {  	_ =	shalt  }
0x70: {  	_ =	shalt  }
0x71: {  	_ =	shalt  }
0x72: {  	_ =	shalt  }
0x73: {  	_ =	shalt  }
0x74: {  	_ =	shalt  }
0x75: {  	_ =	shalt  }
0x76: {  	_ =	shalt  }
0x77: {  	_ =	shalt  }
0x78: {  	_ =	shalt  }
0x79: {  	_ =	shalt  }
0x7a: {  	_ =	shalt  }
0x7b: {  	_ =	shalt  }
0x7c: {  	_ =	shalt  }
0x7d: {  	_ =	shalt  }
0x7e: {  	_ =	shalt  }
0x7f: {  	_ =	shalt  }
0x80: {  	_ =	shalt  }
0x81: {  	_ =	shalt  }
0x82: {  	_ =	shalt  }
0x83: {  	_ =	shalt  }
0x84: {  	_ =	shalt  }
0x85: {  	_ =	shalt  }
0x86: {  	_ =	shalt  }
0x87: {  	_ =	shalt  }
.Lfunc_end0:
.L_simem_size_0:
called_computation_lowered:
.L_overlay_start_0:
0x88: {  	s2 =	sld [smem:$0x3FD9]  }
0x89: {  	s3 =	sld [smem:$0x3FFE];
	_ =	sdelay $0x1  }
0x8a: {  	s1 =	srdreg.scid  }
0x8b: {  	s0 =	sand.u32 $0x1, s1  }
0x8c: {  	s17 =	sshll.u32 s0, $0xA;
	s2 =	sadd.s32 s3, s2  }
0x8d: {  	s2 =	sadd.s32 s2, s17  }
0x8e: {  	[smem:$0x3FBE] =	sst s2  }
0x8f: {  	_ = 	snop  }
0x90: {  	s2 =	sld [smem:$0x3FC9]  }
0x91: {  	s18 =	sld [smem:$0x3FC8];
	(tm) =	ssettm $0x1  }
0x92: {  	s4 =	sld [smem:$0x3FFB];
	_ =	sdelay $0x3  }
0x93: {  	_ =	strace s4  }
0x94: {  	s4 =	sld [smem:$0x3FFC];
	_ =	sdelay $0x3  }
0x95: {  	_ =	strace s4  }
0x96: {  	s4 =	sld [smem:$0x3FFD];
	_ =	sdelay $0x3  }
0x97: {  	_ =	strace s4  }
0x98: {  	_ =	strace $0x8FFFFFFF  }
0x99: {  	s19 =	sld [smem:$0x3FDB];
	_ =	sdelay $0x1  }
0x9a: {  	s5 =	simm.s32 $_scs_section_size  }
0x9b: {  	s6 =	simm.s32 $_size__tile_overlayer_lowered;
	s7 =	simm.s32 $_tile_overlayer_lowered  }
0x9c: {  	s22 =	simm.s32 $0x1BFF;
	s21 =	sshll.u32 s7, $0x1;
	s4 =	sadd.s32 s5, s19  }
0x9d: {  	s8 =	simm.s32 $0x0;
	s20 =	sshll.u32 s6, $0x1;
	s6 =	sadd.s32 s21, s4  }
0x9e: {  	[timem:s8], [sflag:s22] =	dma.local [hbm:s6], s20  }
0x9f: {  	_ =	swait.ge [sflag:s22], s20  }
0xa0: {  	s5 =	ssub.s32 $0x0, s20;
	[sflag:s22] =	ssyncset.done $0x0  }
0xa1: {  	[sflag:s22] =	ssyncadd.s32 s5;
	_ =	sdelay $0x1  }
0xa2: {  	s23 =	simm.s32 $0x1B8B  }
0xa3: {  	_ =	swait.ge [sflag:s23], $0x1  }
0xa4: {  	[sflag:s23] =	ssyncset.done $0x0  }
0xa5: {  	s25 =	simm.s32 $0x1B8E;
	s24 =	sld [smem:$0x3FFE];
	[sflag:s23] =	ssyncadd.s32 $0xFFFFFFFF  }
0xa6: {  	s26 =	simm.s32 $execute0_lowered;
	[smem:$0x3FD2] =	sst s25  }
0xa7: {  	s6 =	sshll.u32 s26, $0x1;
	_ =	strace $0x80000046;
	[dreg:$0x1] =	wrdreg $0xFFFFFFFF  }
0xa8: {  	s28 =	simm.s32 $_size_execute0_lowered;
	s4 =	sadd.s32 s4, s6;
	[dreg:$0x0] =	wrdreg $0x0  }
0xa9: {  	s6 =	sshll.u32 s28, $0x1;
	[dreg:$0x2] =	wrdreg s4  }
0xaa: {  	[dreg:$0x3] =	wrdreg s6  }
0xab: {  	[dreg:$0x4] =	wrdreg $0xC0  }
0xac: {  	_ =	task [dreg:s8], $0x5FFFF  }
0xad: {  	[dreg:$0x1] =	wrdreg $0xFFFFFFFF  }
0xae: {  	[dreg:$0x0] =	wrdreg $0x60  }
0xaf: {  	[dreg:$0x2] =	wrdreg s2  }
0xb0: {  	[dreg:$0x3] =	wrdreg s18  }
0xb1: {  	[dreg:$0x4] =	wrdreg s24  }
0xb2: {  	[dreg:$0x5] =	wrdreg $0x9  }
0xb3: {  	_ =	task.clear_ibuf [dreg:s8], $0x6FFFF;
	_ =	strace $0x90000046  }
0xb4: {  	s29 =	simm.s32 $0x9;
	_ =	strace $0x80000048  }
0xb5: {  	_ =	swait.ge [sflag:s29], $0x1  }
0xb6: {  	[sflag:s29] =	ssyncadd.s32 $0xFFFFFFFF  }
0xb7: {  	_ =	strace $0x90000048  }
0xb8: {  	_ =	sfence  }
0xb9: {  	s30 =	sld [smem:$0x0];
	_ =	sdelay $0x2  }
0xba: {  	s31 =	sshll.u32 s1, $0xD;
	s1 =	sshrl.u32 s1, $0x2  }
0xbb: {  	s3 =	sand.u32 $0x4000, s31;
	s1 =	sadd.s32 s1, s30  }
0xbc: {  	s0 =	sor.u32 s3, s0;
	s1 =	sshll.u32 s1, $0x11  }
0xbd: {  	s0 =	sor.u32 s1, s0  }
0xbe: {  	s0 =	sadd.s32 $0x8F2B, s0  }
0xbf: {  	[sflag:s0] =	ssyncadd.remote.s32 $0x1  }
0xc0: {  	_ =	sfence.sel $0xFFFF  }
0xc1: {  	[dreg:$0x0] =	wrdreg $0xFFFFFFFF;
	(pc) =	sbr.abs _section_cstart, $3  }
0xc2: {  	[dreg:$0x1] =	wrdreg $0xFFFFFFFF  }
0xc3: {  	_ =	task.clear_ibuf [dreg:s8], $0x2FFFF;
	_ =	strace $0x9FFFFFFF  }
0xc4: {  	(tm) =	ssettm $0x7FFFFFFF  }
0xc5: {  	_ =	shalt  }
tec
execute0_lowered:
.L_overlay_start_1:
0x0: {  	(tag) =	ssettag $0x1  }
0x1: {  	s0 =	rddreg [dreg:$0x0]  }
0x2: {  	s5 =	rddreg [dreg:$0x2];
	s1 =	simm.s32 $0x0;
	s4 =	srdreg.scid  }
0x3: {  	s7 =	stileid.u32;
	[smem:$0x7FF] =	sst s1;
	s3 =	sadd.s32 $0x1800, s5  }
0x4: {  	s6 =	sand.u32 $0x1, s4;
	s4 =	sadd.s32 $0xF43E00, s5;
	s7 =	sshll.u32 s7, $0xA  }
0x5: {  	s2 =	rddreg [dreg:$0x1];
	s9 =	sadd.s32 $0x10CAA00, s5;
	s5 =	sadd.s32 $0x110AA00, s5  }
0x6: {  	_ =	strace $0x80000047;
	s8 =	sshll.u32 s6, $0x9;
	[smem:$0x7F8] =	sst s9  }
0x7: {  	s6 =	ssub.s32 $0x2, s6;
	[smem:$0x7F9] =	sst s5;
	s7 =	sor.u32 s8, s7  }
.Ltmp0:
0x8: {  	s8 =	sshrl.u32 s7, $0x3;
	s30 =	sshll.u32 s7, $0x4;
	(pc) =	sbr.rel .LBB2_1-.Ltmp0, $4  }
0x9: {  	s28 =	sshrl.u32 s6, $0x1;
	s0 =	sadd.s32 s0, s8;
	[smem:$0x7FC] =	sst s30  }
0xa: {  	s5 =	ssub.s32 s6, s28;
	s29 =	sadd.s32 s2, s8;
	[smem:$0x7FA] =	sst s0  }
0xb: {  	s31 =	smax.u32 s5, $0x1;
	[smem:$0x7FB] =	sst s29  }
0xc: {  	s2 =	simm.s32 $0x0;
	[smem:$0x7FD] =	sst s31  }
.LBB2_11:
0xd: {  	s2 =	sld [smem:$0x7F7]  }
0xe: {  	s0 =	sld [smem:$0x7FD];
	_ =	sdelay $0x1  }
0xf: {  	s2 =	sadd.s32 $0x1, s2  }
0x10: {  	p0 =	sne.s32 s2, s0  }
.Ltmp1:
0x11: {  	_ = 	snop;
	(pc) =	sbr.rel @!p0 .LBB2_12-.Ltmp1, $1  }
0x12: {  	_ =	sdelay $0x3  }
.LBB2_1:
0x13: {  	s0 =	sld [smem:$0x7FA];
	_ =	sdelay $0x1  }
0x14: {  	[smem:$0x7F7] =	sst s2;
	s5 =	simm.s32 $0x5  }
0x15: {  	[tilespmem:s1], [sflag:$0x5] =	stream.linear.gather [hbm4b:s0+s1], $0x200, $0x38;
	[tilespmem:$0x10400] =	vst v63  }
0x16: {  	_ =	swait.ge [sflag:s5], $0x200  }
0x17: {  	s19 =	sld [smem:$0x7FB]  }
0x18: {  	[sflag:s5] =	ssyncset.done $0x0  }
0x19: {  	s18 =	simm.s32 $0x200;
	[sflag:s5] =	ssyncadd.s32 $0xFFFFFE00  }
0x1a: {  	[tilespmem:s18], [sflag:$0x5] =	stream.linear.gather [hbm4b:s19+s1], $0x200, $0x38;
	[tilespmem:$0x10400] =	vst v63  }
0x1b: {  	_ =	swait.ge [sflag:s5], $0x200  }
0x1c: {  	[sflag:s5] =	ssyncset.done $0x0  }
0x1d: {  	[sflag:s5] =	ssyncadd.s32 $0xFFFFFE00  }
0x1e: {  	v0 =	vld [tilespmem:s1+$0x0]  }
0x1f: {  	v1 =	vld [tilespmem:s18+$0x0];
	_ =	sdelay $0x3  }
0x20: {  	v0 =	vshll.u32 v0, $0x4  }
0x21: {  	v1 =	vshll.u32 v1, $0x4;
	(v2sf) =	vpush v0, $0x0  }
0x22: {  	(v2sf) =	vpush v1, $0x0  }
0x23: {  	(v2sf) =	vpush v0, $0x1;
	_ =	sdelay $0x1  }
0x24: {  	(v2sf) =	vpush v1, $0x1;
	_ =	sdelay $0x3  }
0x25: {  	(v2sf) =	vpush v0, $0x2;
	_ =	sdelay $0x1  }
0x26: {  	s23 =	simm.s32 $0x2000;
	s21 =	simm.s32 $0x0;
	(v2sf) =	vpush v1, $0x2  }
0x27: {  	s6 =	simm.s32 $0x4400;
	s2 =	simm.s32 $0x680;
	s7 =	simm.s32 $0x400;
	(v2sf) =	vpush v0, $0x3  }
0x28: {  	s8 =	simm.s32 $0x600;
	s10 =	simm.s32 $0x580;
	s11 =	simm.s32 $0x4580  }
0x29: {  	s13 =	simm.s32 $0x4A00;
	s25 =	simm.s32 $0x480;
	s14 =	simm.s32 $0x500  }
0x2a: {  	s17 =	simm.s32 $0x4500;
	s31 =	simm.s32 $0xA00;
	s28 =	simm.s32 $0x10  }
0x2b: {  	s29 =	simm.s32 $0x210;
	s0 =	simm.s32 $0x4900;
	s9 =	spop (v2sf);
	(v2sf) =	vpush v1, $0x3  }
0x2c: {  	s5 =	simm.s32 $0x880;
	s9 =	sand.u32 $0x1FFFFFF0, s9;
	s12 =	spop (v2sf)  }
0x2d: {  	(v2sf) =	vpush v0, $0x4;
	s9 =	sadd.s32 s3, s9;
	s20 =	sand.u32 $0x1FFFFFF0, s12;
	s22 =	spop (v2sf)  }
0x2e: {  	(v2sf) =	vpush v1, $0x4;
	[tilespmem:s7], [sflag:$0x1] =	stream.linear.gather [hbm4b:s9+s1], $0x80, $0x38;
	[tilespmem:$0x10400] =	vst v63  }
0x2f: {  	s7 =	sadd.s32 s4, s20;
	s9 =	sand.u32 $0x1FFFFFF0, s22;
	s24 =	spop (v2sf)  }
0x30: {  	(v2sf) =	vpush v0, $0x5;
	[tilespmem:s6], [sflag:$0x2] =	stream.linear.gather [hbm4b:s7+s1], $0x80, $0x38;
	[tilespmem:$0x10400] =	vst v63  }
0x31: {  	s20 =	simm.s32 $0x4600;
	s26 =	sadd.s32 s3, s9;
	s30 =	sand.u32 $0x1FFFFFF0, s24;
	(v2sf) =	vpush v1, $0x5  }
0x32: {  	[tilespmem:s25], [sflag:$0x1] =	stream.linear.gather [hbm4b:s26+s1], $0x80, $0x38;
	[tilespmem:$0x10400] =	vst v63  }
0x33: {  	s12 =	spop (v2sf);
	s7 =	simm.s32 $0x4480;
	s9 =	sadd.s32 s4, s30  }
0x34: {  	[tilespmem:s7], [sflag:$0x2] =	stream.linear.gather [hbm4b:s9+s1], $0x80, $0x38;
	[tilespmem:$0x10400] =	vst v63  }
0x35: {  	(v2sf) =	vpush v0, $0x6;
	s15 =	spop (v2sf);
	s6 =	simm.s32 $0x4980;
	s7 =	sand.u32 $0x1FFFFFF0, s12  }
0x36: {  	s16 =	spop (v2sf);
	s9 =	sand.u32 $0x1FFFFFF0, s15;
	s7 =	sadd.s32 s3, s7  }
0x37: {  	(v2sf) =	vpush v1, $0x6;
	[tilespmem:s14], [sflag:$0x1] =	stream.linear.gather [hbm4b:s7+s1], $0x80, $0x38;
	[tilespmem:$0x10400] =	vst v63  }
0x38: {  	s19 =	sand.u32 $0x1FFFFFF0, s16;
	s26 =	simm.s32 $0x4680;
	s18 =	sadd.s32 s4, s9  }
0x39: {  	[tilespmem:s17], [sflag:$0x2] =	stream.linear.gather [hbm4b:s18+s1], $0x80, $0x38;
	[tilespmem:$0x10400] =	vst v63  }
0x3a: {  	s9 =	sadd.s32 s3, s19;
	s14 =	simm.s32 $0x4A80;
	s22 =	spop (v2sf)  }
0x3b: {  	(v2sf) =	vpush v0, $0x7;
	[tilespmem:s10], [sflag:$0x1] =	stream.linear.gather [hbm4b:s9+s1], $0x80, $0x38;
	[tilespmem:$0x10400] =	vst v63  }
0x3c: {  	s18 =	simm.s32 $0xA80;
	s7 =	sand.u32 $0x1FFFFFF0, s22;
	s24 =	spop (v2sf)  }
0x3d: {  	s10 =	simm.s32 $0x700;
	(v2sf) =	vpush v1, $0x7;
	s7 =	sadd.s32 s4, s7;
	s25 =	spop (v2sf)  }
0x3e: {  	(v2sf) =	vpush v0, $0x8;
	[tilespmem:s11], [sflag:$0x2] =	stream.linear.gather [hbm4b:s7+s1], $0x80, $0x38;
	[tilespmem:$0x10400] =	vst v63  }
0x3f: {  	s9 =	sand.u32 $0x1FFFFFF0, s24;
	s24 =	simm.s32 $0x4700;
	s15 =	spop (v2sf)  }
0x40: {  	s9 =	sadd.s32 s3, s9;
	s30 =	sand.u32 $0x1FFFFFF0, s25;
	(v2sf) =	vpush v1, $0x8;
	s16 =	spop (v2sf)  }
0x41: {  	[tilespmem:s8], [sflag:$0x1] =	stream.linear.gather [hbm4b:s9+s1], $0x80, $0x38;
	[tilespmem:$0x10400] =	vst v63  }
0x42: {  	s11 =	sadd.s32 s4, s30;
	(v2sf) =	vpush v0, $0x9;
	s9 =	sand.u32 $0x1FFFFFF0, s15;
	s17 =	sand.u32 $0x1FFFFFF0, s16  }
0x43: {  	[tilespmem:s20], [sflag:$0x2] =	stream.linear.gather [hbm4b:s11+s1], $0x80, $0x38;
	[tilespmem:$0x10400] =	vst v63  }
0x44: {  	s19 =	spop (v2sf);
	(v2sf) =	vpush v1, $0x9;
	s15 =	simm.s32 $0x4780;
	s9 =	sadd.s32 s3, s9  }
0x45: {  	[tilespmem:s2], [sflag:$0x1] =	stream.linear.gather [hbm4b:s9+s1], $0x80, $0x38;
	[tilespmem:$0x10400] =	vst v63  }
0x46: {  	s22 =	sand.u32 $0x1FFFFFF0, s19;
	s25 =	spop (v2sf);
	(v2sf) =	vpush v0, $0xA;
	s20 =	sadd.s32 s4, s17  }
0x47: {  	[tilespmem:s26], [sflag:$0x2] =	stream.linear.gather [hbm4b:s20+s1], $0x80, $0x38;
	[tilespmem:$0x10400] =	vst v63  }
0x48: {  	s7 =	sand.u32 $0x1FFFFFF0, s25;
	s17 =	simm.s32 $0x800;
	s9 =	sadd.s32 s3, s22  }
0x49: {  	(v2sf) =	vpush v1, $0xA;
	[tilespmem:s10], [sflag:$0x1] =	stream.linear.gather [hbm4b:s9+s1], $0x80, $0x38;
	[tilespmem:$0x10400] =	vst v63  }
0x4a: {  	s7 =	sadd.s32 s4, s7;
	s22 =	simm.s32 $0x4800;
	s26 =	spop (v2sf)  }
0x4b: {  	(v2sf) =	vpush v0, $0xB;
	[tilespmem:s24], [sflag:$0x2] =	stream.linear.gather [hbm4b:s7+s1], $0x80, $0x38;
	[tilespmem:$0x10400] =	vst v63  }
0x4c: {  	s7 =	simm.s32 $0x780;
	s9 =	sand.u32 $0x1FFFFFF0, s26;
	s30 =	spop (v2sf)  }
0x4d: {  	(v2sf) =	vpush v1, $0xB;
	s10 =	sadd.s32 s3, s9;
	s12 =	sand.u32 $0x1FFFFFF0, s30;
	s16 =	spop (v2sf)  }
0x4e: {  	[tilespmem:s7], [sflag:$0x1] =	stream.linear.gather [hbm4b:s10+s1], $0x80, $0x38;
	[tilespmem:$0x10400] =	vst v63  }
0x4f: {  	s9 =	sadd.s32 s4, s12;
	s7 =	sand.u32 $0x1FFFFFF0, s16;
	s19 =	spop (v2sf)  }
0x50: {  	(v2sf) =	vpush v0, $0xC;
	[tilespmem:s15], [sflag:$0x2] =	stream.linear.gather [hbm4b:s9+s1], $0x80, $0x38;
	[tilespmem:$0x10400] =	vst v63  }
0x51: {  	s7 =	sadd.s32 s3, s7;
	s20 =	spop (v2sf);
	s9 =	sand.u32 $0x1FFFFFF0, s19  }
0x52: {  	(v2sf) =	vpush v1, $0xC;
	[tilespmem:s17], [sflag:$0x1] =	stream.linear.gather [hbm4b:s7+s1], $0x80, $0x38;
	[tilespmem:$0x10400] =	vst v63  }
0x53: {  	s25 =	sand.u32 $0x1FFFFFF0, s20;
	s30 =	spop (v2sf);
	s24 =	sadd.s32 s4, s9  }
0x54: {  	[tilespmem:s22], [sflag:$0x2] =	stream.linear.gather [hbm4b:s24+s1], $0x80, $0x38;
	[tilespmem:$0x10400] =	vst v63  }
0x55: {  	s8 =	simm.s32 $0x4880;
	s9 =	sadd.s32 s3, s25;
	s10 =	spop (v2sf)  }
0x56: {  	[tilespmem:s5], [sflag:$0x1] =	stream.linear.gather [hbm4b:s9+s1], $0x80, $0x38;
	[tilespmem:$0x10400] =	vst v63  }
0x57: {  	s26 =	simm.s32 $0x900;
	s7 =	sand.u32 $0x1FFFFFF0, s10;
	s9 =	sand.u32 $0x1FFFFFF0, s30  }
0x58: {  	s11 =	spop (v2sf);
	s12 =	sadd.s32 s3, s7;
	s5 =	sadd.s32 s4, s9  }
0x59: {  	[tilespmem:s8], [sflag:$0x2] =	stream.linear.gather [hbm4b:s5+s1], $0x80, $0x38;
	[tilespmem:$0x10400] =	vst v63  }
0x5a: {  	s15 =	sand.u32 $0x1FFFFFF0, s11;
	s7 =	simm.s32 $0x0;
	s16 =	spop (v2sf)  }
0x5b: {  	[tilespmem:s26], [sflag:$0x1] =	stream.linear.gather [hbm4b:s12+s1], $0x80, $0x38;
	[tilespmem:$0x10400] =	vst v63  }
0x5c: {  	s17 =	sadd.s32 s4, s15;
	s19 =	sand.u32 $0x1FFFFFF0, s16;
	s20 =	spop (v2sf)  }
0x5d: {  	(v2sf) =	vpush v0, $0xD;
	[tilespmem:s0], [sflag:$0x2] =	stream.linear.gather [hbm4b:s17+s1], $0x80, $0x38;
	[tilespmem:$0x10400] =	vst v63  }
0x5e: {  	s22 =	simm.s32 $0x980;
	(v2sf) =	vpush v1, $0xD;
	s24 =	sadd.s32 s3, s19;
	s25 =	sand.u32 $0x1FFFFFF0, s20  }
0x5f: {  	(v2sf) =	vpush v0, $0xE;
	s0 =	simm.s32 $0xB00;
	s19 =	simm.s32 $0x4B00;
	s30 =	spop (v2sf)  }
0x60: {  	(v2sf) =	vpush v1, $0xE;
	[tilespmem:s22], [sflag:$0x1] =	stream.linear.gather [hbm4b:s24+s1], $0x80, $0x38;
	[tilespmem:$0x10400] =	vst v63  }
0x61: {  	s26 =	sadd.s32 s4, s25;
	(v2sf) =	vpush v0, $0xF;
	s2 =	sand.u32 $0x1FFFFFF0, s30;
	s5 =	spop (v2sf)  }
0x62: {  	(v2sf) =	vpush v1, $0xF;
	[tilespmem:s6], [sflag:$0x2] =	stream.linear.gather [hbm4b:s26+s1], $0x80, $0x38;
	[tilespmem:$0x10400] =	vst v63  }
.LBB2_2:
0x63: {  	_ =	sdelay $0x4  }
0x64: {  	s2 =	sadd.s32 s3, s2;
	s5 =	sand.u32 $0x1FFFFFF0, s5  }
0x65: {  	[tilespmem:s31], [sflag:$0x1] =	stream.linear.gather [hbm4b:s2+s7], $0x80, $0x38;
	[tilespmem:$0x10400] =	vst v63  }
0x66: {  	s5 =	sadd.s32 s4, s5  }
0x67: {  	[tilespmem:s13], [sflag:$0x2] =	stream.linear.gather [hbm4b:s5+s7], $0x80, $0x38;
	[tilespmem:$0x10400] =	vst v63  }
0x68: {  	s6 =	spop (v2sf)  }
0x69: {  	s6 =	sand.u32 $0x1FFFFFF0, s6;
	s8 =	spop (v2sf)  }
0x6a: {  	s9 =	sadd.s32 s3, s6;
	s10 =	sand.u32 $0x1FFFFFF0, s8;
	s11 =	spop (v2sf)  }
0x6b: {  	[tilespmem:s18], [sflag:$0x1] =	stream.linear.gather [hbm4b:s9+s7], $0x80, $0x38;
	[tilespmem:$0x10400] =	vst v63  }
0x6c: {  	s12 =	sadd.s32 s4, s10;
	s13 =	sand.u32 $0x1FFFFFF0, s11;
	s15 =	spop (v2sf)  }
0x6d: {  	[tilespmem:s14], [sflag:$0x2] =	stream.linear.gather [hbm4b:s12+s7], $0x80, $0x38;
	[tilespmem:$0x10400] =	vst v63  }
0x6e: {  	s16 =	sadd.s32 s3, s13;
	s17 =	sand.u32 $0x1FFFFFF0, s15;
	s18 =	spop (v2sf)  }
0x6f: {  	[tilespmem:s0], [sflag:$0x1] =	stream.linear.gather [hbm4b:s16+s7], $0x80, $0x38;
	[tilespmem:$0x10400] =	vst v63  }
0x70: {  	s20 =	sadd.s32 s4, s17;
	s22 =	sand.u32 $0x1FFFFFF0, s18;
	s24 =	spop (v2sf)  }
0x71: {  	[tilespmem:s19], [sflag:$0x2] =	stream.linear.gather [hbm4b:s20+s7], $0x80, $0x38;
	[tilespmem:$0x10400] =	vst v63  }
0x72: {  	s25 =	sadd.s32 $0xB80, s21;
	s2 =	sadd.s32 s3, s22;
	s5 =	sand.u32 $0x1FFFFFF0, s24  }
0x73: {  	[tilespmem:s25], [sflag:$0x1] =	stream.linear.gather [hbm4b:s2+s7], $0x80, $0x38;
	[tilespmem:$0x10400] =	vst v63  }
0x74: {  	s26 =	sadd.s32 $0x4B80, s21;
	s30 =	sadd.s32 s4, s5  }
0x75: {  	[tilespmem:s26], [sflag:$0x2] =	stream.linear.gather [hbm4b:s30+s7], $0x80, $0x38;
	[tilespmem:$0x10400] =	vst v63  }
0x76: {  	v0 =	vld [tilespmem:s28+$0x0]  }
0x77: {  	v2 =	vld [tilespmem:s29+$0x0];
	_ =	sdelay $0x3  }
0x78: {  	s5 =	smov.u32 s23;
	v1 =	vshll.u32 v0, $0x4  }
0x79: {  	s21 =	sshra.s32 s5, $0x2;
	v63 =	vshll.u32 v2, $0x4;
	(v2sf) =	vpush v1, $0x0  }
0x7a: {  	p0 =	sne.s32 s23, $0xE000;
	s23 =	sadd.s32 $0x2000, s23;
	s0 =	sadd.s32 $0x680, s21;
	(v2sf) =	vpush v63, $0x0  }
0x7b: {  	s6 =	sadd.s32 $0x880, s21;
	s8 =	sadd.s32 $0x4900, s21;
	s24 =	sadd.s32 $0x580, s21;
	(v2sf) =	vpush v1, $0x1  }
0x7c: {  	s11 =	sadd.s32 $0x4580, s21;
	s9 =	sadd.s32 $0x4A00, s21;
	[dreg:$0x1f] =	wrdreg s0  }
0x7d: {  	s18 =	sadd.s32 $0xA80, s21;
	s22 =	sadd.s32 $0x4500, s21;
	[dreg:$0xb] =	wrdreg s6;
	(v2sf) =	vpush v63, $0x1  }
0x7e: {  	s5 =	sadd.s32 $0x4680, s21;
	s17 =	sadd.s32 $0x700, s21;
	[dreg:$0x4] =	wrdreg s8  }
0x7f: {  	s10 =	sadd.s32 $0x4980, s21;
	s12 =	sadd.s32 $0x4A80, s21;
	[dreg:$0x18] =	wrdreg s9;
	(v2sf) =	vpush v1, $0x2  }
0x80: {  	s16 =	sadd.s32 $0x4700, s21;
	s13 =	sadd.s32 $0x4880, s21;
	[dreg:$0x7] =	wrdreg s10  }
0x81: {  	s14 =	sadd.s32 $0x900, s21;
	s15 =	sadd.s32 $0x4800, s21;
	[dreg:$0xa] =	wrdreg s12;
	(v2sf) =	vpush v63, $0x2  }
0x82: {  	s31 =	sadd.s32 $0xA00, s21;
	s19 =	sadd.s32 $0x800, s21;
	[dreg:$0x11] =	wrdreg s13  }
0x83: {  	s6 =	sadd.s32 $0x600, s21;
	s9 =	sadd.s32 $0x4600, s21;
	[dreg:$0xe] =	wrdreg s14;
	(v2sf) =	vpush v1, $0x3  }
0x84: {  	s8 =	sadd.s32 $0x4480, s21;
	s13 =	sadd.s32 $0x780, s21;
	[dreg:$0x19] =	wrdreg s15  }
0x85: {  	s10 =	sadd.s32 $0x480, s21;
	s12 =	sadd.s32 $0x4780, s21;
	[dreg:$0x1c] =	wrdreg s19;
	(v2sf) =	vpush v63, $0x3  }
0x86: {  	s0 =	sadd.s32 $0xB00, s21;
	s19 =	sadd.s32 $0x4B00, s21;
	s14 =	sadd.s32 $0x980, s21  }
0x87: {  	s25 =	sadd.s32 $0x400, s21;
	s2 =	sadd.s32 $0x500, s21;
	s30 =	simm.s32 $0x0;
	(v2sf) =	vpush v1, $0x4  }
0x88: {  	s7 =	sadd.s32 $0x4400, s21;
	s28 =	sadd.s32 $0x10, s28;
	s20 =	spop (v2sf)  }
0x89: {  	s29 =	sadd.s32 $0x10, s29;
	s20 =	sand.u32 $0x1FFFFFF0, s20;
	s26 =	spop (v2sf);
	(v2sf) =	vpush v63, $0x4  }
0x8a: {  	s20 =	sadd.s32 s3, s20;
	s26 =	sand.u32 $0x1FFFFFF0, s26;
	s15 =	spop (v2sf)  }
0x8b: {  	(v2sf) =	vpush v1, $0x5;
	[tilespmem:s25], [sflag:$0x1] =	stream.linear.gather [hbm4b:s20+s30], $0x80, $0x38;
	[tilespmem:$0x10400] =	vst v63  }
0x8c: {  	s25 =	sadd.s32 s4, s26;
	s15 =	sand.u32 $0x1FFFFFF0, s15;
	s26 =	spop (v2sf);
	(v2sf) =	vpush v63, $0x5  }
0x8d: {  	[tilespmem:s7], [sflag:$0x2] =	stream.linear.gather [hbm4b:s25+s30], $0x80, $0x38;
	[tilespmem:$0x10400] =	vst v63  }
0x8e: {  	s20 =	sadd.s32 s3, s15;
	s25 =	sand.u32 $0x1FFFFFF0, s26;
	s26 =	spop (v2sf);
	(v2sf) =	vpush v1, $0x6  }
0x8f: {  	[tilespmem:s10], [sflag:$0x1] =	stream.linear.gather [hbm4b:s20+s30], $0x80, $0x38;
	[tilespmem:$0x10400] =	vst v63  }
0x90: {  	s15 =	sadd.s32 s4, s25;
	s25 =	sand.u32 $0x1FFFFFF0, s26;
	s26 =	spop (v2sf);
	(v2sf) =	vpush v63, $0x6  }
0x91: {  	[tilespmem:s8], [sflag:$0x2] =	stream.linear.gather [hbm4b:s15+s30], $0x80, $0x38;
	[tilespmem:$0x10400] =	vst v63  }
0x92: {  	s10 =	sand.u32 $0x1FFFFFF0, s26;
	s8 =	sadd.s32 s3, s25;
	s15 =	spop (v2sf);
	(v2sf) =	vpush v1, $0x7  }
0x93: {  	[tilespmem:s2], [sflag:$0x1] =	stream.linear.gather [hbm4b:s8+s30], $0x80, $0x38;
	[tilespmem:$0x10400] =	vst v63  }
0x94: {  	s20 =	sadd.s32 s4, s10;
	s25 =	sand.u32 $0x1FFFFFF0, s15;
	s26 =	spop (v2sf);
	(v2sf) =	vpush v63, $0x7  }
0x95: {  	[tilespmem:s22], [sflag:$0x2] =	stream.linear.gather [hbm4b:s20+s30], $0x80, $0x38;
	[tilespmem:$0x10400] =	vst v63  }
0x96: {  	s7 =	sadd.s32 s3, s25;
	s8 =	sand.u32 $0x1FFFFFF0, s26;
	s10 =	spop (v2sf)  }
0x97: {  	[tilespmem:s24], [sflag:$0x1] =	stream.linear.gather [hbm4b:s7+s30], $0x80, $0x38;
	[tilespmem:$0x10400] =	vst v63  }
0x98: {  	(v2sf) =	vpush v1, $0x8;
	s15 =	sadd.s32 s4, s8;
	s20 =	sand.u32 $0x1FFFFFF0, s10;
	s22 =	spop (v2sf)  }
0x99: {  	[tilespmem:s11], [sflag:$0x2] =	stream.linear.gather [hbm4b:s15+s30], $0x80, $0x38;
	[tilespmem:$0x10400] =	vst v63  }
0x9a: {  	s24 =	sadd.s32 s3, s20;
	(v2sf) =	vpush v63, $0x8;
	s25 =	sand.u32 $0x1FFFFFF0, s22;
	s26 =	spop (v2sf)  }
0x9b: {  	s22 =	rddreg [dreg:$0x1f];
	s7 =	sadd.s32 s4, s25;
	s10 =	spop (v2sf)  }
0x9c: {  	[tilespmem:s6], [sflag:$0x1] =	stream.linear.gather [hbm4b:s24+s30], $0x80, $0x38;
	[tilespmem:$0x10400] =	vst v63  }
0x9d: {  	(v2sf) =	vpush v1, $0x9;
	s8 =	sand.u32 $0x1FFFFFF0, s26;
	s15 =	sand.u32 $0x1FFFFFF0, s10;
	s20 =	spop (v2sf)  }
0x9e: {  	(v2sf) =	vpush v63, $0x9;
	[tilespmem:s9], [sflag:$0x2] =	stream.linear.gather [hbm4b:s7+s30], $0x80, $0x38;
	[tilespmem:$0x10400] =	vst v63  }
0x9f: {  	s11 =	sadd.s32 s3, s8;
	s24 =	sadd.s32 s4, s15;
	s26 =	spop (v2sf)  }
0xa0: {  	[tilespmem:s22], [sflag:$0x1] =	stream.linear.gather [hbm4b:s11+s30], $0x80, $0x38;
	[tilespmem:$0x10400] =	vst v63  }
0xa1: {  	s25 =	sand.u32 $0x1FFFFFF0, s20;
	s6 =	sand.u32 $0x1FFFFFF0, s26;
	s7 =	spop (v2sf)  }
0xa2: {  	(v2sf) =	vpush v1, $0xA;
	[tilespmem:s5], [sflag:$0x2] =	stream.linear.gather [hbm4b:s24+s30], $0x80, $0x38;
	[tilespmem:$0x10400] =	vst v63  }
0xa3: {  	s8 =	sadd.s32 s4, s6;
	s5 =	sadd.s32 s3, s25;
	s10 =	spop (v2sf)  }
0xa4: {  	(v2sf) =	vpush v63, $0xA;
	[tilespmem:s17], [sflag:$0x1] =	stream.linear.gather [hbm4b:s5+s30], $0x80, $0x38;
	[tilespmem:$0x10400] =	vst v63  }
0xa5: {  	s9 =	sand.u32 $0x1FFFFFF0, s7;
	s7 =	simm.s32 $0x0;
	s15 =	sand.u32 $0x1FFFFFF0, s10  }
0xa6: {  	(v2sf) =	vpush v1, $0xB;
	[tilespmem:s16], [sflag:$0x2] =	stream.linear.gather [hbm4b:s8+s30], $0x80, $0x38;
	[tilespmem:$0x10400] =	vst v63  }
0xa7: {  	s11 =	sadd.s32 s3, s9;
	s17 =	sadd.s32 s4, s15;
	s16 =	spop (v2sf)  }
0xa8: {  	(v2sf) =	vpush v63, $0xB;
	[tilespmem:s13], [sflag:$0x1] =	stream.linear.gather [hbm4b:s11+s30], $0x80, $0x38;
	[tilespmem:$0x10400] =	vst v63  }
0xa9: {  	s8 =	rddreg [dreg:$0x1c];
	s20 =	sand.u32 $0x1FFFFFF0, s16;
	s22 =	spop (v2sf)  }
0xaa: {  	s13 =	rddreg [dreg:$0x18];
	s24 =	sadd.s32 s3, s20;
	s25 =	sand.u32 $0x1FFFFFF0, s22  }
0xab: {  	(v2sf) =	vpush v1, $0xC;
	[tilespmem:s12], [sflag:$0x2] =	stream.linear.gather [hbm4b:s17+s30], $0x80, $0x38;
	[tilespmem:$0x10400] =	vst v63  }
0xac: {  	s20 =	rddreg [dreg:$0xb];
	s26 =	spop (v2sf);
	s9 =	sadd.s32 s4, s25  }
0xad: {  	(v2sf) =	vpush v63, $0xC;
	s10 =	sand.u32 $0x1FFFFFF0, s26;
	s11 =	spop (v2sf);
	s12 =	rddreg [dreg:$0x19]  }
0xae: {  	[tilespmem:s8], [sflag:$0x1] =	stream.linear.gather [hbm4b:s24+s30], $0x80, $0x38;
	[tilespmem:$0x10400] =	vst v63  }
0xaf: {  	s26 =	rddreg [dreg:$0x11];
	s15 =	sadd.s32 s3, s10;
	s16 =	sand.u32 $0x1FFFFFF0, s11  }
0xb0: {  	[tilespmem:s12], [sflag:$0x2] =	stream.linear.gather [hbm4b:s9+s30], $0x80, $0x38;
	[tilespmem:$0x10400] =	vst v63  }
0xb1: {  	s11 =	rddreg [dreg:$0xe];
	s17 =	spop (v2sf);
	s22 =	sadd.s32 s4, s16  }
0xb2: {  	[tilespmem:s20], [sflag:$0x1] =	stream.linear.gather [hbm4b:s15+s30], $0x80, $0x38;
	[tilespmem:$0x10400] =	vst v63  }
0xb3: {  	s24 =	sand.u32 $0x1FFFFFF0, s17;
	s25 =	spop (v2sf);
	s17 =	rddreg [dreg:$0x4]  }
0xb4: {  	[tilespmem:s26], [sflag:$0x2] =	stream.linear.gather [hbm4b:s22+s30], $0x80, $0x38;
	[tilespmem:$0x10400] =	vst v63  }
0xb5: {  	s8 =	sadd.s32 s3, s24;
	s9 =	sand.u32 $0x1FFFFFF0, s25;
	s10 =	spop (v2sf)  }
0xb6: {  	[tilespmem:s11], [sflag:$0x1] =	stream.linear.gather [hbm4b:s8+s30], $0x80, $0x38;
	[tilespmem:$0x10400] =	vst v63  }
0xb7: {  	s12 =	sadd.s32 s4, s9;
	s15 =	sand.u32 $0x1FFFFFF0, s10;
	s16 =	spop (v2sf)  }
0xb8: {  	(v2sf) =	vpush v1, $0xD;
	[tilespmem:s17], [sflag:$0x2] =	stream.linear.gather [hbm4b:s12+s30], $0x80, $0x38;
	[tilespmem:$0x10400] =	vst v63  }
.Ltmp2:
0xb9: {  	(v2sf) =	vpush v63, $0xD;
	s20 =	sadd.s32 s3, s15;
	s22 =	sand.u32 $0x1FFFFFF0, s16;
	(pc) =	sbr.rel @p0 .LBB2_2-.Ltmp2, $4  }
0xba: {  	(v2sf) =	vpush v1, $0xE;
	s26 =	rddreg [dreg:$0x7];
	s25 =	sadd.s32 s4, s22;
	s24 =	spop (v2sf)  }
0xbb: {  	(v2sf) =	vpush v63, $0xE;
	[tilespmem:s14], [sflag:$0x1] =	stream.linear.gather [hbm4b:s20+s30], $0x80, $0x38;
	[tilespmem:$0x10400] =	vst v63  }
0xbc: {  	(v2sf) =	vpush v1, $0xF;
	s2 =	sand.u32 $0x1FFFFFF0, s24;
	s5 =	spop (v2sf);
	s14 =	rddreg [dreg:$0xa]  }
0xbd: {  	(v2sf) =	vpush v63, $0xF;
	[tilespmem:s26], [sflag:$0x2] =	stream.linear.gather [hbm4b:s25+s30], $0x80, $0x38;
	[tilespmem:$0x10400] =	vst v63  }
0xbe: {  	_ =	sdelay $0x4  }
0xbf: {  	s2 =	sadd.s32 s3, s2;
	s5 =	sand.u32 $0x1FFFFFF0, s5  }
0xc0: {  	[tilespmem:s31], [sflag:$0x1] =	stream.linear.gather [hbm4b:s2+s7], $0x80, $0x38;
	[tilespmem:$0x10400] =	vst v63  }
0xc1: {  	s10 =	sadd.s32 s4, s5  }
0xc2: {  	[tilespmem:s13], [sflag:$0x2] =	stream.linear.gather [hbm4b:s10+s7], $0x80, $0x38;
	[tilespmem:$0x10400] =	vst v63  }
0xc3: {  	s6 =	spop (v2sf)  }
0xc4: {  	s11 =	sand.u32 $0x1FFFFFF0, s6;
	s12 =	spop (v2sf)  }
0xc5: {  	s13 =	sadd.s32 s3, s11;
	s15 =	sand.u32 $0x1FFFFFF0, s12;
	s16 =	spop (v2sf)  }
0xc6: {  	[tilespmem:s18], [sflag:$0x1] =	stream.linear.gather [hbm4b:s13+s7], $0x80, $0x38;
	[tilespmem:$0x10400] =	vst v63  }
0xc7: {  	s17 =	sadd.s32 s4, s15;
	s18 =	sand.u32 $0x1FFFFFF0, s16;
	s20 =	spop (v2sf)  }
0xc8: {  	[tilespmem:s14], [sflag:$0x2] =	stream.linear.gather [hbm4b:s17+s7], $0x80, $0x38;
	[tilespmem:$0x10400] =	vst v63  }
0xc9: {  	s22 =	sadd.s32 s3, s18;
	s23 =	sand.u32 $0x1FFFFFF0, s20  }
0xca: {  	[tilespmem:s0], [sflag:$0x1] =	stream.linear.gather [hbm4b:s22+s7], $0x80, $0x38;
	[tilespmem:$0x10400] =	vst v63  }
0xcb: {  	s24 =	spop (v2sf);
	s25 =	sadd.s32 s4, s23  }
0xcc: {  	[tilespmem:s19], [sflag:$0x2] =	stream.linear.gather [hbm4b:s25+s7], $0x80, $0x38;
	[tilespmem:$0x10400] =	vst v63  }
.Ltmp3:
0xcd: {  	s26 =	sand.u32 $0x1FFFFFF0, s24;
	s28 =	spop (v2sf);
	(pc) =	sbr.rel .LBB2_4-.Ltmp3, $4  }
0xce: {  	s29 =	sadd.s32 $0xB80, s21;
	s2 =	sadd.s32 s3, s26;
	s5 =	sand.u32 $0x1FFFFFF0, s28  }
0xcf: {  	[tilespmem:s29], [sflag:$0x1] =	stream.linear.gather [hbm4b:s2+s7], $0x80, $0x38;
	[tilespmem:$0x10400] =	vst v63  }
0xd0: {  	s30 =	sadd.s32 $0x4B80, s21;
	p1 =	por $0x1, $0x1;
	s31 =	sadd.s32 s4, s5  }
0xd1: {  	[tilespmem:s30], [sflag:$0x2] =	stream.linear.gather [hbm4b:s31+s7], $0x80, $0x38;
	[tilespmem:$0x10400] =	vst v63  }
.LBB2_10:
0xd2: {  	s0 =	simm.s32 $0x3  }
0xd3: {  	_ =	swait.ge [sflag:s0], $0x4000  }
0xd4: {  	[sflag:s0] =	ssyncset.done $0x0  }
0xd5: {  	s5 =	simm.s32 $0x4;
	[sflag:s0] =	ssyncadd.s32 $0xFFFFC000  }
0xd6: {  	_ =	swait.ge [sflag:s5], $0x4000  }
0xd7: {  	s25 =	sld [smem:$0x7F6]  }
0xd8: {  	s2 =	sld [smem:$0x7FC]  }
0xd9: {  	s26 =	sld [smem:$0x7F8]  }
0xda: {  	s0 =	sshll.u32 s25, $0xB  }
0xdb: {  	s28 =	simm.s32 $0x8400;
	[sflag:s5] =	ssyncset.done $0x0;
	s0 =	sor.u32 s2, s0  }
0xdc: {  	s29 =	simm.s32 $0x5;
	[sflag:s5] =	ssyncadd.s32 $0xFFFFC000;
	s2 =	sadd.s32 s26, s0  }
0xdd: {  	[hbm4b:s2+s1] =	stream.linear.scatter [tilespmem:s28], [sflag:$0x5], $0x4000, $0x38;
	[tilespmem:$0x10400] =	vst v63  }
0xde: {  	_ =	swait.ge [sflag:s29], $0x4000  }
0xdf: {  	s30 =	sld [smem:$0x7F9];
	_ =	sdelay $0x1  }
0xe0: {  	s31 =	simm.s32 $0xC400;
	[sflag:s29] =	ssyncset.done $0x0  }
.Ltmp4:
0xe1: {  	[sflag:s29] =	ssyncadd.s32 $0xFFFFC000;
	s0 =	sadd.s32 s30, s0;
	(pc) =	sbr.rel @!p0 .LBB2_11-.Ltmp4, $4  }
0xe2: {  	[hbm4b:s0+s1] =	stream.linear.scatter [tilespmem:s31], [sflag:$0x5], $0x4000, $0x38;
	[tilespmem:$0x10400] =	vst v63  }
0xe3: {  	_ =	swait.ge [sflag:s29], $0x4000  }
0xe4: {  	[sflag:s29] =	ssyncset.done $0x0  }
0xe5: {  	s7 =	simm.s32 $0x1;
	p1 =	por $0x0, $0x0;
	[sflag:s29] =	ssyncadd.s32 $0xFFFFC000  }
.LBB2_4:
0xe6: {  	s0 =	sshll.u32 s7, $0x8  }
0xe7: {  	s2 =	sand.u32 $0x3FFFFF00, s0  }
0xe8: {  	s0 =	sor.u32 $0x80, s2  }
0xe9: {  	s6 =	sadd.s32 $0x280, s2;
	v0 =	vld [tilespmem:s0+$0x0]  }
0xea: {  	v2 =	vld [tilespmem:s6+$0x0];
	_ =	sdelay $0x3  }
0xeb: {  	v1 =	vshll.u32 v0, $0x4  }
0xec: {  	v63 =	vshll.u32 v2, $0x4;
	(v2sf) =	vpush v1, $0x0  }
0xed: {  	(v2sf) =	vpush v63, $0x0  }
0xee: {  	(v2sf) =	vpush v1, $0x1;
	_ =	sdelay $0x1  }
0xef: {  	(v2sf) =	vpush v63, $0x1  }
0xf0: {  	(v2sf) =	vpush v1, $0x2;
	_ =	sdelay $0x1  }
0xf1: {  	(v2sf) =	vpush v63, $0x2;
	_ =	sdelay $0x1  }
0xf2: {  	[smem:$0x7F5] =	sst s7;
	s26 =	sshllo.u32 s7, $0x1;
	(v2sf) =	vpush v1, $0x3  }
0xf3: {  	s24 =	simm.s32 $0x2000;
	s23 =	simm.s32 $0x0;
	s8 =	simm.s32 $0xC400  }
0xf4: {  	s7 =	simm.s32 $0x8680;
	s5 =	simm.s32 $0x8880;
	s30 =	simm.s32 $0x8400;
	(v2sf) =	vpush v63, $0x3  }
0xf5: {  	s10 =	simm.s32 $0x8600;
	s13 =	simm.s32 $0x8480;
	s15 =	simm.s32 $0xC480  }
0xf6: {  	s18 =	simm.s32 $0x8500;
	s21 =	simm.s32 $0xC500;
	s25 =	simm.s32 $0x8580  }
0xf7: {  	p0 =	por p1, p1;
	s31 =	simm.s32 $0xCB00;
	[smem:$0x7F6] =	sst s26  }
0xf8: {  	s2 =	simm.s32 $0xC900;
	s28 =	sadd.s32 $0x10, s6;
	s9 =	spop (v2sf)  }
0xf9: {  	s29 =	sadd.s32 $0x10, s0;
	s9 =	sand.u32 $0x1FFFFFF0, s9;
	s11 =	spop (v2sf)  }
0xfa: {  	(v2sf) =	vpush v1, $0x4;
	s9 =	sadd.s32 s3, s9;
	s11 =	sand.u32 $0x1FFFFFF0, s11;
	s12 =	spop (v2sf)  }
0xfb: {  	[tilespmem:s30], [sflag:$0x3] =	stream.linear.gather [hbm4b:s9+s1], $0x80, $0x38;
	[tilespmem:$0x10400] =	vst v63  }
0xfc: {  	s0 =	simm.s32 $0x8B00;
	(v2sf) =	vpush v63, $0x4;
	s11 =	sadd.s32 s4, s11;
	s14 =	spop (v2sf)  }
0xfd: {  	s12 =	sand.u32 $0x1FFFFFF0, s12;
	(v2sf) =	vpush v1, $0x5;
	s9 =	sand.u32 $0x1FFFFFF0, s14;
	s16 =	spop (v2sf)  }
0xfe: {  	[tilespmem:s8], [sflag:$0x4] =	stream.linear.gather [hbm4b:s11+s1], $0x80, $0x38;
	[tilespmem:$0x10400] =	vst v63  }
0xff: {  	(v2sf) =	vpush v63, $0x5;
	s11 =	sadd.s32 s3, s12;
	s9 =	sadd.s32 s4, s9;
	s17 =	spop (v2sf)  }
0x100: {  	[tilespmem:s13], [sflag:$0x3] =	stream.linear.gather [hbm4b:s11+s1], $0x80, $0x38;
	[tilespmem:$0x10400] =	vst v63  }
0x101: {  	s12 =	simm.s32 $0xCA00;
	s22 =	spop (v2sf);
	s11 =	sand.u32 $0x1FFFFFF0, s16  }
0x102: {  	(v2sf) =	vpush v1, $0x6;
	[tilespmem:s15], [sflag:$0x4] =	stream.linear.gather [hbm4b:s9+s1], $0x80, $0x38;
	[tilespmem:$0x10400] =	vst v63  }
0x103: {  	s20 =	sand.u32 $0x1FFFFFF0, s17;
	s26 =	spop (v2sf);
	s19 =	sadd.s32 s3, s11  }
0x104: {  	(v2sf) =	vpush v63, $0x6;
	[tilespmem:s18], [sflag:$0x3] =	stream.linear.gather [hbm4b:s19+s1], $0x80, $0x38;
	[tilespmem:$0x10400] =	vst v63  }
0x105: {  	s16 =	simm.s32 $0xC600;
	s11 =	sadd.s32 s4, s20;
	s9 =	sand.u32 $0x1FFFFFF0, s22  }
0x106: {  	(v2sf) =	vpush v1, $0x7;
	[tilespmem:s21], [sflag:$0x4] =	stream.linear.gather [hbm4b:s11+s1], $0x80, $0x38;
	[tilespmem:$0x10400] =	vst v63  }
0x107: {  	s9 =	sadd.s32 s3, s9;
	s11 =	sand.u32 $0x1FFFFFF0, s26;
	s21 =	simm.s32 $0xC680  }
0x108: {  	[tilespmem:s25], [sflag:$0x3] =	stream.linear.gather [hbm4b:s9+s1], $0x80, $0x38;
	[tilespmem:$0x10400] =	vst v63  }
0x109: {  	s11 =	sadd.s32 s4, s11;
	s30 =	spop (v2sf);
	s9 =	simm.s32 $0xC580  }
0x10a: {  	(v2sf) =	vpush v63, $0x7;
	[tilespmem:s9], [sflag:$0x4] =	stream.linear.gather [hbm4b:s11+s1], $0x80, $0x38;
	[tilespmem:$0x10400] =	vst v63  }
0x10b: {  	s25 =	simm.s32 $0x8700;
	s13 =	sand.u32 $0x1FFFFFF0, s30;
	s14 =	spop (v2sf)  }
0x10c: {  	(v2sf) =	vpush v1, $0x8;
	s15 =	sadd.s32 s3, s13;
	s13 =	simm.s32 $0x8A80;
	s17 =	spop (v2sf)  }
0x10d: {  	(v2sf) =	vpush v63, $0x8;
	[tilespmem:s10], [sflag:$0x3] =	stream.linear.gather [hbm4b:s15+s1], $0x80, $0x38;
	[tilespmem:$0x10400] =	vst v63  }
0x10e: {  	s8 =	sand.u32 $0x1FFFFFF0, s14;
	s14 =	simm.s32 $0x8780;
	s18 =	spop (v2sf)  }
0x10f: {  	s8 =	sadd.s32 s4, s8;
	s10 =	sand.u32 $0x1FFFFFF0, s17;
	(v2sf) =	vpush v1, $0x9;
	s20 =	sand.u32 $0x1FFFFFF0, s18  }
0x110: {  	[tilespmem:s16], [sflag:$0x4] =	stream.linear.gather [hbm4b:s8+s1], $0x80, $0x38;
	[tilespmem:$0x10400] =	vst v63  }
0x111: {  	s19 =	sadd.s32 s3, s10;
	s22 =	spop (v2sf);
	(v2sf) =	vpush v63, $0x9;
	s9 =	sadd.s32 s4, s20  }
0x112: {  	(v2sf) =	vpush v1, $0xA;
	[tilespmem:s7], [sflag:$0x3] =	stream.linear.gather [hbm4b:s19+s1], $0x80, $0x38;
	[tilespmem:$0x10400] =	vst v63  }
0x113: {  	s8 =	sand.u32 $0x1FFFFFF0, s22;
	s26 =	spop (v2sf);
	s16 =	simm.s32 $0xC780  }
0x114: {  	[tilespmem:s21], [sflag:$0x4] =	stream.linear.gather [hbm4b:s9+s1], $0x80, $0x38;
	[tilespmem:$0x10400] =	vst v63  }
0x115: {  	s8 =	sadd.s32 s3, s8;
	s30 =	spop (v2sf);
	s9 =	sand.u32 $0x1FFFFFF0, s26  }
0x116: {  	(v2sf) =	vpush v63, $0xA;
	[tilespmem:s25], [sflag:$0x3] =	stream.linear.gather [hbm4b:s8+s1], $0x80, $0x38;
	[tilespmem:$0x10400] =	vst v63  }
0x117: {  	s11 =	sand.u32 $0x1FFFFFF0, s30;
	s9 =	sadd.s32 s4, s9;
	s8 =	simm.s32 $0xC700  }
0x118: {  	[tilespmem:s8], [sflag:$0x4] =	stream.linear.gather [hbm4b:s9+s1], $0x80, $0x38;
	[tilespmem:$0x10400] =	vst v63  }
0x119: {  	s22 =	simm.s32 $0xC800;
	s9 =	sadd.s32 s3, s11;
	s15 =	spop (v2sf)  }
0x11a: {  	(v2sf) =	vpush v1, $0xB;
	[tilespmem:s14], [sflag:$0x3] =	stream.linear.gather [hbm4b:s9+s1], $0x80, $0x38;
	[tilespmem:$0x10400] =	vst v63  }
0x11b: {  	s19 =	simm.s32 $0x8800;
	s8 =	sand.u32 $0x1FFFFFF0, s15;
	s17 =	spop (v2sf)  }
0x11c: {  	(v2sf) =	vpush v63, $0xB;
	s8 =	sadd.s32 s4, s8;
	s9 =	sand.u32 $0x1FFFFFF0, s17;
	s18 =	spop (v2sf)  }
0x11d: {  	(v2sf) =	vpush v1, $0xC;
	[tilespmem:s16], [sflag:$0x4] =	stream.linear.gather [hbm4b:s8+s1], $0x80, $0x38;
	[tilespmem:$0x10400] =	vst v63  }
0x11e: {  	s7 =	simm.s32 $0xC980;
	s20 =	sadd.s32 s3, s9;
	s25 =	spop (v2sf)  }
0x11f: {  	(v2sf) =	vpush v63, $0xC;
	[tilespmem:s19], [sflag:$0x3] =	stream.linear.gather [hbm4b:s20+s1], $0x80, $0x38;
	[tilespmem:$0x10400] =	vst v63  }
0x120: {  	s15 =	simm.s32 $0x8900;
	s21 =	sand.u32 $0x1FFFFFF0, s18;
	s26 =	spop (v2sf)  }
0x121: {  	s9 =	sadd.s32 s4, s21;
	s8 =	sand.u32 $0x1FFFFFF0, s25;
	s30 =	spop (v2sf)  }
0x122: {  	[tilespmem:s22], [sflag:$0x4] =	stream.linear.gather [hbm4b:s9+s1], $0x80, $0x38;
	[tilespmem:$0x10400] =	vst v63  }
0x123: {  	s8 =	sadd.s32 s3, s8;
	s9 =	sand.u32 $0x1FFFFFF0, s26;
	s14 =	sand.u32 $0x1FFFFFF0, s30  }
0x124: {  	[tilespmem:s5], [sflag:$0x3] =	stream.linear.gather [hbm4b:s8+s1], $0x80, $0x38;
	[tilespmem:$0x10400] =	vst v63  }
0x125: {  	s16 =	spop (v2sf);
	s11 =	sadd.s32 s4, s9;
	s8 =	simm.s32 $0xC880  }
0x126: {  	[tilespmem:s8], [sflag:$0x4] =	stream.linear.gather [hbm4b:s11+s1], $0x80, $0x38;
	[tilespmem:$0x10400] =	vst v63  }
0x127: {  	s18 =	simm.s32 $0xCA80;
	s9 =	sadd.s32 s3, s14;
	s17 =	sand.u32 $0x1FFFFFF0, s16  }
0x128: {  	[tilespmem:s15], [sflag:$0x3] =	stream.linear.gather [hbm4b:s9+s1], $0x80, $0x38;
	[tilespmem:$0x10400] =	vst v63  }
0x129: {  	s21 =	simm.s32 $0x8980;
	s5 =	sadd.s32 s4, s17;
	s19 =	spop (v2sf)  }
0x12a: {  	[tilespmem:s2], [sflag:$0x4] =	stream.linear.gather [hbm4b:s5+s1], $0x80, $0x38;
	(v2sf) =	vpush v1, $0xD;
	[tilespmem:$0x10400] =	vst v63  }
0x12b: {  	s2 =	simm.s32 $0x8A00;
	s8 =	sand.u32 $0x1FFFFFF0, s19;
	s20 =	spop (v2sf);
	(v2sf) =	vpush v63, $0xD  }
0x12c: {  	s22 =	sadd.s32 s3, s8;
	s25 =	sand.u32 $0x1FFFFFF0, s20;
	(v2sf) =	vpush v1, $0xE;
	s30 =	spop (v2sf)  }
0x12d: {  	[tilespmem:s21], [sflag:$0x3] =	stream.linear.gather [hbm4b:s22+s1], $0x80, $0x38;
	(v2sf) =	vpush v63, $0xE;
	[tilespmem:$0x10400] =	vst v63  }
0x12e: {  	s26 =	sadd.s32 s4, s25;
	s5 =	sand.u32 $0x1FFFFFF0, s30;
	(v2sf) =	vpush v1, $0xF;
	s6 =	spop (v2sf)  }
0x12f: {  	[tilespmem:s7], [sflag:$0x4] =	stream.linear.gather [hbm4b:s26+s1], $0x80, $0x38;
	(v2sf) =	vpush v63, $0xF;
	[tilespmem:$0x10400] =	vst v63  }
.LBB2_5:
0x130: {  	_ =	sdelay $0x4  }
0x131: {  	s5 =	sadd.s32 s3, s5;
	s6 =	sand.u32 $0x1FFFFFF0, s6  }
0x132: {  	[tilespmem:s2], [sflag:$0x3] =	stream.linear.gather [hbm4b:s5+s1], $0x80, $0x38;
	[tilespmem:$0x10400] =	vst v63  }
0x133: {  	s6 =	sadd.s32 s4, s6  }
0x134: {  	[tilespmem:s12], [sflag:$0x4] =	stream.linear.gather [hbm4b:s6+s1], $0x80, $0x38;
	[tilespmem:$0x10400] =	vst v63  }
0x135: {  	s7 =	spop (v2sf)  }
0x136: {  	s7 =	sand.u32 $0x1FFFFFF0, s7;
	s8 =	spop (v2sf)  }
0x137: {  	s9 =	sadd.s32 s3, s7;
	s10 =	sand.u32 $0x1FFFFFF0, s8;
	s11 =	spop (v2sf)  }
0x138: {  	[tilespmem:s13], [sflag:$0x3] =	stream.linear.gather [hbm4b:s9+s1], $0x80, $0x38;
	[tilespmem:$0x10400] =	vst v63  }
0x139: {  	s12 =	sadd.s32 s4, s10;
	s13 =	sand.u32 $0x1FFFFFF0, s11;
	s14 =	spop (v2sf)  }
0x13a: {  	[tilespmem:s18], [sflag:$0x4] =	stream.linear.gather [hbm4b:s12+s1], $0x80, $0x38;
	[tilespmem:$0x10400] =	vst v63  }
0x13b: {  	s15 =	sadd.s32 s3, s13;
	s16 =	sand.u32 $0x1FFFFFF0, s14;
	s17 =	spop (v2sf)  }
0x13c: {  	[tilespmem:s0], [sflag:$0x3] =	stream.linear.gather [hbm4b:s15+s1], $0x80, $0x38;
	[tilespmem:$0x10400] =	vst v63  }
0x13d: {  	s18 =	sadd.s32 s4, s16;
	s19 =	sand.u32 $0x1FFFFFF0, s17;
	s20 =	spop (v2sf)  }
0x13e: {  	[tilespmem:s31], [sflag:$0x4] =	stream.linear.gather [hbm4b:s18+s1], $0x80, $0x38;
	[tilespmem:$0x10400] =	vst v63  }
0x13f: {  	s21 =	sadd.s32 $0x8B80, s23;
	s2 =	sadd.s32 s3, s19;
	s5 =	sand.u32 $0x1FFFFFF0, s20  }
0x140: {  	[tilespmem:s21], [sflag:$0x3] =	stream.linear.gather [hbm4b:s2+s1], $0x80, $0x38;
	[tilespmem:$0x10400] =	vst v63  }
0x141: {  	s22 =	sadd.s32 $0xCB80, s23;
	s23 =	sadd.s32 s4, s5  }
0x142: {  	[tilespmem:s22], [sflag:$0x4] =	stream.linear.gather [hbm4b:s23+s1], $0x80, $0x38;
	[tilespmem:$0x10400] =	vst v63  }
0x143: {  	v0 =	vld [tilespmem:s29+$0x0]  }
0x144: {  	v2 =	vld [tilespmem:s28+$0x0];
	_ =	sdelay $0x3  }
0x145: {  	v1 =	vshll.u32 v0, $0x4  }
0x146: {  	v63 =	vshll.u32 v2, $0x4;
	(v2sf) =	vpush v1, $0x0  }
0x147: {  	s25 =	smov.u32 s24;
	(v2sf) =	vpush v63, $0x0  }
0x148: {  	p1 =	sne.s32 s24, $0xE000;
	s24 =	sadd.s32 $0x2000, s24;
	s23 =	sshra.s32 s25, $0x2;
	(v2sf) =	vpush v1, $0x1  }
0x149: {  	s8 =	sadd.s32 $0xC400, s23;
	s19 =	sadd.s32 $0x8680, s23;
	s0 =	sadd.s32 $0x8880, s23  }
0x14a: {  	s20 =	sadd.s32 $0x8400, s23;
	s9 =	sadd.s32 $0x8600, s23;
	s26 =	sadd.s32 $0xC900, s23;
	(v2sf) =	vpush v63, $0x1  }
0x14b: {  	s22 =	sadd.s32 $0x8580, s23;
	s11 =	sadd.s32 $0xC580, s23;
	s12 =	sadd.s32 $0xCA00, s23  }
0x14c: {  	s7 =	sadd.s32 $0x8500, s23;
	s21 =	sadd.s32 $0xC600, s23;
	s30 =	sadd.s32 $0x8A80, s23;
	(v2sf) =	vpush v1, $0x2  }
0x14d: {  	s10 =	sadd.s32 $0xC480, s23;
	s25 =	sadd.s32 $0xC500, s23;
	[dreg:$0xc] =	wrdreg s0  }
0x14e: {  	s6 =	sadd.s32 $0xC680, s23;
	s5 =	sadd.s32 $0x8700, s23;
	[dreg:$0x5] =	wrdreg s26;
	(v2sf) =	vpush v63, $0x2  }
0x14f: {  	s2 =	sadd.s32 $0xC980, s23;
	s18 =	sadd.s32 $0xCA80, s23;
	[dreg:$0x17] =	wrdreg s30  }
0x150: {  	s17 =	sadd.s32 $0xC700, s23;
	s13 =	sadd.s32 $0xC880, s23;
	[dreg:$0x8] =	wrdreg s2;
	(v2sf) =	vpush v1, $0x3  }
0x151: {  	s14 =	sadd.s32 $0x8900, s23;
	s16 =	sadd.s32 $0x8780, s23;
	[dreg:$0x12] =	wrdreg s13  }
0x152: {  	s15 =	sadd.s32 $0xC800, s23;
	s28 =	sadd.s32 $0x10, s28;
	[dreg:$0xf] =	wrdreg s14;
	(v2sf) =	vpush v63, $0x3  }
0x153: {  	s29 =	sadd.s32 $0x10, s29;
	s31 =	sadd.s32 $0xCB00, s23;
	[dreg:$0x1a] =	wrdreg s15  }
0x154: {  	s2 =	sadd.s32 $0x8A00, s23;
	s14 =	sadd.s32 $0x8480, s23;
	s26 =	sadd.s32 $0x8800, s23;
	(v2sf) =	vpush v1, $0x4  }
0x155: {  	[dreg:$0x1d] =	wrdreg s26;
	s26 =	sadd.s32 $0x8980, s23;
	s15 =	spop (v2sf)  }
0x156: {  	[dreg:$0x14] =	wrdreg s26;
	s15 =	sand.u32 $0x1FFFFFF0, s15;
	s30 =	spop (v2sf);
	(v2sf) =	vpush v63, $0x4  }
0x157: {  	s15 =	sadd.s32 s3, s15;
	s26 =	sand.u32 $0x1FFFFFF0, s30;
	s30 =	spop (v2sf)  }
0x158: {  	(v2sf) =	vpush v1, $0x5;
	[tilespmem:s20], [sflag:$0x3] =	stream.linear.gather [hbm4b:s15+s1], $0x80, $0x38;
	[tilespmem:$0x10400] =	vst v63  }
0x159: {  	s20 =	sadd.s32 s4, s26;
	s26 =	sand.u32 $0x1FFFFFF0, s30;
	s30 =	spop (v2sf);
	(v2sf) =	vpush v63, $0x5  }
0x15a: {  	[tilespmem:s8], [sflag:$0x4] =	stream.linear.gather [hbm4b:s20+s1], $0x80, $0x38;
	[tilespmem:$0x10400] =	vst v63  }
0x15b: {  	s20 =	sadd.s32 s3, s26;
	s26 =	sand.u32 $0x1FFFFFF0, s30;
	s30 =	spop (v2sf);
	(v2sf) =	vpush v1, $0x6  }
0x15c: {  	[tilespmem:s14], [sflag:$0x3] =	stream.linear.gather [hbm4b:s20+s1], $0x80, $0x38;
	[tilespmem:$0x10400] =	vst v63  }
0x15d: {  	s15 =	sadd.s32 s4, s26;
	s26 =	sand.u32 $0x1FFFFFF0, s30;
	s30 =	spop (v2sf);
	(v2sf) =	vpush v63, $0x6  }
0x15e: {  	[tilespmem:s10], [sflag:$0x4] =	stream.linear.gather [hbm4b:s15+s1], $0x80, $0x38;
	[tilespmem:$0x10400] =	vst v63  }
0x15f: {  	s14 =	sand.u32 $0x1FFFFFF0, s30;
	s10 =	sadd.s32 s3, s26;
	s15 =	spop (v2sf)  }
0x160: {  	(v2sf) =	vpush v1, $0x7;
	[tilespmem:s7], [sflag:$0x3] =	stream.linear.gather [hbm4b:s10+s1], $0x80, $0x38;
	[tilespmem:$0x10400] =	vst v63  }
0x161: {  	s20 =	sadd.s32 s4, s14;
	s26 =	sand.u32 $0x1FFFFFF0, s15;
	s30 =	spop (v2sf)  }
0x162: {  	(v2sf) =	vpush v63, $0x7;
	[tilespmem:s25], [sflag:$0x4] =	stream.linear.gather [hbm4b:s20+s1], $0x80, $0x38;
	[tilespmem:$0x10400] =	vst v63  }
0x163: {  	s8 =	sadd.s32 s3, s26;
	s10 =	sand.u32 $0x1FFFFFF0, s30;
	s14 =	spop (v2sf)  }
0x164: {  	(v2sf) =	vpush v1, $0x8;
	[tilespmem:s22], [sflag:$0x3] =	stream.linear.gather [hbm4b:s8+s1], $0x80, $0x38;
	[tilespmem:$0x10400] =	vst v63  }
0x165: {  	s13 =	sadd.s32 $0xC780, s23;
	s15 =	sadd.s32 s4, s10;
	s22 =	spop (v2sf)  }
0x166: {  	[tilespmem:s11], [sflag:$0x4] =	stream.linear.gather [hbm4b:s15+s1], $0x80, $0x38;
	[tilespmem:$0x10400] =	vst v63  }
0x167: {  	s0 =	sadd.s32 $0x8B00, s23;
	s20 =	sand.u32 $0x1FFFFFF0, s14;
	s30 =	spop (v2sf)  }
0x168: {  	s25 =	sadd.s32 s3, s20;
	(v2sf) =	vpush v63, $0x8;
	s26 =	sand.u32 $0x1FFFFFF0, s22;
	s15 =	spop (v2sf)  }
0x169: {  	(v2sf) =	vpush v1, $0x9;
	[tilespmem:s9], [sflag:$0x3] =	stream.linear.gather [hbm4b:s25+s1], $0x80, $0x38;
	[tilespmem:$0x10400] =	vst v63  }
0x16a: {  	s11 =	sadd.s32 s4, s26;
	s14 =	sand.u32 $0x1FFFFFF0, s30;
	s22 =	spop (v2sf)  }
0x16b: {  	(v2sf) =	vpush v63, $0x9;
	[tilespmem:s21], [sflag:$0x4] =	stream.linear.gather [hbm4b:s11+s1], $0x80, $0x38;
	[tilespmem:$0x10400] =	vst v63  }
0x16c: {  	s20 =	sadd.s32 s3, s14;
	s21 =	sand.u32 $0x1FFFFFF0, s15;
	s30 =	spop (v2sf)  }
0x16d: {  	s26 =	sand.u32 $0x1FFFFFF0, s22;
	s25 =	sadd.s32 s4, s21;
	s10 =	sand.u32 $0x1FFFFFF0, s30  }
0x16e: {  	[tilespmem:s19], [sflag:$0x3] =	stream.linear.gather [hbm4b:s20+s1], $0x80, $0x38;
	[tilespmem:$0x10400] =	vst v63  }
0x16f: {  	(v2sf) =	vpush v1, $0xA;
	s8 =	sadd.s32 s3, s26;
	s14 =	sadd.s32 s4, s10;
	s11 =	spop (v2sf)  }
0x170: {  	[tilespmem:s6], [sflag:$0x4] =	stream.linear.gather [hbm4b:s25+s1], $0x80, $0x38;
	[tilespmem:$0x10400] =	vst v63  }
0x171: {  	(v2sf) =	vpush v63, $0xA;
	s10 =	rddreg [dreg:$0x1d];
	s15 =	sand.u32 $0x1FFFFFF0, s11;
	s19 =	spop (v2sf)  }
0x172: {  	[tilespmem:s5], [sflag:$0x3] =	stream.linear.gather [hbm4b:s8+s1], $0x80, $0x38;
	[tilespmem:$0x10400] =	vst v63  }
0x173: {  	(v2sf) =	vpush v1, $0xB;
	s20 =	sadd.s32 s3, s15;
	s21 =	sand.u32 $0x1FFFFFF0, s19;
	s22 =	spop (v2sf)  }
0x174: {  	[tilespmem:s17], [sflag:$0x4] =	stream.linear.gather [hbm4b:s14+s1], $0x80, $0x38;
	[tilespmem:$0x10400] =	vst v63  }
0x175: {  	s25 =	sadd.s32 s4, s21;
	s26 =	sand.u32 $0x1FFFFFF0, s22;
	s21 =	rddreg [dreg:$0xc]  }
0x176: {  	[tilespmem:s16], [sflag:$0x3] =	stream.linear.gather [hbm4b:s20+s1], $0x80, $0x38;
	[tilespmem:$0x10400] =	vst v63  }
0x177: {  	(v2sf) =	vpush v63, $0xB;
	s6 =	sadd.s32 s3, s26;
	s30 =	spop (v2sf);
	s16 =	rddreg [dreg:$0x1a]  }
0x178: {  	(v2sf) =	vpush v1, $0xC;
	s7 =	sand.u32 $0x1FFFFFF0, s30;
	s9 =	spop (v2sf);
	s30 =	rddreg [dreg:$0x12]  }
0x179: {  	[tilespmem:s13], [sflag:$0x4] =	stream.linear.gather [hbm4b:s25+s1], $0x80, $0x38;
	[tilespmem:$0x10400] =	vst v63  }
0x17a: {  	(v2sf) =	vpush v63, $0xC;
	s13 =	rddreg [dreg:$0x17];
	s14 =	sand.u32 $0x1FFFFFF0, s9;
	s15 =	spop (v2sf)  }
0x17b: {  	[tilespmem:s10], [sflag:$0x3] =	stream.linear.gather [hbm4b:s6+s1], $0x80, $0x38;
	[tilespmem:$0x10400] =	vst v63  }
0x17c: {  	s11 =	sadd.s32 s4, s7;
	s17 =	sadd.s32 s3, s14;
	s19 =	sand.u32 $0x1FFFFFF0, s15  }
0x17d: {  	[tilespmem:s16], [sflag:$0x4] =	stream.linear.gather [hbm4b:s11+s1], $0x80, $0x38;
	[tilespmem:$0x10400] =	vst v63  }
0x17e: {  	s14 =	rddreg [dreg:$0xf];
	s20 =	spop (v2sf);
	s22 =	sadd.s32 s4, s19  }
0x17f: {  	[tilespmem:s21], [sflag:$0x3] =	stream.linear.gather [hbm4b:s17+s1], $0x80, $0x38;
	[tilespmem:$0x10400] =	vst v63  }
0x180: {  	s19 =	rddreg [dreg:$0x5];
	s25 =	sand.u32 $0x1FFFFFF0, s20;
	s26 =	spop (v2sf)  }
0x181: {  	[tilespmem:s30], [sflag:$0x4] =	stream.linear.gather [hbm4b:s22+s1], $0x80, $0x38;
	[tilespmem:$0x10400] =	vst v63  }
0x182: {  	s9 =	sadd.s32 s3, s25;
	s10 =	sand.u32 $0x1FFFFFF0, s26;
	s11 =	spop (v2sf)  }
0x183: {  	[tilespmem:s14], [sflag:$0x3] =	stream.linear.gather [hbm4b:s9+s1], $0x80, $0x38;
	[tilespmem:$0x10400] =	vst v63  }
0x184: {  	s25 =	rddreg [dreg:$0x14];
	s15 =	sadd.s32 s4, s10;
	s16 =	sand.u32 $0x1FFFFFF0, s11  }
0x185: {  	(v2sf) =	vpush v1, $0xD;
	[tilespmem:s19], [sflag:$0x4] =	stream.linear.gather [hbm4b:s15+s1], $0x80, $0x38;
	[tilespmem:$0x10400] =	vst v63  }
.Ltmp5:
0x186: {  	(v2sf) =	vpush v63, $0xD;
	s17 =	spop (v2sf);
	s20 =	sadd.s32 s3, s16;
	(pc) =	sbr.rel @p1 .LBB2_5-.Ltmp5, $4  }
0x187: {  	(v2sf) =	vpush v1, $0xE;
	s21 =	sand.u32 $0x1FFFFFF0, s17;
	s22 =	spop (v2sf);
	s30 =	rddreg [dreg:$0x8]  }
0x188: {  	(v2sf) =	vpush v63, $0xE;
	[tilespmem:s25], [sflag:$0x3] =	stream.linear.gather [hbm4b:s20+s1], $0x80, $0x38;
	[tilespmem:$0x10400] =	vst v63  }
0x189: {  	(v2sf) =	vpush v1, $0xF;
	s26 =	sadd.s32 s4, s21;
	s5 =	sand.u32 $0x1FFFFFF0, s22;
	s6 =	spop (v2sf)  }
0x18a: {  	(v2sf) =	vpush v63, $0xF;
	[tilespmem:s30], [sflag:$0x4] =	stream.linear.gather [hbm4b:s26+s1], $0x80, $0x38;
	[tilespmem:$0x10400] =	vst v63  }
0x18b: {  	_ =	sdelay $0x4  }
0x18c: {  	s5 =	sadd.s32 s3, s5;
	s6 =	sand.u32 $0x1FFFFFF0, s6  }
0x18d: {  	[tilespmem:s2], [sflag:$0x3] =	stream.linear.gather [hbm4b:s5+s1], $0x80, $0x38;
	[tilespmem:$0x10400] =	vst v63  }
0x18e: {  	s28 =	sadd.s32 s4, s6  }
0x18f: {  	[tilespmem:s12], [sflag:$0x4] =	stream.linear.gather [hbm4b:s28+s1], $0x80, $0x38;
	[tilespmem:$0x10400] =	vst v63  }
0x190: {  	s7 =	spop (v2sf)  }
0x191: {  	s29 =	sand.u32 $0x1FFFFFF0, s7;
	s30 =	spop (v2sf)  }
0x192: {  	s5 =	sadd.s32 s3, s29;
	s7 =	sand.u32 $0x1FFFFFF0, s30;
	s8 =	spop (v2sf)  }
0x193: {  	[tilespmem:s13], [sflag:$0x3] =	stream.linear.gather [hbm4b:s5+s1], $0x80, $0x38;
	[tilespmem:$0x10400] =	vst v63  }
0x194: {  	s9 =	sadd.s32 s4, s7;
	s10 =	sand.u32 $0x1FFFFFF0, s8;
	s11 =	spop (v2sf)  }
0x195: {  	[tilespmem:s18], [sflag:$0x4] =	stream.linear.gather [hbm4b:s9+s1], $0x80, $0x38;
	[tilespmem:$0x10400] =	vst v63  }
0x196: {  	s12 =	sadd.s32 s3, s10;
	s13 =	sand.u32 $0x1FFFFFF0, s11;
	s14 =	spop (v2sf)  }
0x197: {  	[tilespmem:s0], [sflag:$0x3] =	stream.linear.gather [hbm4b:s12+s1], $0x80, $0x38;
	[tilespmem:$0x10400] =	vst v63  }
0x198: {  	s15 =	sadd.s32 s4, s13;
	s16 =	sand.u32 $0x1FFFFFF0, s14;
	s17 =	spop (v2sf)  }
0x199: {  	[tilespmem:s31], [sflag:$0x4] =	stream.linear.gather [hbm4b:s15+s1], $0x80, $0x38;
	[tilespmem:$0x10400] =	vst v63  }
0x19a: {  	s18 =	sadd.s32 $0x8B80, s23;
	s2 =	sadd.s32 s3, s16;
	s5 =	sand.u32 $0x1FFFFFF0, s17  }
0x19b: {  	[tilespmem:s18], [sflag:$0x3] =	stream.linear.gather [hbm4b:s2+s1], $0x80, $0x38;
	[tilespmem:$0x10400] =	vst v63  }
0x19c: {  	s19 =	sadd.s32 $0xCB80, s23;
	s21 =	simm.s32 $0x1;
	s20 =	sadd.s32 s4, s5  }
0x19d: {  	[tilespmem:s19], [sflag:$0x4] =	stream.linear.gather [hbm4b:s20+s1], $0x80, $0x38;
	[tilespmem:$0x10400] =	vst v63  }
0x19e: {  	_ =	swait.ge [sflag:s21], $0x4000  }
0x19f: {  	[sflag:s21] =	ssyncset.done $0x0  }
0x1a0: {  	s22 =	simm.s32 $0x2;
	[sflag:s21] =	ssyncadd.s32 $0xFFFFC000  }
0x1a1: {  	_ =	swait.ge [sflag:s22], $0x4000  }
0x1a2: {  	s23 =	sld [smem:$0x7F5]  }
0x1a3: {  	s24 =	sld [smem:$0x7FC]  }
0x1a4: {  	s25 =	sld [smem:$0x7F8]  }
0x1a5: {  	s26 =	simm.s32 $0x0;
	s0 =	sshll.u32 s23, $0xC  }
0x1a6: {  	s28 =	simm.s32 $0x400;
	[sflag:s22] =	ssyncset.done $0x0;
	s0 =	sor.u32 s24, s0  }
0x1a7: {  	s29 =	simm.s32 $0x5;
	[sflag:s22] =	ssyncadd.s32 $0xFFFFC000;
	s2 =	sadd.s32 s25, s0  }
0x1a8: {  	[hbm4b:s2+s26] =	stream.linear.scatter [tilespmem:s28], [sflag:$0x5], $0x4000, $0x38;
	[tilespmem:$0x10400] =	vst v63  }
0x1a9: {  	_ =	swait.ge [sflag:s29], $0x4000  }
0x1aa: {  	s30 =	sld [smem:$0x7F9];
	_ =	sdelay $0x1  }
0x1ab: {  	s31 =	simm.s32 $0x4400;
	[sflag:s29] =	ssyncset.done $0x0  }
.Ltmp6:
0x1ac: {  	[sflag:s29] =	ssyncadd.s32 $0xFFFFC000;
	s0 =	sadd.s32 s30, s0;
	(pc) =	sbr.rel @!p0 .LBB2_10-.Ltmp6, $4  }
0x1ad: {  	[hbm4b:s0+s26] =	stream.linear.scatter [tilespmem:s31], [sflag:$0x5], $0x4000, $0x38;
	[tilespmem:$0x10400] =	vst v63  }
0x1ae: {  	_ =	swait.ge [sflag:s29], $0x4000  }
0x1af: {  	[sflag:s29] =	ssyncset.done $0x0  }
0x1b0: {  	[sflag:s29] =	ssyncadd.s32 $0xFFFFC000  }
0x1b1: {  	s0 =	simm.s32 $0x100  }
0x1b2: {  	s25 =	simm.s32 $0x300;
	v0 =	vld [tilespmem:s0+$0x0]  }
0x1b3: {  	v2 =	vld [tilespmem:s25+$0x0];
	_ =	sdelay $0x3  }
0x1b4: {  	v1 =	vshll.u32 v0, $0x4  }
0x1b5: {  	v63 =	vshll.u32 v2, $0x4;
	(v2sf) =	vpush v1, $0x0  }
0x1b6: {  	(v2sf) =	vpush v63, $0x0  }
0x1b7: {  	(v2sf) =	vpush v1, $0x1;
	_ =	sdelay $0x1  }
0x1b8: {  	(v2sf) =	vpush v63, $0x1  }
0x1b9: {  	(v2sf) =	vpush v1, $0x2;
	_ =	sdelay $0x1  }
0x1ba: {  	(v2sf) =	vpush v63, $0x2;
	_ =	sdelay $0x1  }
0x1bb: {  	(v2sf) =	vpush v1, $0x3  }
0x1bc: {  	s23 =	simm.s32 $0x2000  }
0x1bd: {  	s22 =	simm.s32 $0x0;
	s6 =	simm.s32 $0x4400;
	s5 =	simm.s32 $0x680  }
0x1be: {  	s2 =	simm.s32 $0x880;
	s7 =	simm.s32 $0x400;
	s9 =	simm.s32 $0x600  }
0x1bf: {  	s10 =	simm.s32 $0x580;
	s13 =	simm.s32 $0x4480;
	s15 =	simm.s32 $0x500  }
0x1c0: {  	s18 =	simm.s32 $0x4500;
	s30 =	simm.s32 $0x4A80;
	s28 =	simm.s32 $0x310  }
0x1c1: {  	s29 =	simm.s32 $0x110;
	s0 =	simm.s32 $0x4900;
	s8 =	spop (v2sf);
	(v2sf) =	vpush v63, $0x3  }
0x1c2: {  	s25 =	simm.s32 $0x4600;
	s8 =	sand.u32 $0x1FFFFFF0, s8;
	s11 =	spop (v2sf)  }
0x1c3: {  	(v2sf) =	vpush v1, $0x4;
	s8 =	sadd.s32 s3, s8;
	s26 =	sand.u32 $0x1FFFFFF0, s11;
	s31 =	spop (v2sf)  }
0x1c4: {  	(v2sf) =	vpush v63, $0x4;
	[tilespmem:s7], [sflag:$0x1] =	stream.linear.gather [hbm4b:s8+s1], $0x80, $0x38;
	[tilespmem:$0x10400] =	vst v63  }
0x1c5: {  	s7 =	simm.s32 $0x4580;
	s11 =	sand.u32 $0x1FFFFFF0, s31;
	s12 =	spop (v2sf)  }
0x1c6: {  	s8 =	sadd.s32 s4, s26;
	(v2sf) =	vpush v1, $0x5;
	s11 =	sadd.s32 s3, s11;
	s14 =	spop (v2sf)  }
0x1c7: {  	(v2sf) =	vpush v63, $0x5;
	[tilespmem:s6], [sflag:$0x2] =	stream.linear.gather [hbm4b:s8+s1], $0x80, $0x38;
	[tilespmem:$0x10400] =	vst v63  }
0x1c8: {  	s12 =	sand.u32 $0x1FFFFFF0, s12;
	s8 =	simm.s32 $0x480;
	s16 =	spop (v2sf)  }
0x1c9: {  	[tilespmem:s8], [sflag:$0x1] =	stream.linear.gather [hbm4b:s11+s1], $0x80, $0x38;
	[tilespmem:$0x10400] =	vst v63  }
0x1ca: {  	s17 =	spop (v2sf);
	s11 =	sadd.s32 s4, s12;
	s8 =	sand.u32 $0x1FFFFFF0, s14  }
0x1cb: {  	(v2sf) =	vpush v1, $0x6;
	[tilespmem:s13], [sflag:$0x2] =	stream.linear.gather [hbm4b:s11+s1], $0x80, $0x38;
	[tilespmem:$0x10400] =	vst v63  }
0x1cc: {  	s20 =	sand.u32 $0x1FFFFFF0, s17;
	s8 =	sadd.s32 s3, s8;
	s11 =	sand.u32 $0x1FFFFFF0, s16  }
0x1cd: {  	(v2sf) =	vpush v63, $0x6;
	[tilespmem:s15], [sflag:$0x1] =	stream.linear.gather [hbm4b:s8+s1], $0x80, $0x38;
	[tilespmem:$0x10400] =	vst v63  }
0x1ce: {  	s12 =	simm.s32 $0x4A00;
	s24 =	sadd.s32 s3, s20;
	s19 =	sadd.s32 s4, s11  }
0x1cf: {  	[tilespmem:s18], [sflag:$0x2] =	stream.linear.gather [hbm4b:s19+s1], $0x80, $0x38;
	[tilespmem:$0x10400] =	vst v63  }
0x1d0: {  	s13 =	simm.s32 $0xA80;
	s16 =	simm.s32 $0x4680;
	s21 =	spop (v2sf)  }
0x1d1: {  	(v2sf) =	vpush v1, $0x7;
	[tilespmem:s10], [sflag:$0x1] =	stream.linear.gather [hbm4b:s24+s1], $0x80, $0x38;
	[tilespmem:$0x10400] =	vst v63  }
0x1d2: {  	s18 =	simm.s32 $0x700;
	s6 =	sand.u32 $0x1FFFFFF0, s21;
	s26 =	spop (v2sf)  }
0x1d3: {  	(v2sf) =	vpush v63, $0x7;
	s6 =	sadd.s32 s4, s6;
	s10 =	sand.u32 $0x1FFFFFF0, s26;
	s31 =	spop (v2sf)  }
0x1d4: {  	(v2sf) =	vpush v1, $0x8;
	[tilespmem:s7], [sflag:$0x2] =	stream.linear.gather [hbm4b:s6+s1], $0x80, $0x38;
	[tilespmem:$0x10400] =	vst v63  }
0x1d5: {  	s14 =	sadd.s32 s3, s10;
	s15 =	sand.u32 $0x1FFFFFF0, s31;
	s17 =	spop (v2sf)  }
0x1d6: {  	(v2sf) =	vpush v63, $0x8;
	s7 =	sadd.s32 s4, s15;
	s19 =	sand.u32 $0x1FFFFFF0, s17;
	s20 =	spop (v2sf)  }
0x1d7: {  	(v2sf) =	vpush v1, $0x9;
	[tilespmem:s9], [sflag:$0x1] =	stream.linear.gather [hbm4b:s14+s1], $0x80, $0x38;
	[tilespmem:$0x10400] =	vst v63  }
0x1d8: {  	s17 =	simm.s32 $0x4780;
	s8 =	sadd.s32 s3, s19;
	s9 =	sand.u32 $0x1FFFFFF0, s20  }
0x1d9: {  	[tilespmem:s25], [sflag:$0x2] =	stream.linear.gather [hbm4b:s7+s1], $0x80, $0x38;
	[tilespmem:$0x10400] =	vst v63  }
0x1da: {  	s21 =	spop (v2sf);
	s14 =	simm.s32 $0x780;
	s19 =	simm.s32 $0x800  }
0x1db: {  	(v2sf) =	vpush v63, $0x9;
	[tilespmem:s5], [sflag:$0x1] =	stream.linear.gather [hbm4b:s8+s1], $0x80, $0x38;
	[tilespmem:$0x10400] =	vst v63  }
0x1dc: {  	s24 =	sadd.s32 s4, s9;
	s26 =	spop (v2sf);
	s25 =	sand.u32 $0x1FFFFFF0, s21  }
0x1dd: {  	(v2sf) =	vpush v1, $0xA;
	[tilespmem:s16], [sflag:$0x2] =	stream.linear.gather [hbm4b:s24+s1], $0x80, $0x38;
	[tilespmem:$0x10400] =	vst v63  }
0x1de: {  	s9 =	simm.s32 $0x4700;
	s6 =	sand.u32 $0x1FFFFFF0, s26;
	s31 =	sadd.s32 s3, s25  }
0x1df: {  	(v2sf) =	vpush v63, $0xA;
	[tilespmem:s18], [sflag:$0x1] =	stream.linear.gather [hbm4b:s31+s1], $0x80, $0x38;
	[tilespmem:$0x10400] =	vst v63  }
0x1e0: {  	s6 =	sadd.s32 s4, s6;
	s5 =	simm.s32 $0x4980;
	s10 =	spop (v2sf)  }
0x1e1: {  	(v2sf) =	vpush v1, $0xB;
	[tilespmem:s9], [sflag:$0x2] =	stream.linear.gather [hbm4b:s6+s1], $0x80, $0x38;
	[tilespmem:$0x10400] =	vst v63  }
0x1e2: {  	s24 =	simm.s32 $0x4800;
	s8 =	sand.u32 $0x1FFFFFF0, s10;
	s11 =	spop (v2sf)  }
0x1e3: {  	s31 =	simm.s32 $0x4880;
	(v2sf) =	vpush v63, $0xB;
	s15 =	sadd.s32 s3, s8;
	s18 =	spop (v2sf)  }
0x1e4: {  	[tilespmem:s14], [sflag:$0x1] =	stream.linear.gather [hbm4b:s15+s1], $0x80, $0x38;
	[tilespmem:$0x10400] =	vst v63  }
0x1e5: {  	s10 =	simm.s32 $0x900;
	s16 =	sand.u32 $0x1FFFFFF0, s11;
	s20 =	spop (v2sf)  }
0x1e6: {  	s8 =	sadd.s32 s4, s16;
	s7 =	sand.u32 $0x1FFFFFF0, s18;
	s21 =	spop (v2sf)  }
0x1e7: {  	(v2sf) =	vpush v1, $0xC;
	[tilespmem:s17], [sflag:$0x2] =	stream.linear.gather [hbm4b:s8+s1], $0x80, $0x38;
	[tilespmem:$0x10400] =	vst v63  }
0x1e8: {  	s7 =	sadd.s32 s3, s7;
	s8 =	sand.u32 $0x1FFFFFF0, s20;
	s26 =	sand.u32 $0x1FFFFFF0, s21  }
0x1e9: {  	(v2sf) =	vpush v63, $0xC;
	[tilespmem:s19], [sflag:$0x1] =	stream.linear.gather [hbm4b:s7+s1], $0x80, $0x38;
	[tilespmem:$0x10400] =	vst v63  }
0x1ea: {  	s9 =	spop (v2sf);
	s21 =	simm.s32 $0x980;
	s25 =	sadd.s32 s4, s8  }
0x1eb: {  	[tilespmem:s24], [sflag:$0x2] =	stream.linear.gather [hbm4b:s25+s1], $0x80, $0x38;
	[tilespmem:$0x10400] =	vst v63  }
0x1ec: {  	s8 =	sadd.s32 s3, s26;
	s11 =	spop (v2sf);
	s7 =	sand.u32 $0x1FFFFFF0, s9  }
0x1ed: {  	[tilespmem:s2], [sflag:$0x1] =	stream.linear.gather [hbm4b:s8+s1], $0x80, $0x38;
	[tilespmem:$0x10400] =	vst v63  }
0x1ee: {  	s14 =	spop (v2sf);
	s7 =	sadd.s32 s4, s7;
	s8 =	sand.u32 $0x1FFFFFF0, s11  }
0x1ef: {  	[tilespmem:s31], [sflag:$0x2] =	stream.linear.gather [hbm4b:s7+s1], $0x80, $0x38;
	[tilespmem:$0x10400] =	vst v63  }
0x1f0: {  	s16 =	sand.u32 $0x1FFFFFF0, s14;
	s15 =	sadd.s32 s3, s8;
	s17 =	spop (v2sf)  }
0x1f1: {  	[tilespmem:s10], [sflag:$0x1] =	stream.linear.gather [hbm4b:s15+s1], $0x80, $0x38;
	[tilespmem:$0x10400] =	vst v63  }
0x1f2: {  	s18 =	sadd.s32 s4, s16;
	s19 =	sand.u32 $0x1FFFFFF0, s17;
	s20 =	spop (v2sf)  }
0x1f3: {  	(v2sf) =	vpush v1, $0xD;
	[tilespmem:s0], [sflag:$0x2] =	stream.linear.gather [hbm4b:s18+s1], $0x80, $0x38;
	[tilespmem:$0x10400] =	vst v63  }
0x1f4: {  	s2 =	simm.s32 $0xA00;
	(v2sf) =	vpush v63, $0xD;
	s24 =	sadd.s32 s3, s19;
	s25 =	sand.u32 $0x1FFFFFF0, s20  }
0x1f5: {  	(v2sf) =	vpush v1, $0xE;
	[tilespmem:s21], [sflag:$0x1] =	stream.linear.gather [hbm4b:s24+s1], $0x80, $0x38;
	[tilespmem:$0x10400] =	vst v63  }
0x1f6: {  	s0 =	simm.s32 $0xB00;
	s26 =	sadd.s32 s4, s25;
	(v2sf) =	vpush v63, $0xE;
	s31 =	spop (v2sf)  }
0x1f7: {  	(v2sf) =	vpush v1, $0xF;
	[tilespmem:s5], [sflag:$0x2] =	stream.linear.gather [hbm4b:s26+s1], $0x80, $0x38;
	[tilespmem:$0x10400] =	vst v63  }
0x1f8: {  	s19 =	simm.s32 $0x4B00;
	s6 =	spop (v2sf);
	(v2sf) =	vpush v63, $0xF;
	s5 =	sand.u32 $0x1FFFFFF0, s31  }
.LBB2_8:
0x1f9: {  	_ =	sdelay $0x4  }
0x1fa: {  	s5 =	sadd.s32 s3, s5;
	s6 =	sand.u32 $0x1FFFFFF0, s6  }
0x1fb: {  	[tilespmem:s2], [sflag:$0x1] =	stream.linear.gather [hbm4b:s5+s1], $0x80, $0x38;
	[tilespmem:$0x10400] =	vst v63  }
0x1fc: {  	s11 =	sadd.s32 s4, s6  }
0x1fd: {  	[tilespmem:s12], [sflag:$0x2] =	stream.linear.gather [hbm4b:s11+s1], $0x80, $0x38;
	[tilespmem:$0x10400] =	vst v63  }
0x1fe: {  	s7 =	spop (v2sf)  }
0x1ff: {  	s14 =	sand.u32 $0x1FFFFFF0, s7;
	s15 =	spop (v2sf)  }
0x200: {  	s16 =	sadd.s32 s3, s14;
	s17 =	sand.u32 $0x1FFFFFF0, s15;
	s18 =	spop (v2sf)  }
0x201: {  	[tilespmem:s13], [sflag:$0x1] =	stream.linear.gather [hbm4b:s16+s1], $0x80, $0x38;
	[tilespmem:$0x10400] =	vst v63  }
0x202: {  	s20 =	sadd.s32 s4, s17;
	s21 =	sand.u32 $0x1FFFFFF0, s18;
	s24 =	spop (v2sf)  }
0x203: {  	[tilespmem:s30], [sflag:$0x2] =	stream.linear.gather [hbm4b:s20+s1], $0x80, $0x38;
	[tilespmem:$0x10400] =	vst v63  }
0x204: {  	s25 =	sadd.s32 s3, s21;
	s26 =	sand.u32 $0x1FFFFFF0, s24;
	s31 =	spop (v2sf)  }
0x205: {  	[tilespmem:s0], [sflag:$0x1] =	stream.linear.gather [hbm4b:s25+s1], $0x80, $0x38;
	[tilespmem:$0x10400] =	vst v63  }
0x206: {  	s5 =	sadd.s32 s4, s26;
	s6 =	sand.u32 $0x1FFFFFF0, s31;
	s7 =	spop (v2sf)  }
0x207: {  	[tilespmem:s19], [sflag:$0x2] =	stream.linear.gather [hbm4b:s5+s1], $0x80, $0x38;
	[tilespmem:$0x10400] =	vst v63  }
0x208: {  	s8 =	sadd.s32 $0xB80, s22;
	s2 =	sadd.s32 s3, s6;
	s5 =	sand.u32 $0x1FFFFFF0, s7  }
0x209: {  	[tilespmem:s8], [sflag:$0x1] =	stream.linear.gather [hbm4b:s2+s1], $0x80, $0x38;
	[tilespmem:$0x10400] =	vst v63  }
0x20a: {  	s9 =	sadd.s32 $0x4B80, s22;
	s10 =	sadd.s32 s4, s5  }
0x20b: {  	[tilespmem:s9], [sflag:$0x2] =	stream.linear.gather [hbm4b:s10+s1], $0x80, $0x38;
	[tilespmem:$0x10400] =	vst v63  }
0x20c: {  	v0 =	vld [tilespmem:s29+$0x0]  }
0x20d: {  	v2 =	vld [tilespmem:s28+$0x0];
	_ =	sdelay $0x3  }
0x20e: {  	v1 =	vshll.u32 v0, $0x4  }
0x20f: {  	s11 =	smov.u32 s23;
	v63 =	vshll.u32 v2, $0x4;
	(v2sf) =	vpush v1, $0x0  }
0x210: {  	s22 =	sshra.s32 s11, $0x2;
	(v2sf) =	vpush v63, $0x0  }
0x211: {  	p1 =	sne.s32 s23, $0xE000;
	s12 =	sadd.s32 $0x4900, s22;
	(v2sf) =	vpush v1, $0x1  }
0x212: {  	s23 =	sadd.s32 $0x2000, s23;
	s11 =	sadd.s32 $0x4580, s22;
	[dreg:$0x6] =	wrdreg s12  }
0x213: {  	s12 =	sadd.s32 $0x4A00, s22;
	s14 =	sadd.s32 $0x4980, s22;
	s15 =	sadd.s32 $0x4880, s22;
	(v2sf) =	vpush v63, $0x1  }
0x214: {  	s18 =	sadd.s32 $0x680, s22;
	s13 =	sadd.s32 $0xA80, s22;
	[dreg:$0x9] =	wrdreg s14  }
0x215: {  	s17 =	sadd.s32 $0x4700, s22;
	[dreg:$0x13] =	wrdreg s15;
	s16 =	sadd.s32 $0x900, s22;
	(v2sf) =	vpush v1, $0x2  }
0x216: {  	s14 =	sadd.s32 $0x480, s22;
	s21 =	sadd.s32 $0x4600, s22;
	[dreg:$0x16] =	wrdreg s13  }
0x217: {  	s24 =	sadd.s32 $0x4500, s22;
	[dreg:$0x10] =	wrdreg s16;
	s16 =	sadd.s32 $0x780, s22;
	(v2sf) =	vpush v63, $0x2  }
0x218: {  	s13 =	sadd.s32 $0x4780, s22;
	s20 =	sadd.s32 $0x400, s22;
	s0 =	sadd.s32 $0x880, s22  }
0x219: {  	s31 =	sadd.s32 $0x580, s22;
	s25 =	sadd.s32 $0x800, s22;
	[dreg:$0xd] =	wrdreg s0;
	(v2sf) =	vpush v1, $0x3  }
0x21a: {  	s30 =	sadd.s32 $0x4A80, s22;
	s6 =	sadd.s32 $0x4680, s22;
	[dreg:$0x1e] =	wrdreg s25  }
0x21b: {  	s0 =	sadd.s32 $0xB00, s22;
	s25 =	sadd.s32 $0x980, s22;
	s7 =	sadd.s32 $0x500, s22;
	(v2sf) =	vpush v63, $0x3  }
0x21c: {  	s19 =	sadd.s32 $0x4800, s22;
	[dreg:$0x15] =	wrdreg s25;
	s5 =	sadd.s32 $0x700, s22  }
0x21d: {  	[dreg:$0x1b] =	wrdreg s19;
	s19 =	sadd.s32 $0x4B00, s22;
	s8 =	sadd.s32 $0x4400, s22;
	(v2sf) =	vpush v1, $0x4  }
0x21e: {  	s2 =	sadd.s32 $0xA00, s22;
	s9 =	sadd.s32 $0x600, s22;
	s15 =	spop (v2sf)  }
0x21f: {  	s10 =	sadd.s32 $0x4480, s22;
	s15 =	sand.u32 $0x1FFFFFF0, s15;
	s26 =	spop (v2sf);
	(v2sf) =	vpush v63, $0x4  }
0x220: {  	s15 =	sadd.s32 s3, s15;
	s25 =	sand.u32 $0x1FFFFFF0, s26;
	s26 =	spop (v2sf)  }
0x221: {  	(v2sf) =	vpush v1, $0x5;
	[tilespmem:s20], [sflag:$0x1] =	stream.linear.gather [hbm4b:s15+s1], $0x80, $0x38;
	[tilespmem:$0x10400] =	vst v63  }
0x222: {  	s20 =	sadd.s32 s4, s25;
	s25 =	sand.u32 $0x1FFFFFF0, s26;
	s26 =	spop (v2sf);
	(v2sf) =	vpush v63, $0x5  }
0x223: {  	[tilespmem:s8], [sflag:$0x2] =	stream.linear.gather [hbm4b:s20+s1], $0x80, $0x38;
	[tilespmem:$0x10400] =	vst v63  }
0x224: {  	s20 =	sadd.s32 s3, s25;
	s25 =	sand.u32 $0x1FFFFFF0, s26;
	s26 =	spop (v2sf);
	(v2sf) =	vpush v1, $0x6  }
0x225: {  	[tilespmem:s14], [sflag:$0x1] =	stream.linear.gather [hbm4b:s20+s1], $0x80, $0x38;
	[tilespmem:$0x10400] =	vst v63  }
0x226: {  	s15 =	sadd.s32 s4, s25;
	s25 =	sand.u32 $0x1FFFFFF0, s26;
	s26 =	spop (v2sf);
	(v2sf) =	vpush v63, $0x6  }
0x227: {  	[tilespmem:s10], [sflag:$0x2] =	stream.linear.gather [hbm4b:s15+s1], $0x80, $0x38;
	[tilespmem:$0x10400] =	vst v63  }
0x228: {  	s14 =	sand.u32 $0x1FFFFFF0, s26;
	s10 =	sadd.s32 s3, s25;
	s15 =	spop (v2sf)  }
0x229: {  	(v2sf) =	vpush v1, $0x7;
	[tilespmem:s7], [sflag:$0x1] =	stream.linear.gather [hbm4b:s10+s1], $0x80, $0x38;
	[tilespmem:$0x10400] =	vst v63  }
0x22a: {  	s20 =	sadd.s32 s4, s14;
	s25 =	sand.u32 $0x1FFFFFF0, s15;
	s26 =	spop (v2sf)  }
0x22b: {  	(v2sf) =	vpush v63, $0x7;
	[tilespmem:s24], [sflag:$0x2] =	stream.linear.gather [hbm4b:s20+s1], $0x80, $0x38;
	[tilespmem:$0x10400] =	vst v63  }
0x22c: {  	s8 =	sadd.s32 s3, s25;
	s10 =	sand.u32 $0x1FFFFFF0, s26;
	s14 =	spop (v2sf)  }
0x22d: {  	(v2sf) =	vpush v1, $0x8;
	[tilespmem:s31], [sflag:$0x1] =	stream.linear.gather [hbm4b:s8+s1], $0x80, $0x38;
	[tilespmem:$0x10400] =	vst v63  }
0x22e: {  	s28 =	sadd.s32 $0x10, s28;
	s15 =	sadd.s32 s4, s10;
	s24 =	spop (v2sf)  }
0x22f: {  	[tilespmem:s11], [sflag:$0x2] =	stream.linear.gather [hbm4b:s15+s1], $0x80, $0x38;
	[tilespmem:$0x10400] =	vst v63  }
0x230: {  	s29 =	sadd.s32 $0x10, s29;
	s20 =	sand.u32 $0x1FFFFFF0, s14;
	s31 =	spop (v2sf)  }
0x231: {  	s25 =	sadd.s32 s3, s20;
	(v2sf) =	vpush v63, $0x8;
	s26 =	sand.u32 $0x1FFFFFF0, s24;
	s15 =	spop (v2sf)  }
0x232: {  	(v2sf) =	vpush v1, $0x9;
	[tilespmem:s9], [sflag:$0x1] =	stream.linear.gather [hbm4b:s25+s1], $0x80, $0x38;
	[tilespmem:$0x10400] =	vst v63  }
0x233: {  	s11 =	sadd.s32 s4, s26;
	s14 =	sand.u32 $0x1FFFFFF0, s31;
	s24 =	spop (v2sf)  }
0x234: {  	(v2sf) =	vpush v63, $0x9;
	[tilespmem:s21], [sflag:$0x2] =	stream.linear.gather [hbm4b:s11+s1], $0x80, $0x38;
	[tilespmem:$0x10400] =	vst v63  }
0x235: {  	s20 =	sadd.s32 s3, s14;
	s21 =	sand.u32 $0x1FFFFFF0, s15;
	s31 =	spop (v2sf)  }
0x236: {  	s26 =	sand.u32 $0x1FFFFFF0, s24;
	s25 =	sadd.s32 s4, s21;
	s10 =	sand.u32 $0x1FFFFFF0, s31  }
0x237: {  	[tilespmem:s18], [sflag:$0x1] =	stream.linear.gather [hbm4b:s20+s1], $0x80, $0x38;
	[tilespmem:$0x10400] =	vst v63  }
0x238: {  	(v2sf) =	vpush v1, $0xA;
	s8 =	sadd.s32 s3, s26;
	s14 =	sadd.s32 s4, s10;
	s11 =	spop (v2sf)  }
0x239: {  	[tilespmem:s6], [sflag:$0x2] =	stream.linear.gather [hbm4b:s25+s1], $0x80, $0x38;
	[tilespmem:$0x10400] =	vst v63  }
0x23a: {  	(v2sf) =	vpush v63, $0xA;
	s10 =	rddreg [dreg:$0x1e];
	s15 =	sand.u32 $0x1FFFFFF0, s11;
	s18 =	spop (v2sf)  }
0x23b: {  	[tilespmem:s5], [sflag:$0x1] =	stream.linear.gather [hbm4b:s8+s1], $0x80, $0x38;
	[tilespmem:$0x10400] =	vst v63  }
0x23c: {  	(v2sf) =	vpush v1, $0xB;
	s20 =	sadd.s32 s3, s15;
	s21 =	sand.u32 $0x1FFFFFF0, s18;
	s24 =	spop (v2sf)  }
0x23d: {  	[tilespmem:s17], [sflag:$0x2] =	stream.linear.gather [hbm4b:s14+s1], $0x80, $0x38;
	[tilespmem:$0x10400] =	vst v63  }
0x23e: {  	s25 =	sadd.s32 s4, s21;
	s26 =	sand.u32 $0x1FFFFFF0, s24;
	s21 =	rddreg [dreg:$0xd]  }
0x23f: {  	[tilespmem:s16], [sflag:$0x1] =	stream.linear.gather [hbm4b:s20+s1], $0x80, $0x38;
	[tilespmem:$0x10400] =	vst v63  }
0x240: {  	(v2sf) =	vpush v63, $0xB;
	s6 =	sadd.s32 s3, s26;
	s31 =	spop (v2sf);
	s16 =	rddreg [dreg:$0x1b]  }
0x241: {  	(v2sf) =	vpush v1, $0xC;
	s7 =	sand.u32 $0x1FFFFFF0, s31;
	s9 =	spop (v2sf);
	s31 =	rddreg [dreg:$0x13]  }
0x242: {  	[tilespmem:s13], [sflag:$0x2] =	stream.linear.gather [hbm4b:s25+s1], $0x80, $0x38;
	[tilespmem:$0x10400] =	vst v63  }
0x243: {  	(v2sf) =	vpush v63, $0xC;
	s13 =	rddreg [dreg:$0x16];
	s14 =	sand.u32 $0x1FFFFFF0, s9;
	s15 =	spop (v2sf)  }
0x244: {  	[tilespmem:s10], [sflag:$0x1] =	stream.linear.gather [hbm4b:s6+s1], $0x80, $0x38;
	[tilespmem:$0x10400] =	vst v63  }
0x245: {  	s11 =	sadd.s32 s4, s7;
	s17 =	sadd.s32 s3, s14;
	s18 =	sand.u32 $0x1FFFFFF0, s15  }
0x246: {  	[tilespmem:s16], [sflag:$0x2] =	stream.linear.gather [hbm4b:s11+s1], $0x80, $0x38;
	[tilespmem:$0x10400] =	vst v63  }
0x247: {  	s14 =	rddreg [dreg:$0x10];
	s20 =	spop (v2sf);
	s24 =	sadd.s32 s4, s18  }
0x248: {  	[tilespmem:s21], [sflag:$0x1] =	stream.linear.gather [hbm4b:s17+s1], $0x80, $0x38;
	[tilespmem:$0x10400] =	vst v63  }
0x249: {  	s18 =	rddreg [dreg:$0x6];
	s25 =	sand.u32 $0x1FFFFFF0, s20;
	s26 =	spop (v2sf)  }
0x24a: {  	[tilespmem:s31], [sflag:$0x2] =	stream.linear.gather [hbm4b:s24+s1], $0x80, $0x38;
	[tilespmem:$0x10400] =	vst v63  }
0x24b: {  	s9 =	sadd.s32 s3, s25;
	s10 =	sand.u32 $0x1FFFFFF0, s26;
	s11 =	spop (v2sf)  }
0x24c: {  	[tilespmem:s14], [sflag:$0x1] =	stream.linear.gather [hbm4b:s9+s1], $0x80, $0x38;
	[tilespmem:$0x10400] =	vst v63  }
0x24d: {  	s25 =	rddreg [dreg:$0x15];
	s15 =	sadd.s32 s4, s10;
	s16 =	sand.u32 $0x1FFFFFF0, s11  }
0x24e: {  	(v2sf) =	vpush v1, $0xD;
	[tilespmem:s18], [sflag:$0x2] =	stream.linear.gather [hbm4b:s15+s1], $0x80, $0x38;
	[tilespmem:$0x10400] =	vst v63  }
.Ltmp7:
0x24f: {  	(v2sf) =	vpush v63, $0xD;
	s17 =	spop (v2sf);
	s20 =	sadd.s32 s3, s16;
	(pc) =	sbr.rel @p1 .LBB2_8-.Ltmp7, $4  }
0x250: {  	(v2sf) =	vpush v1, $0xE;
	s21 =	sand.u32 $0x1FFFFFF0, s17;
	s24 =	spop (v2sf);
	s31 =	rddreg [dreg:$0x9]  }
0x251: {  	(v2sf) =	vpush v63, $0xE;
	[tilespmem:s25], [sflag:$0x1] =	stream.linear.gather [hbm4b:s20+s1], $0x80, $0x38;
	[tilespmem:$0x10400] =	vst v63  }
0x252: {  	(v2sf) =	vpush v1, $0xF;
	s26 =	sadd.s32 s4, s21;
	s5 =	sand.u32 $0x1FFFFFF0, s24;
	s6 =	spop (v2sf)  }
0x253: {  	(v2sf) =	vpush v63, $0xF;
	[tilespmem:s31], [sflag:$0x2] =	stream.linear.gather [hbm4b:s26+s1], $0x80, $0x38;
	[tilespmem:$0x10400] =	vst v63  }
0x254: {  	_ =	sdelay $0x4  }
0x255: {  	s5 =	sadd.s32 s3, s5;
	s6 =	sand.u32 $0x1FFFFFF0, s6  }
0x256: {  	[tilespmem:s2], [sflag:$0x1] =	stream.linear.gather [hbm4b:s5+s1], $0x80, $0x38;
	[tilespmem:$0x10400] =	vst v63  }
0x257: {  	s9 =	sadd.s32 s4, s6  }
0x258: {  	[tilespmem:s12], [sflag:$0x2] =	stream.linear.gather [hbm4b:s9+s1], $0x80, $0x38;
	[tilespmem:$0x10400] =	vst v63  }
0x259: {  	s7 =	spop (v2sf)  }
0x25a: {  	s10 =	sand.u32 $0x1FFFFFF0, s7;
	s11 =	spop (v2sf)  }
0x25b: {  	s14 =	sadd.s32 s3, s10;
	s15 =	sand.u32 $0x1FFFFFF0, s11;
	s16 =	spop (v2sf)  }
0x25c: {  	[tilespmem:s13], [sflag:$0x1] =	stream.linear.gather [hbm4b:s14+s1], $0x80, $0x38;
	[tilespmem:$0x10400] =	vst v63  }
0x25d: {  	s17 =	sadd.s32 s4, s15;
	s18 =	sand.u32 $0x1FFFFFF0, s16;
	s20 =	spop (v2sf)  }
0x25e: {  	[tilespmem:s30], [sflag:$0x2] =	stream.linear.gather [hbm4b:s17+s1], $0x80, $0x38;
	[tilespmem:$0x10400] =	vst v63  }
0x25f: {  	s21 =	sadd.s32 s3, s18;
	s23 =	sand.u32 $0x1FFFFFF0, s20  }
0x260: {  	[tilespmem:s0], [sflag:$0x1] =	stream.linear.gather [hbm4b:s21+s1], $0x80, $0x38;
	[tilespmem:$0x10400] =	vst v63  }
0x261: {  	s24 =	spop (v2sf);
	s25 =	sadd.s32 s4, s23  }
0x262: {  	[tilespmem:s19], [sflag:$0x2] =	stream.linear.gather [hbm4b:s25+s1], $0x80, $0x38;
	[tilespmem:$0x10400] =	vst v63  }
.Ltmp8:
0x263: {  	s26 =	sand.u32 $0x1FFFFFF0, s24;
	s28 =	spop (v2sf);
	(pc) =	sbr.rel .LBB2_10-.Ltmp8, $4  }
0x264: {  	s29 =	sadd.s32 $0xB80, s22;
	s2 =	sadd.s32 s3, s26;
	s5 =	sand.u32 $0x1FFFFFF0, s28  }
0x265: {  	[tilespmem:s29], [sflag:$0x1] =	stream.linear.gather [hbm4b:s2+s1], $0x80, $0x38;
	[tilespmem:$0x10400] =	vst v63  }
0x266: {  	s30 =	sadd.s32 $0x4B80, s22;
	s31 =	sadd.s32 s4, s5  }
0x267: {  	[tilespmem:s30], [sflag:$0x2] =	stream.linear.gather [hbm4b:s31+s1], $0x80, $0x38;
	[tilespmem:$0x10400] =	vst v63  }
.LBB2_12:
0x268: {  	_ =	sfence.sel $0x180000  }
0x269: {  	[bflag:$0x0] =	sbarrier.arrive $0xFFFF  }
0x26a: {  	_ =	strace $0x90000047  }
0x26b: {  	s0 =	stileid.u32;
	[bflag:$0x2] =	sbarrier.arrive $0xFFFF  }
0x26c: {  	p0 =	sne.s32 s0, $0x0;
	s0 =	rddreg [dreg:$0x3]  }
0x26d: {  	s0 =	sadd.s32 @!p0 $0x100000, s0  }
0x26e: {  	[sflag:s0] =	ssyncadd.tile.s32 @!p0 $0x1;
	_ =	shalt  }
.Lfunc_end2:
_tile_overlayer_lowered:
.L_overlay_start_2:
0x26f: {  	(tag) =	ssettag $0x2  }
0x270: {  	s0 =	rddreg [dreg:$0x0];
	s2 =	stileid.u32  }
0x271: {  	s1 =	rddreg [dreg:$0x1];
	p0 =	sne.s32 s2, $0x0  }
0x272: {  	s3 =	rddreg [dreg:$0x2];
	[bflag:$0x3] =	sbarrier.arrive $0xFFFF;
	s2 =	simm.s32 @!p0 $0x1C05  }
0x273: {  	[timem:s3], [sflag:s2] =	dma.local @!p0 [hbm:s0], s1  }
0x274: {  	s0 =	simm.s32 @!p0 $0x5  }
0x275: {  	_ =	swait.ge @!p0 [sflag:s0], s1  }
0x276: {  	s1 =	ssub.s32 @!p0 $0x0, s1;
	[sflag:s0] =	ssyncset.done @!p0 $0x0  }
0x277: {  	[sflag:s0] =	ssyncadd.s32 @!p0 s1  }
0x278: {  	[bflag:$0x3] =	sbarrier.arrive $0xFFFF  }
0x279: {  	_ =	shalt  }

</sc_bundles>
